<compile_context>
chip_gen: v7x
topology: tpu7x:2x2x1
jax: 0.10.2.dev20260603
libtpu: 0.0.44.dev20260713+nightly
codegen_flags: <defaults>
</compile_context>

<pallas_src>
import functools

import jax
import jax.numpy as jnp
from jax import lax
from jax.experimental import pallas as pl
from jax.experimental.pallas import tpu as pltpu
from jax.experimental.pallas import tpu_sc as plsc

NC, NS = 2, 16
NW = NC * NS
CHUNK = 128



def _repack_body(d, d_pad, out_dtype, x_ref, out_ref):
    x = x_ref[...]
    g = 128 // d_pad
    h = x.shape[1] // g
    zpad = jnp.zeros((d_pad - d, h), jnp.float32)
    parts = []
    for q in range(g):
        parts.append(x[:, q * h:(q + 1) * h])
        parts.append(zpad)
    xs = jnp.concatenate(parts, axis=0)
    xs = xs.astype(out_dtype)
    out_ref[...] = jnp.transpose(xs)


def _repack(table_t, d_pad, block_c, out_dtype=jnp.float32):
    d, n = table_t.shape
    nb = pl.cdiv(n, block_c)
    g = 128 // d_pad
    out_rows = nb * (block_c // g)
    return pl.pallas_call(
        functools.partial(_repack_body, d, d_pad, out_dtype),
        grid=(nb,),
        in_specs=[pl.BlockSpec((d, block_c), lambda i: (0, i))],
        out_specs=pl.BlockSpec((block_c // g, 128), lambda i: (i, 0)),
        out_shape=jax.ShapeDtypeStruct((out_rows, 128), out_dtype),
        compiler_params=pltpu.CompilerParams(
            dimension_semantics=("parallel",)),
    )(table_t)


def _perm_rows(i, block_c, d_pad):
    g = 128 // d_pad
    if g == 1:
        return i
    h = block_c // g
    c = i // block_c
    r = i % block_c
    q = r // h
    m = r % h
    return (h * c + m) * g + q



def _sc_gather_body(dims, segs, n_out, *refs):
    n_tab = len(dims)
    tables = refs[:n_tab]
    idxs = refs[n_tab:2 * n_tab]
    outs = refs[2 * n_tab:2 * n_tab + n_out]
    idx_vs = refs[2 * n_tab + n_out:3 * n_tab + n_out]
    rows = refs[3 * n_tab + n_out:4 * n_tab + n_out]
    sems = refs[4 * n_tab + n_out:5 * n_tab + n_out]

    b_per_w = idx_vs[0].shape[0]
    n_chunks = b_per_w // CHUNK
    wid = lax.axis_index("s") * NC + lax.axis_index("c")
    base = wid * b_per_w

    nbufs = [r.shape[0] for r in rows]

    def fire(t, cch):
        return pltpu.async_copy(
            tables[t].at[idx_vs[t].at[pl.ds(cch * CHUNK, CHUNK)]],
            rows[t].at[cch % nbufs[t]], sems[t])

    for t in range(n_tab):
        pltpu.sync_copy(idxs[t].at[pl.ds(base, b_per_w)], idx_vs[t])
    cps = {}
    for t in range(n_tab):
        for cch in range(min(nbufs[t], n_chunks)):
            cps[(t, cch)] = fire(t, cch)
    for cch in range(n_chunks):
        for t in range(n_tab):
            cps.pop((t, cch)).wait()
            for (o, col, src, w) in segs[t]:
                src_ref = rows[t].at[cch % nbufs[t]]
                if (src, w) != (0, dims[t]):
                    src_ref = src_ref.at[:, pl.ds(src, w)]
                pltpu.sync_copy(
                    src_ref,
                    outs[o].at[pl.ds(base + cch * CHUNK, CHUNK),
                               pl.ds(col, w)])
            if cch + nbufs[t] < n_chunks:
                cps[(t, cch + nbufs[t])] = fire(t, cch + nbufs[t])


def _sc_gather(tables, idxs, segs, out_dtypes, tc_tiling=False):
    B = idxs[0].shape[0]
    n_out = len(out_dtypes)
    dims = tuple(t.shape[1] for t in tables)
    b_per_w = B // NW
    mesh = plsc.VectorSubcoreMesh(core_axis_name="c", subcore_axis_name="s")

    out_type = tuple(
        jax.ShapeDtypeStruct((B, 128), dt) for dt in out_dtypes)
    scratch = (
        [pltpu.VMEM((b_per_w,), jnp.int32) for _ in tables]
        + [pltpu.VMEM((1 if d >= 256 else 2, CHUNK, d), t.dtype)
           for t, d in zip(tables, dims)]
        + [pltpu.SemaphoreType.DMA for _ in tables]
    )
    kern = pl.kernel(
        functools.partial(_sc_gather_body, dims, segs, n_out),
        out_type=out_type,
        mesh=mesh,
        scratch_types=scratch,
        compiler_params=pltpu.CompilerParams(
            use_tc_tiling_on_sc=tc_tiling),
    )
    return kern(*tables, *idxs)



def _mlp_body(g0, g1, g2, g3, w0, w1, w2_, w3, b1, w2, b2, wo, bo, out):
    acc = jnp.dot(g0[...], w0[...], preferred_element_type=jnp.float32)
    acc += jnp.dot(g1[...], w1[...], preferred_element_type=jnp.float32)
    acc += jnp.dot(g2[...], w2_[...], preferred_element_type=jnp.float32)
    acc += jnp.dot(g3[...], w3[...], preferred_element_type=jnp.float32)
    h1 = jnp.maximum(acc + b1[...], 0.0)
    h2 = jnp.maximum(
        jnp.dot(h1, w2[...], preferred_element_type=jnp.float32)
        + b2[...], 0.0)
    out[...] = jnp.dot(h2, wo[...], preferred_element_type=jnp.float32) \
        + bo[...]


def _tc_mlp(gs, w1s, b1, W2, b2, Wo, bo, block_b=4096):
    B = gs[0].shape[0]
    nb = B // block_b

    def full(a):
        return pl.BlockSpec(a.shape, lambda i: (0,) * a.ndim)

    return pl.pallas_call(
        _mlp_body,
        grid=(nb,),
        in_specs=[pl.BlockSpec((block_b, 128), lambda i: (i, 0))
                  for _ in gs]
                 + [full(w) for w in w1s]
                 + [full(b1), full(W2), full(b2), full(Wo), full(bo)],
        out_specs=pl.BlockSpec((block_b, 1), lambda i: (i, 0)),
        out_shape=jax.ShapeDtypeStruct((B, 1), jnp.float32),
        compiler_params=pltpu.CompilerParams(
            dimension_semantics=("parallel",)),
    )(*gs, *w1s, b1, W2, b2, Wo, bo)


def kernel(x, cell_emb, assay_emb, p25_emb, p250_emb, p5k_emb,
           W1, b1, W2, b2, Wo, bo):
    x = x.astype(jnp.int32)
    B = x.shape[0]
    i_cell, i_assay, i25, i250, i5k = (x[:, j] for j in range(5))

    BC = 16384
    p25_r = _repack(p25_emb.T, 32, BC)
    p250_r = _repack(p250_emb.T, 64, BC)
    p5k_r = _repack(p5k_emb.T, 128, BC)

    p25_v = p25_r.reshape(-1, 32)
    p250_v = p250_r.reshape(-1, 64)

    ga0, ga1, gbf, g5k = _sc_gather(
        (assay_emb, p25_v, cell_emb, p250_v, p5k_r),
        (i_assay, _perm_rows(i25, BC, 32), i_cell,
         _perm_rows(i250, BC, 64), i5k),
        [[(0, 0, 0, 128), (1, 0, 128, 128)],
         [(2, 0, 0, 32)], [(2, 32, 0, 32)], [(2, 64, 0, 64)],
         [(3, 0, 0, 128)]],
        (jnp.float32,) * 4)

    w1c = W1[0:32]
    w1a = W1[32:288]
    w1p = W1[288:313]
    w1q = W1[313:353]
    w1r = W1[353:398]
    wbf = jnp.concatenate([
        jnp.pad(w1p, ((0, 7), (0, 0))),
        w1c,
        jnp.pad(w1q, ((0, 24), (0, 0))),
    ], axis=0)
    w5k = jnp.pad(w1r, ((0, 83), (0, 0)))

    return _tc_mlp((ga0, ga1, gbf, g5k),
                   (w1a[0:128], w1a[128:256], wbf, w5k),
                   b1.reshape(1, -1), W2, b2.reshape(1, -1),
                   Wo, bo.reshape(1, 1))

# --- scband reference (transcript-rebuilt; emitter-appended) ---
"""Pipeline reference for scband-encode-imputation-net-12635793785280 (READ-ONLY COPY).

The authoritative reference and input builder live on the scoring server;
editing this copy changes nothing except your own understanding.
"""

import jax, jax.numpy as jnp
import numpy as np


def setup_inputs(seed: int = 0) -> dict:
    key = jax.random.key(seed)
    ks = jax.random.split(key, 16)
    n_cells, n_assays = 51, 35
    n25, n250, n5k = 2_000_000, 200_000, 10_000
    d_cell, d_assay, d25, d250, d5k = 32, 256, 25, 40, 45
    B = 16384
    n_hidden = 256
    in_features = d_cell + d_assay + d25 + d250 + d5k  # 398

    cell_emb = jax.random.normal(ks[0], (n_cells, d_cell), dtype=jnp.float32)
    assay_emb = jax.random.normal(ks[1], (n_assays, d_assay), dtype=jnp.float32)
    p25_emb = jax.random.normal(ks[2], (n25, d25), dtype=jnp.float32)
    p250_emb = jax.random.normal(ks[3], (n250, d250), dtype=jnp.float32)
    p5k_emb = jax.random.normal(ks[4], (n5k, d5k), dtype=jnp.float32)

    x = jnp.stack([
        jax.random.randint(ks[5], (B,), 0, n_cells),
        jax.random.randint(ks[6], (B,), 0, n_assays),
        jax.random.randint(ks[7], (B,), 0, n25),
        jax.random.randint(ks[8], (B,), 0, n250),
        jax.random.randint(ks[9], (B,), 0, n5k),
    ], axis=1)

    W1 = jax.random.normal(ks[10], (in_features, n_hidden), dtype=jnp.float32) * 0.05
    b1 = jnp.zeros((n_hidden,), dtype=jnp.float32)
    W2 = jax.random.normal(ks[11], (n_hidden, n_hidden), dtype=jnp.float32) * 0.05
    b2 = jnp.zeros((n_hidden,), dtype=jnp.float32)
    Wo = jax.random.normal(ks[12], (n_hidden, 1), dtype=jnp.float32) * 0.05
    bo = jnp.zeros((1,), dtype=jnp.float32)

    return {
        'x': x,
        'cell_emb': cell_emb, 'assay_emb': assay_emb,
        'p25_emb': p25_emb, 'p250_emb': p250_emb, 'p5k_emb': p5k_emb,
        'W1': W1, 'b1': b1, 'W2': W2, 'b2': b2, 'Wo': Wo, 'bo': bo,
    }


def reference(x, cell_emb, assay_emb, p25_emb, p250_emb, p5k_emb, W1, b1, W2, b2, Wo, bo):
    # Five embedding gathers, concatenated along feature dim (matches torch forward).
    inputs = jnp.concatenate([
        jnp.take(cell_emb, x[:, 0], axis=0),
        jnp.take(assay_emb, x[:, 1], axis=0),
        jnp.take(p25_emb, x[:, 2], axis=0),
        jnp.take(p250_emb, x[:, 3], axis=0),
        jnp.take(p5k_emb, x[:, 4], axis=0),
    ], axis=1)
    h = jax.nn.relu(inputs @ W1 + b1)
    # dropout(p=0.5) is identity in eval/inference mode
    h = jax.nn.relu(h @ W2 + b2)
    out = h @ Wo + bo
    return out

if __name__ == "__main__":
    import jax
    _d = setup_inputs()
    print(jax.jit(kernel)(*tuple(_d.values())))

</pallas_src>

<mosaic_0001>
#map = affine_map<(d0, d1) -> (0, 0)>
#map1 = affine_map<(d0, d1) -> (0)>
module attributes {stable_mosaic.version = 14 : i64} {
  func.func @_sc_gather_body(%arg0: i32, %arg1: i32, %arg2: memref<35x256xf32, #tpu.memory_space<hbm>>, %arg3: memref<2015232x32xf32, #tpu.memory_space<hbm>>, %arg4: memref<51x32xf32, #tpu.memory_space<hbm>>, %arg5: memref<212992x64xf32, #tpu.memory_space<hbm>>, %arg6: memref<16384x128xf32, #tpu.memory_space<hbm>>, %arg7: memref<16384xi32, #tpu.memory_space<hbm>>, %arg8: memref<16384xi32, #tpu.memory_space<hbm>>, %arg9: memref<16384xi32, #tpu.memory_space<hbm>>, %arg10: memref<16384xi32, #tpu.memory_space<hbm>>, %arg11: memref<16384xi32, #tpu.memory_space<hbm>>, %arg12: memref<16384x128xf32, #tpu.memory_space<hbm>>, %arg13: memref<16384x128xf32, #tpu.memory_space<hbm>>, %arg14: memref<16384x128xf32, #tpu.memory_space<hbm>>, %arg15: memref<16384x128xf32, #tpu.memory_space<hbm>>, %arg16: memref<512xi32, #tpu.memory_space<vmem>>, %arg17: memref<512xi32, #tpu.memory_space<vmem>>, %arg18: memref<512xi32, #tpu.memory_space<vmem>>, %arg19: memref<512xi32, #tpu.memory_space<vmem>>, %arg20: memref<512xi32, #tpu.memory_space<vmem>>, %arg21: memref<1x128x256xf32, #tpu.memory_space<vmem>>, %arg22: memref<2x128x32xf32, #tpu.memory_space<vmem>>, %arg23: memref<2x128x32xf32, #tpu.memory_space<vmem>>, %arg24: memref<2x128x64xf32, #tpu.memory_space<vmem>>, %arg25: memref<2x128x128xf32, #tpu.memory_space<vmem>>, %arg26: memref<!tpu.dma_semaphore, #tpu.memory_space<semaphore_mem>>, %arg27: memref<!tpu.dma_semaphore, #tpu.memory_space<semaphore_mem>>, %arg28: memref<!tpu.dma_semaphore, #tpu.memory_space<semaphore_mem>>, %arg29: memref<!tpu.dma_semaphore, #tpu.memory_space<semaphore_mem>>, %arg30: memref<!tpu.dma_semaphore, #tpu.memory_space<semaphore_mem>>) attributes {dimension_semantics = [#tpu.dimension_semantics<core_parallel>, #tpu.dimension_semantics<subcore_parallel>], iteration_bounds = array<i64: 2, 16>, scalar_prefetch = 0 : i64, scratch_operands = 15 : i64, tpu.core_type = #tpu.core_type<sc_vector_subcore>, window_params = [{transform_indices = #map}, {transform_indices = #map}, {transform_indices = #map}, {transform_indices = #map}, {transform_indices = #map}, {transform_indices = #map1}, {transform_indices = #map1}, {transform_indices = #map1}, {transform_indices = #map1}, {transform_indices = #map1}, {transform_indices = #map}, {transform_indices = #map}, {transform_indices = #map}, {transform_indices = #map}]} {
    %mul3A = arith.constant 2 : i32
    %mul3A_0 = arith.muli %arg1, %mul3A : i32
    %add3A = arith.addi %mul3A_0, %arg0 : i32
    %mul3A_1 = arith.constant 512 : i32
    %mul3A_2 = arith.muli %add3A, %mul3A_1 : i32
    "tpu.region"() ({
      %run_scoped3A_472 = tpu.sem_alloc : memref<!tpu.dma_semaphore, #tpu.memory_space<semaphore_mem>>
      %dma_start3A_473 = tpu.memref_slice %arg7[%mul3A_2] : memref<16384xi32, #tpu.memory_space<hbm>> -> memref<512xi32, #tpu.memory_space<hbm>>
      %dma_start3A_474 = tpu.memref_slice %arg7[%mul3A_2] : memref<16384xi32, #tpu.memory_space<hbm>> -> memref<512xi32, #tpu.memory_space<hbm>>
      tpu.enqueue_dma source(%dma_start3A_474 : memref<512xi32, #tpu.memory_space<hbm>>) target(%arg16 : memref<512xi32, #tpu.memory_space<vmem>>) target_semaphore(%run_scoped3A_472 : memref<!tpu.dma_semaphore, #tpu.memory_space<semaphore_mem>>)
      %dma_wait3A_475 = tpu.memref_slice %arg7[%mul3A_2] : memref<16384xi32, #tpu.memory_space<hbm>> -> memref<512xi32, #tpu.memory_space<hbm>>
      %dma_wait3A_476 = tpu.memref_slice %arg7[%mul3A_2] : memref<16384xi32, #tpu.memory_space<hbm>> -> memref<512xi32, #tpu.memory_space<hbm>>
      tpu.wait_dma2 semaphore(%run_scoped3A_472 : memref<!tpu.dma_semaphore, #tpu.memory_space<semaphore_mem>>) src(%dma_wait3A_476 : memref<512xi32, #tpu.memory_space<hbm>>) dst(%arg16 : memref<512xi32, #tpu.memory_space<vmem>>)
      tpu.yield
    }) : () -> ()
    "tpu.region"() ({
      %run_scoped3A_472 = tpu.sem_alloc : memref<!tpu.dma_semaphore, #tpu.memory_space<semaphore_mem>>
      %dma_start3A_473 = tpu.memref_slice %arg8[%mul3A_2] : memref<16384xi32, #tpu.memory_space<hbm>> -> memref<512xi32, #tpu.memory_space<hbm>>
      %dma_start3A_474 = tpu.memref_slice %arg8[%mul3A_2] : memref<16384xi32, #tpu.memory_space<hbm>> -> memref<512xi32, #tpu.memory_space<hbm>>
      tpu.enqueue_dma source(%dma_start3A_474 : memref<512xi32, #tpu.memory_space<hbm>>) target(%arg17 : memref<512xi32, #tpu.memory_space<vmem>>) target_semaphore(%run_scoped3A_472 : memref<!tpu.dma_semaphore, #tpu.memory_space<semaphore_mem>>)
      %dma_wait3A_475 = tpu.memref_slice %arg8[%mul3A_2] : memref<16384xi32, #tpu.memory_space<hbm>> -> memref<512xi32, #tpu.memory_space<hbm>>
      %dma_wait3A_476 = tpu.memref_slice %arg8[%mul3A_2] : memref<16384xi32, #tpu.memory_space<hbm>> -> memref<512xi32, #tpu.memory_space<hbm>>
      tpu.wait_dma2 semaphore(%run_scoped3A_472 : memref<!tpu.dma_semaphore, #tpu.memory_space<semaphore_mem>>) src(%dma_wait3A_476 : memref<512xi32, #tpu.memory_space<hbm>>) dst(%arg17 : memref<512xi32, #tpu.memory_space<vmem>>)
      tpu.yield
    }) : () -> ()
    "tpu.region"() ({
      %run_scoped3A_472 = tpu.sem_alloc : memref<!tpu.dma_semaphore, #tpu.memory_space<semaphore_mem>>
      %dma_start3A_473 = tpu.memref_slice %arg9[%mul3A_2] : memref<16384xi32, #tpu.memory_space<hbm>> -> memref<512xi32, #tpu.memory_space<hbm>>
      %dma_start3A_474 = tpu.memref_slice %arg9[%mul3A_2] : memref<16384xi32, #tpu.memory_space<hbm>> -> memref<512xi32, #tpu.memory_space<hbm>>
      tpu.enqueue_dma source(%dma_start3A_474 : memref<512xi32, #tpu.memory_space<hbm>>) target(%arg18 : memref<512xi32, #tpu.memory_space<vmem>>) target_semaphore(%run_scoped3A_472 : memref<!tpu.dma_semaphore, #tpu.memory_space<semaphore_mem>>)
      %dma_wait3A_475 = tpu.memref_slice %arg9[%mul3A_2] : memref<16384xi32, #tpu.memory_space<hbm>> -> memref<512xi32, #tpu.memory_space<hbm>>
      %dma_wait3A_476 = tpu.memref_slice %arg9[%mul3A_2] : memref<16384xi32, #tpu.memory_space<hbm>> -> memref<512xi32, #tpu.memory_space<hbm>>
      tpu.wait_dma2 semaphore(%run_scoped3A_472 : memref<!tpu.dma_semaphore, #tpu.memory_space<semaphore_mem>>) src(%dma_wait3A_476 : memref<512xi32, #tpu.memory_space<hbm>>) dst(%arg18 : memref<512xi32, #tpu.memory_space<vmem>>)
      tpu.yield
    }) : () -> ()
    "tpu.region"() ({
      %run_scoped3A_472 = tpu.sem_alloc : memref<!tpu.dma_semaphore, #tpu.memory_space<semaphore_mem>>
      %dma_start3A_473 = tpu.memref_slice %arg10[%mul3A_2] : memref<16384xi32, #tpu.memory_space<hbm>> -> memref<512xi32, #tpu.memory_space<hbm>>
      %dma_start3A_474 = tpu.memref_slice %arg10[%mul3A_2] : memref<16384xi32, #tpu.memory_space<hbm>> -> memref<512xi32, #tpu.memory_space<hbm>>
      tpu.enqueue_dma source(%dma_start3A_474 : memref<512xi32, #tpu.memory_space<hbm>>) target(%arg19 : memref<512xi32, #tpu.memory_space<vmem>>) target_semaphore(%run_scoped3A_472 : memref<!tpu.dma_semaphore, #tpu.memory_space<semaphore_mem>>)
      %dma_wait3A_475 = tpu.memref_slice %arg10[%mul3A_2] : memref<16384xi32, #tpu.memory_space<hbm>> -> memref<512xi32, #tpu.memory_space<hbm>>
      %dma_wait3A_476 = tpu.memref_slice %arg10[%mul3A_2] : memref<16384xi32, #tpu.memory_space<hbm>> -> memref<512xi32, #tpu.memory_space<hbm>>
      tpu.wait_dma2 semaphore(%run_scoped3A_472 : memref<!tpu.dma_semaphore, #tpu.memory_space<semaphore_mem>>) src(%dma_wait3A_476 : memref<512xi32, #tpu.memory_space<hbm>>) dst(%arg19 : memref<512xi32, #tpu.memory_space<vmem>>)
      tpu.yield
    }) : () -> ()
    "tpu.region"() ({
      %run_scoped3A_472 = tpu.sem_alloc : memref<!tpu.dma_semaphore, #tpu.memory_space<semaphore_mem>>
      %dma_start3A_473 = tpu.memref_slice %arg11[%mul3A_2] : memref<16384xi32, #tpu.memory_space<hbm>> -> memref<512xi32, #tpu.memory_space<hbm>>
      %dma_start3A_474 = tpu.memref_slice %arg11[%mul3A_2] : memref<16384xi32, #tpu.memory_space<hbm>> -> memref<512xi32, #tpu.memory_space<hbm>>
      tpu.enqueue_dma source(%dma_start3A_474 : memref<512xi32, #tpu.memory_space<hbm>>) target(%arg20 : memref<512xi32, #tpu.memory_space<vmem>>) target_semaphore(%run_scoped3A_472 : memref<!tpu.dma_semaphore, #tpu.memory_space<semaphore_mem>>)
      %dma_wait3A_475 = tpu.memref_slice %arg11[%mul3A_2] : memref<16384xi32, #tpu.memory_space<hbm>> -> memref<512xi32, #tpu.memory_space<hbm>>
      %dma_wait3A_476 = tpu.memref_slice %arg11[%mul3A_2] : memref<16384xi32, #tpu.memory_space<hbm>> -> memref<512xi32, #tpu.memory_space<hbm>>
      tpu.wait_dma2 semaphore(%run_scoped3A_472 : memref<!tpu.dma_semaphore, #tpu.memory_space<semaphore_mem>>) src(%dma_wait3A_476 : memref<512xi32, #tpu.memory_space<hbm>>) dst(%arg20 : memref<512xi32, #tpu.memory_space<vmem>>)
      tpu.yield
    }) : () -> ()
    %dma_start3A = arith.constant 0 : i32
    %dma_start3A_3 = arith.constant 0 : i32
    %dma_start3A_4 = arith.constant 0 : i32
    %dma_start3A_5 = tpu.memref_slice %arg21[%dma_start3A, %dma_start3A_3, %dma_start3A_4] : memref<1x128x256xf32, #tpu.memory_space<vmem>> -> memref<1x128x256xf32, #tpu.memory_space<vmem>>
    %dma_start3A_6 = tpu.memref_squeeze %dma_start3A_5 : memref<1x128x256xf32, #tpu.memory_space<vmem>> -> memref<128x256xf32, #tpu.memory_space<vmem>>
    %dma_start3A_7 = arith.constant 0 : i32
    %dma_start3A_8 = tpu.memref_slice %arg16[%dma_start3A_7] : memref<512xi32, #tpu.memory_space<vmem>> -> memref<128xi32, #tpu.memory_space<vmem>>
    %dma_start3A_9 = arith.constant 0 : i32
    %dma_start3A_10 = arith.constant 0 : i32
    %dma_start3A_11 = tpu.memref_slice %arg2[%dma_start3A_9, %dma_start3A_10] : memref<35x256xf32, #tpu.memory_space<hbm>> -> memref<35x256xf32, #tpu.memory_space<hbm>>
    tpu.enqueue_indirect_dma source(%dma_start3A_11 : memref<35x256xf32, #tpu.memory_space<hbm>>) target(%dma_start3A_6 : memref<128x256xf32, #tpu.memory_space<vmem>>) offsets(%dma_start3A_8 : memref<128xi32, #tpu.memory_space<vmem>>) semaphore(%arg26 : memref<!tpu.dma_semaphore, #tpu.memory_space<semaphore_mem>>)
    %dma_start3A_12 = arith.constant 0 : i32
    %dma_start3A_13 = arith.constant 0 : i32
    %dma_start3A_14 = arith.constant 0 : i32
    %dma_start3A_15 = tpu.memref_slice %arg22[%dma_start3A_12, %dma_start3A_13, %dma_start3A_14] : memref<2x128x32xf32, #tpu.memory_space<vmem>> -> memref<1x128x32xf32, #tpu.memory_space<vmem>>
    %dma_start3A_16 = tpu.memref_squeeze %dma_start3A_15 : memref<1x128x32xf32, #tpu.memory_space<vmem>> -> memref<128x32xf32, #tpu.memory_space<vmem>>
    %dma_start3A_17 = arith.constant 0 : i32
    %dma_start3A_18 = tpu.memref_slice %arg17[%dma_start3A_17] : memref<512xi32, #tpu.memory_space<vmem>> -> memref<128xi32, #tpu.memory_space<vmem>>
    %dma_start3A_19 = arith.constant 0 : i32
    %dma_start3A_20 = arith.constant 0 : i32
    %dma_start3A_21 = tpu.memref_slice %arg3[%dma_start3A_19, %dma_start3A_20] : memref<2015232x32xf32, #tpu.memory_space<hbm>> -> memref<2015232x32xf32, #tpu.memory_space<hbm>>
    tpu.enqueue_indirect_dma source(%dma_start3A_21 : memref<2015232x32xf32, #tpu.memory_space<hbm>>) target(%dma_start3A_16 : memref<128x32xf32, #tpu.memory_space<vmem>>) offsets(%dma_start3A_18 : memref<128xi32, #tpu.memory_space<vmem>>) semaphore(%arg27 : memref<!tpu.dma_semaphore, #tpu.memory_space<semaphore_mem>>)
    %dma_start3A_22 = arith.constant 1 : i32
    %dma_start3A_23 = arith.constant 0 : i32
    %dma_start3A_24 = arith.constant 0 : i32
    %dma_start3A_25 = tpu.memref_slice %arg22[%dma_start3A_22, %dma_start3A_23, %dma_start3A_24] : memref<2x128x32xf32, #tpu.memory_space<vmem>> -> memref<1x128x32xf32, #tpu.memory_space<vmem>>
    %dma_start3A_26 = tpu.memref_squeeze %dma_start3A_25 : memref<1x128x32xf32, #tpu.memory_space<vmem>> -> memref<128x32xf32, #tpu.memory_space<vmem>>
    %dma_start3A_27 = arith.constant 128 : i32
    %dma_start3A_28 = tpu.memref_slice %arg17[%dma_start3A_27] : memref<512xi32, #tpu.memory_space<vmem>> -> memref<128xi32, #tpu.memory_space<vmem>>
    %dma_start3A_29 = arith.constant 0 : i32
    %dma_start3A_30 = arith.constant 0 : i32
    %dma_start3A_31 = tpu.memref_slice %arg3[%dma_start3A_29, %dma_start3A_30] : memref<2015232x32xf32, #tpu.memory_space<hbm>> -> memref<2015232x32xf32, #tpu.memory_space<hbm>>
    tpu.enqueue_indirect_dma source(%dma_start3A_31 : memref<2015232x32xf32, #tpu.memory_space<hbm>>) target(%dma_start3A_26 : memref<128x32xf32, #tpu.memory_space<vmem>>) offsets(%dma_start3A_28 : memref<128xi32, #tpu.memory_space<vmem>>) semaphore(%arg27 : memref<!tpu.dma_semaphore, #tpu.memory_space<semaphore_mem>>)
    %dma_start3A_32 = arith.constant 0 : i32
    %dma_start3A_33 = arith.constant 0 : i32
    %dma_start3A_34 = arith.constant 0 : i32
    %dma_start3A_35 = tpu.memref_slice %arg23[%dma_start3A_32, %dma_start3A_33, %dma_start3A_34] : memref<2x128x32xf32, #tpu.memory_space<vmem>> -> memref<1x128x32xf32, #tpu.memory_space<vmem>>
    %dma_start3A_36 = tpu.memref_squeeze %dma_start3A_35 : memref<1x128x32xf32, #tpu.memory_space<vmem>> -> memref<128x32xf32, #tpu.memory_space<vmem>>
    %dma_start3A_37 = arith.constant 0 : i32
    %dma_start3A_38 = tpu.memref_slice %arg18[%dma_start3A_37] : memref<512xi32, #tpu.memory_space<vmem>> -> memref<128xi32, #tpu.memory_space<vmem>>
    %dma_start3A_39 = arith.constant 0 : i32
    %dma_start3A_40 = arith.constant 0 : i32
    %dma_start3A_41 = tpu.memref_slice %arg4[%dma_start3A_39, %dma_start3A_40] : memref<51x32xf32, #tpu.memory_space<hbm>> -> memref<51x32xf32, #tpu.memory_space<hbm>>
    tpu.enqueue_indirect_dma source(%dma_start3A_41 : memref<51x32xf32, #tpu.memory_space<hbm>>) target(%dma_start3A_36 : memref<128x32xf32, #tpu.memory_space<vmem>>) offsets(%dma_start3A_38 : memref<128xi32, #tpu.memory_space<vmem>>) semaphore(%arg28 : memref<!tpu.dma_semaphore, #tpu.memory_space<semaphore_mem>>)
    %dma_start3A_42 = arith.constant 1 : i32
    %dma_start3A_43 = arith.constant 0 : i32
    %dma_start3A_44 = arith.constant 0 : i32
    %dma_start3A_45 = tpu.memref_slice %arg23[%dma_start3A_42, %dma_start3A_43, %dma_start3A_44] : memref<2x128x32xf32, #tpu.memory_space<vmem>> -> memref<1x128x32xf32, #tpu.memory_space<vmem>>
    %dma_start3A_46 = tpu.memref_squeeze %dma_start3A_45 : memref<1x128x32xf32, #tpu.memory_space<vmem>> -> memref<128x32xf32, #tpu.memory_space<vmem>>
    %dma_start3A_47 = arith.constant 128 : i32
    %dma_start3A_48 = tpu.memref_slice %arg18[%dma_start3A_47] : memref<512xi32, #tpu.memory_space<vmem>> -> memref<128xi32, #tpu.memory_space<vmem>>
    %dma_start3A_49 = arith.constant 0 : i32
    %dma_start3A_50 = arith.constant 0 : i32
    %dma_start3A_51 = tpu.memref_slice %arg4[%dma_start3A_49, %dma_start3A_50] : memref<51x32xf32, #tpu.memory_space<hbm>> -> memref<51x32xf32, #tpu.memory_space<hbm>>
    tpu.enqueue_indirect_dma source(%dma_start3A_51 : memref<51x32xf32, #tpu.memory_space<hbm>>) target(%dma_start3A_46 : memref<128x32xf32, #tpu.memory_space<vmem>>) offsets(%dma_start3A_48 : memref<128xi32, #tpu.memory_space<vmem>>) semaphore(%arg28 : memref<!tpu.dma_semaphore, #tpu.memory_space<semaphore_mem>>)
    %dma_start3A_52 = arith.constant 0 : i32
    %dma_start3A_53 = arith.constant 0 : i32
    %dma_start3A_54 = arith.constant 0 : i32
    %dma_start3A_55 = tpu.memref_slice %arg24[%dma_start3A_52, %dma_start3A_53, %dma_start3A_54] : memref<2x128x64xf32, #tpu.memory_space<vmem>> -> memref<1x128x64xf32, #tpu.memory_space<vmem>>
    %dma_start3A_56 = tpu.memref_squeeze %dma_start3A_55 : memref<1x128x64xf32, #tpu.memory_space<vmem>> -> memref<128x64xf32, #tpu.memory_space<vmem>>
    %dma_start3A_57 = arith.constant 0 : i32
    %dma_start3A_58 = tpu.memref_slice %arg19[%dma_start3A_57] : memref<512xi32, #tpu.memory_space<vmem>> -> memref<128xi32, #tpu.memory_space<vmem>>
    %dma_start3A_59 = arith.constant 0 : i32
    %dma_start3A_60 = arith.constant 0 : i32
    %dma_start3A_61 = tpu.memref_slice %arg5[%dma_start3A_59, %dma_start3A_60] : memref<212992x64xf32, #tpu.memory_space<hbm>> -> memref<212992x64xf32, #tpu.memory_space<hbm>>
    tpu.enqueue_indirect_dma source(%dma_start3A_61 : memref<212992x64xf32, #tpu.memory_space<hbm>>) target(%dma_start3A_56 : memref<128x64xf32, #tpu.memory_space<vmem>>) offsets(%dma_start3A_58 : memref<128xi32, #tpu.memory_space<vmem>>) semaphore(%arg29 : memref<!tpu.dma_semaphore, #tpu.memory_space<semaphore_mem>>)
    %dma_start3A_62 = arith.constant 1 : i32
    %dma_start3A_63 = arith.constant 0 : i32
    %dma_start3A_64 = arith.constant 0 : i32
    %dma_start3A_65 = tpu.memref_slice %arg24[%dma_start3A_62, %dma_start3A_63, %dma_start3A_64] : memref<2x128x64xf32, #tpu.memory_space<vmem>> -> memref<1x128x64xf32, #tpu.memory_space<vmem>>
    %dma_start3A_66 = tpu.memref_squeeze %dma_start3A_65 : memref<1x128x64xf32, #tpu.memory_space<vmem>> -> memref<128x64xf32, #tpu.memory_space<vmem>>
    %dma_start3A_67 = arith.constant 128 : i32
    %dma_start3A_68 = tpu.memref_slice %arg19[%dma_start3A_67] : memref<512xi32, #tpu.memory_space<vmem>> -> memref<128xi32, #tpu.memory_space<vmem>>
    %dma_start3A_69 = arith.constant 0 : i32
    %dma_start3A_70 = arith.constant 0 : i32
    %dma_start3A_71 = tpu.memref_slice %arg5[%dma_start3A_69, %dma_start3A_70] : memref<212992x64xf32, #tpu.memory_space<hbm>> -> memref<212992x64xf32, #tpu.memory_space<hbm>>
    tpu.enqueue_indirect_dma source(%dma_start3A_71 : memref<212992x64xf32, #tpu.memory_space<hbm>>) target(%dma_start3A_66 : memref<128x64xf32, #tpu.memory_space<vmem>>) offsets(%dma_start3A_68 : memref<128xi32, #tpu.memory_space<vmem>>) semaphore(%arg29 : memref<!tpu.dma_semaphore, #tpu.memory_space<semaphore_mem>>)
    %dma_start3A_72 = arith.constant 0 : i32
    %dma_start3A_73 = arith.constant 0 : i32
    %dma_start3A_74 = arith.constant 0 : i32
    %dma_start3A_75 = tpu.memref_slice %arg25[%dma_start3A_72, %dma_start3A_73, %dma_start3A_74] : memref<2x128x128xf32, #tpu.memory_space<vmem>> -> memref<1x128x128xf32, #tpu.memory_space<vmem>>
    %dma_start3A_76 = tpu.memref_squeeze %dma_start3A_75 : memref<1x128x128xf32, #tpu.memory_space<vmem>> -> memref<128x128xf32, #tpu.memory_space<vmem>>
    %dma_start3A_77 = arith.constant 0 : i32
    %dma_start3A_78 = tpu.memref_slice %arg20[%dma_start3A_77] : memref<512xi32, #tpu.memory_space<vmem>> -> memref<128xi32, #tpu.memory_space<vmem>>
    %dma_start3A_79 = arith.constant 0 : i32
    %dma_start3A_80 = arith.constant 0 : i32
    %dma_start3A_81 = tpu.memref_slice %arg6[%dma_start3A_79, %dma_start3A_80] : memref<16384x128xf32, #tpu.memory_space<hbm>> -> memref<16384x128xf32, #tpu.memory_space<hbm>>
    tpu.enqueue_indirect_dma source(%dma_start3A_81 : memref<16384x128xf32, #tpu.memory_space<hbm>>) target(%dma_start3A_76 : memref<128x128xf32, #tpu.memory_space<vmem>>) offsets(%dma_start3A_78 : memref<128xi32, #tpu.memory_space<vmem>>) semaphore(%arg30 : memref<!tpu.dma_semaphore, #tpu.memory_space<semaphore_mem>>)
    %dma_start3A_82 = arith.constant 1 : i32
    %dma_start3A_83 = arith.constant 0 : i32
    %dma_start3A_84 = arith.constant 0 : i32
    %dma_start3A_85 = tpu.memref_slice %arg25[%dma_start3A_82, %dma_start3A_83, %dma_start3A_84] : memref<2x128x128xf32, #tpu.memory_space<vmem>> -> memref<1x128x128xf32, #tpu.memory_space<vmem>>
    %dma_start3A_86 = tpu.memref_squeeze %dma_start3A_85 : memref<1x128x128xf32, #tpu.memory_space<vmem>> -> memref<128x128xf32, #tpu.memory_space<vmem>>
    %dma_start3A_87 = arith.constant 128 : i32
    %dma_start3A_88 = tpu.memref_slice %arg20[%dma_start3A_87] : memref<512xi32, #tpu.memory_space<vmem>> -> memref<128xi32, #tpu.memory_space<vmem>>
    %dma_start3A_89 = arith.constant 0 : i32
    %dma_start3A_90 = arith.constant 0 : i32
    %dma_start3A_91 = tpu.memref_slice %arg6[%dma_start3A_89, %dma_start3A_90] : memref<16384x128xf32, #tpu.memory_space<hbm>> -> memref<16384x128xf32, #tpu.memory_space<hbm>>
    tpu.enqueue_indirect_dma source(%dma_start3A_91 : memref<16384x128xf32, #tpu.memory_space<hbm>>) target(%dma_start3A_86 : memref<128x128xf32, #tpu.memory_space<vmem>>) offsets(%dma_start3A_88 : memref<128xi32, #tpu.memory_space<vmem>>) semaphore(%arg30 : memref<!tpu.dma_semaphore, #tpu.memory_space<semaphore_mem>>)
    %dma_wait3A = arith.constant 0 : i32
    %dma_wait3A_92 = arith.constant 0 : i32
    %dma_wait3A_93 = arith.constant 0 : i32
    %dma_wait3A_94 = tpu.memref_slice %arg21[%dma_wait3A, %dma_wait3A_92, %dma_wait3A_93] : memref<1x128x256xf32, #tpu.memory_space<vmem>> -> memref<1x128x256xf32, #tpu.memory_space<vmem>>
    %dma_wait3A_95 = tpu.memref_squeeze %dma_wait3A_94 : memref<1x128x256xf32, #tpu.memory_space<vmem>> -> memref<128x256xf32, #tpu.memory_space<vmem>>
    %dma_wait3A_96 = arith.constant 0 : i32
    %dma_wait3A_97 = tpu.memref_slice %arg16[%dma_wait3A_96] : memref<512xi32, #tpu.memory_space<vmem>> -> memref<128xi32, #tpu.memory_space<vmem>>
    %dma_wait3A_98 = arith.constant 0 : i32
    %dma_wait3A_99 = arith.constant 0 : i32
    %dma_wait3A_100 = tpu.memref_slice %arg2[%dma_wait3A_98, %dma_wait3A_99] : memref<35x256xf32, #tpu.memory_space<hbm>> -> memref<35x256xf32, #tpu.memory_space<hbm>>
    tpu.wait_indirect_dma semaphore(%arg26 : memref<!tpu.dma_semaphore, #tpu.memory_space<semaphore_mem>>) src(%dma_wait3A_100 : memref<35x256xf32, #tpu.memory_space<hbm>>) dst(%dma_wait3A_95 : memref<128x256xf32, #tpu.memory_space<vmem>>)
    %add3A_101 = arith.constant 0 : i32
    %add3A_102 = arith.addi %mul3A_2, %add3A_101 : i32
    %run_scoped3A = arith.constant 0 : i32
    "tpu.region"() ({
      %run_scoped3A_472 = tpu.sem_alloc : memref<!tpu.dma_semaphore, #tpu.memory_space<semaphore_mem>>
      %dma_start3A_473 = arith.constant 0 : i32
      %dma_start3A_474 = arith.constant 0 : i32
      %dma_start3A_475 = tpu.memref_slice %arg21[%run_scoped3A, %dma_start3A_473, %dma_start3A_474] : memref<1x128x256xf32, #tpu.memory_space<vmem>> -> memref<1x128x256xf32, #tpu.memory_space<vmem>>
      %dma_start3A_476 = tpu.memref_squeeze %dma_start3A_475 : memref<1x128x256xf32, #tpu.memory_space<vmem>> -> memref<128x256xf32, #tpu.memory_space<vmem>>
      %dma_start3A_477 = arith.constant 0 : i32
      %dma_start3A_478 = arith.constant 0 : i32
      %dma_start3A_479 = tpu.memref_slice %dma_start3A_476[%dma_start3A_477, %dma_start3A_478] : memref<128x256xf32, #tpu.memory_space<vmem>> -> memref<128x128xf32, #tpu.memory_space<vmem>>
      %dma_start3A_480 = arith.constant 0 : i32
      %dma_start3A_481 = tpu.memref_slice %arg12[%add3A_102, %dma_start3A_480] : memref<16384x128xf32, #tpu.memory_space<hbm>> -> memref<128x128xf32, #tpu.memory_space<hbm>>
      %dma_start3A_482 = arith.constant 0 : i32
      %dma_start3A_483 = tpu.memref_slice %arg12[%add3A_102, %dma_start3A_482] : memref<16384x128xf32, #tpu.memory_space<hbm>> -> memref<128x128xf32, #tpu.memory_space<hbm>>
      %dma_start3A_484 = arith.constant 0 : i32
      %dma_start3A_485 = arith.constant 0 : i32
      %dma_start3A_486 = tpu.memref_slice %arg21[%run_scoped3A, %dma_start3A_484, %dma_start3A_485] : memref<1x128x256xf32, #tpu.memory_space<vmem>> -> memref<1x128x256xf32, #tpu.memory_space<vmem>>
      %dma_start3A_487 = tpu.memref_squeeze %dma_start3A_486 : memref<1x128x256xf32, #tpu.memory_space<vmem>> -> memref<128x256xf32, #tpu.memory_space<vmem>>
      %dma_start3A_488 = arith.constant 0 : i32
      %dma_start3A_489 = arith.constant 0 : i32
      %dma_start3A_490 = tpu.memref_slice %dma_start3A_487[%dma_start3A_488, %dma_start3A_489] : memref<128x256xf32, #tpu.memory_space<vmem>> -> memref<128x128xf32, #tpu.memory_space<vmem>>
      tpu.enqueue_dma source(%dma_start3A_490 : memref<128x128xf32, #tpu.memory_space<vmem>>) target(%dma_start3A_483 : memref<128x128xf32, #tpu.memory_space<hbm>>) target_semaphore(%run_scoped3A_472 : memref<!tpu.dma_semaphore, #tpu.memory_space<semaphore_mem>>)
      %dma_wait3A_491 = arith.constant 0 : i32
      %dma_wait3A_492 = arith.constant 0 : i32
      %dma_wait3A_493 = tpu.memref_slice %arg21[%run_scoped3A, %dma_wait3A_491, %dma_wait3A_492] : memref<1x128x256xf32, #tpu.memory_space<vmem>> -> memref<1x128x256xf32, #tpu.memory_space<vmem>>
      %dma_wait3A_494 = tpu.memref_squeeze %dma_wait3A_493 : memref<1x128x256xf32, #tpu.memory_space<vmem>> -> memref<128x256xf32, #tpu.memory_space<vmem>>
      %dma_wait3A_495 = arith.constant 0 : i32
      %dma_wait3A_496 = arith.constant 0 : i32
      %dma_wait3A_497 = tpu.memref_slice %dma_wait3A_494[%dma_wait3A_495, %dma_wait3A_496] : memref<128x256xf32, #tpu.memory_space<vmem>> -> memref<128x128xf32, #tpu.memory_space<vmem>>
      %dma_wait3A_498 = arith.constant 0 : i32
      %dma_wait3A_499 = tpu.memref_slice %arg12[%add3A_102, %dma_wait3A_498] : memref<16384x128xf32, #tpu.memory_space<hbm>> -> memref<128x128xf32, #tpu.memory_space<hbm>>
      %dma_wait3A_500 = arith.constant 0 : i32
      %dma_wait3A_501 = tpu.memref_slice %arg12[%add3A_102, %dma_wait3A_500] : memref<16384x128xf32, #tpu.memory_space<hbm>> -> memref<128x128xf32, #tpu.memory_space<hbm>>
      %dma_wait3A_502 = arith.constant 0 : i32
      %dma_wait3A_503 = arith.constant 0 : i32
      %dma_wait3A_504 = tpu.memref_slice %arg21[%run_scoped3A, %dma_wait3A_502, %dma_wait3A_503] : memref<1x128x256xf32, #tpu.memory_space<vmem>> -> memref<1x128x256xf32, #tpu.memory_space<vmem>>
      %dma_wait3A_505 = tpu.memref_squeeze %dma_wait3A_504 : memref<1x128x256xf32, #tpu.memory_space<vmem>> -> memref<128x256xf32, #tpu.memory_space<vmem>>
      %dma_wait3A_506 = arith.constant 0 : i32
      %dma_wait3A_507 = arith.constant 0 : i32
      %dma_wait3A_508 = tpu.memref_slice %dma_wait3A_505[%dma_wait3A_506, %dma_wait3A_507] : memref<128x256xf32, #tpu.memory_space<vmem>> -> memref<128x128xf32, #tpu.memory_space<vmem>>
      tpu.wait_dma2 semaphore(%run_scoped3A_472 : memref<!tpu.dma_semaphore, #tpu.memory_space<semaphore_mem>>) src(%dma_wait3A_508 : memref<128x128xf32, #tpu.memory_space<vmem>>) dst(%dma_wait3A_501 : memref<128x128xf32, #tpu.memory_space<hbm>>)
      tpu.yield
    }) : () -> ()
    %add3A_103 = arith.constant 0 : i32
    %add3A_104 = arith.addi %mul3A_2, %add3A_103 : i32
    %run_scoped3A_105 = arith.constant 0 : i32
    "tpu.region"() ({
      %run_scoped3A_472 = tpu.sem_alloc : memref<!tpu.dma_semaphore, #tpu.memory_space<semaphore_mem>>
      %dma_start3A_473 = arith.constant 0 : i32
      %dma_start3A_474 = arith.constant 0 : i32
      %dma_start3A_475 = tpu.memref_slice %arg21[%run_scoped3A_105, %dma_start3A_473, %dma_start3A_474] : memref<1x128x256xf32, #tpu.memory_space<vmem>> -> memref<1x128x256xf32, #tpu.memory_space<vmem>>
      %dma_start3A_476 = tpu.memref_squeeze %dma_start3A_475 : memref<1x128x256xf32, #tpu.memory_space<vmem>> -> memref<128x256xf32, #tpu.memory_space<vmem>>
      %dma_start3A_477 = arith.constant 0 : i32
      %dma_start3A_478 = arith.constant 128 : i32
      %dma_start3A_479 = tpu.memref_slice %dma_start3A_476[%dma_start3A_477, %dma_start3A_478] : memref<128x256xf32, #tpu.memory_space<vmem>> -> memref<128x128xf32, #tpu.memory_space<vmem>>
      %dma_start3A_480 = arith.constant 0 : i32
      %dma_start3A_481 = tpu.memref_slice %arg13[%add3A_104, %dma_start3A_480] : memref<16384x128xf32, #tpu.memory_space<hbm>> -> memref<128x128xf32, #tpu.memory_space<hbm>>
      %dma_start3A_482 = arith.constant 0 : i32
      %dma_start3A_483 = tpu.memref_slice %arg13[%add3A_104, %dma_start3A_482] : memref<16384x128xf32, #tpu.memory_space<hbm>> -> memref<128x128xf32, #tpu.memory_space<hbm>>
      %dma_start3A_484 = arith.constant 0 : i32
      %dma_start3A_485 = arith.constant 0 : i32
      %dma_start3A_486 = tpu.memref_slice %arg21[%run_scoped3A_105, %dma_start3A_484, %dma_start3A_485] : memref<1x128x256xf32, #tpu.memory_space<vmem>> -> memref<1x128x256xf32, #tpu.memory_space<vmem>>
      %dma_start3A_487 = tpu.memref_squeeze %dma_start3A_486 : memref<1x128x256xf32, #tpu.memory_space<vmem>> -> memref<128x256xf32, #tpu.memory_space<vmem>>
      %dma_start3A_488 = arith.constant 0 : i32
      %dma_start3A_489 = arith.constant 128 : i32
      %dma_start3A_490 = tpu.memref_slice %dma_start3A_487[%dma_start3A_488, %dma_start3A_489] : memref<128x256xf32, #tpu.memory_space<vmem>> -> memref<128x128xf32, #tpu.memory_space<vmem>>
      tpu.enqueue_dma source(%dma_start3A_490 : memref<128x128xf32, #tpu.memory_space<vmem>>) target(%dma_start3A_483 : memref<128x128xf32, #tpu.memory_space<hbm>>) target_semaphore(%run_scoped3A_472 : memref<!tpu.dma_semaphore, #tpu.memory_space<semaphore_mem>>)
      %dma_wait3A_491 = arith.constant 0 : i32
      %dma_wait3A_492 = arith.constant 0 : i32
      %dma_wait3A_493 = tpu.memref_slice %arg21[%run_scoped3A_105, %dma_wait3A_491, %dma_wait3A_492] : memref<1x128x256xf32, #tpu.memory_space<vmem>> -> memref<1x128x256xf32, #tpu.memory_space<vmem>>
      %dma_wait3A_494 = tpu.memref_squeeze %dma_wait3A_493 : memref<1x128x256xf32, #tpu.memory_space<vmem>> -> memref<128x256xf32, #tpu.memory_space<vmem>>
      %dma_wait3A_495 = arith.constant 0 : i32
      %dma_wait3A_496 = arith.constant 128 : i32
      %dma_wait3A_497 = tpu.memref_slice %dma_wait3A_494[%dma_wait3A_495, %dma_wait3A_496] : memref<128x256xf32, #tpu.memory_space<vmem>> -> memref<128x128xf32, #tpu.memory_space<vmem>>
      %dma_wait3A_498 = arith.constant 0 : i32
      %dma_wait3A_499 = tpu.memref_slice %arg13[%add3A_104, %dma_wait3A_498] : memref<16384x128xf32, #tpu.memory_space<hbm>> -> memref<128x128xf32, #tpu.memory_space<hbm>>
      %dma_wait3A_500 = arith.constant 0 : i32
      %dma_wait3A_501 = tpu.memref_slice %arg13[%add3A_104, %dma_wait3A_500] : memref<16384x128xf32, #tpu.memory_space<hbm>> -> memref<128x128xf32, #tpu.memory_space<hbm>>
      %dma_wait3A_502 = arith.constant 0 : i32
      %dma_wait3A_503 = arith.constant 0 : i32
      %dma_wait3A_504 = tpu.memref_slice %arg21[%run_scoped3A_105, %dma_wait3A_502, %dma_wait3A_503] : memref<1x128x256xf32, #tpu.memory_space<vmem>> -> memref<1x128x256xf32, #tpu.memory_space<vmem>>
      %dma_wait3A_505 = tpu.memref_squeeze %dma_wait3A_504 : memref<1x128x256xf32, #tpu.memory_space<vmem>> -> memref<128x256xf32, #tpu.memory_space<vmem>>
      %dma_wait3A_506 = arith.constant 0 : i32
      %dma_wait3A_507 = arith.constant 128 : i32
      %dma_wait3A_508 = tpu.memref_slice %dma_wait3A_505[%dma_wait3A_506, %dma_wait3A_507] : memref<128x256xf32, #tpu.memory_space<vmem>> -> memref<128x128xf32, #tpu.memory_space<vmem>>
      tpu.wait_dma2 semaphore(%run_scoped3A_472 : memref<!tpu.dma_semaphore, #tpu.memory_space<semaphore_mem>>) src(%dma_wait3A_508 : memref<128x128xf32, #tpu.memory_space<vmem>>) dst(%dma_wait3A_501 : memref<128x128xf32, #tpu.memory_space<hbm>>)
      tpu.yield
    }) : () -> ()
    %dma_start3A_106 = arith.constant 0 : i32
    %dma_start3A_107 = arith.constant 0 : i32
    %dma_start3A_108 = arith.constant 0 : i32
    %dma_start3A_109 = tpu.memref_slice %arg21[%dma_start3A_106, %dma_start3A_107, %dma_start3A_108] : memref<1x128x256xf32, #tpu.memory_space<vmem>> -> memref<1x128x256xf32, #tpu.memory_space<vmem>>
    %dma_start3A_110 = tpu.memref_squeeze %dma_start3A_109 : memref<1x128x256xf32, #tpu.memory_space<vmem>> -> memref<128x256xf32, #tpu.memory_space<vmem>>
    %dma_start3A_111 = arith.constant 128 : i32
    %dma_start3A_112 = tpu.memref_slice %arg16[%dma_start3A_111] : memref<512xi32, #tpu.memory_space<vmem>> -> memref<128xi32, #tpu.memory_space<vmem>>
    %dma_start3A_113 = arith.constant 0 : i32
    %dma_start3A_114 = arith.constant 0 : i32
    %dma_start3A_115 = tpu.memref_slice %arg2[%dma_start3A_113, %dma_start3A_114] : memref<35x256xf32, #tpu.memory_space<hbm>> -> memref<35x256xf32, #tpu.memory_space<hbm>>
    tpu.enqueue_indirect_dma source(%dma_start3A_115 : memref<35x256xf32, #tpu.memory_space<hbm>>) target(%dma_start3A_110 : memref<128x256xf32, #tpu.memory_space<vmem>>) offsets(%dma_start3A_112 : memref<128xi32, #tpu.memory_space<vmem>>) semaphore(%arg26 : memref<!tpu.dma_semaphore, #tpu.memory_space<semaphore_mem>>)
    %dma_wait3A_116 = arith.constant 0 : i32
    %dma_wait3A_117 = arith.constant 0 : i32
    %dma_wait3A_118 = arith.constant 0 : i32
    %dma_wait3A_119 = tpu.memref_slice %arg22[%dma_wait3A_116, %dma_wait3A_117, %dma_wait3A_118] : memref<2x128x32xf32, #tpu.memory_space<vmem>> -> memref<1x128x32xf32, #tpu.memory_space<vmem>>
    %dma_wait3A_120 = tpu.memref_squeeze %dma_wait3A_119 : memref<1x128x32xf32, #tpu.memory_space<vmem>> -> memref<128x32xf32, #tpu.memory_space<vmem>>
    %dma_wait3A_121 = arith.constant 0 : i32
    %dma_wait3A_122 = tpu.memref_slice %arg17[%dma_wait3A_121] : memref<512xi32, #tpu.memory_space<vmem>> -> memref<128xi32, #tpu.memory_space<vmem>>
    %dma_wait3A_123 = arith.constant 0 : i32
    %dma_wait3A_124 = arith.constant 0 : i32
    %dma_wait3A_125 = tpu.memref_slice %arg3[%dma_wait3A_123, %dma_wait3A_124] : memref<2015232x32xf32, #tpu.memory_space<hbm>> -> memref<2015232x32xf32, #tpu.memory_space<hbm>>
    tpu.wait_indirect_dma semaphore(%arg27 : memref<!tpu.dma_semaphore, #tpu.memory_space<semaphore_mem>>) src(%dma_wait3A_125 : memref<2015232x32xf32, #tpu.memory_space<hbm>>) dst(%dma_wait3A_120 : memref<128x32xf32, #tpu.memory_space<vmem>>)
    %add3A_126 = arith.constant 0 : i32
    %add3A_127 = arith.addi %mul3A_2, %add3A_126 : i32
    %run_scoped3A_128 = arith.constant 0 : i32
    "tpu.region"() ({
      %run_scoped3A_472 = tpu.sem_alloc : memref<!tpu.dma_semaphore, #tpu.memory_space<semaphore_mem>>
      %dma_start3A_473 = arith.constant 0 : i32
      %dma_start3A_474 = arith.constant 0 : i32
      %dma_start3A_475 = tpu.memref_slice %arg22[%run_scoped3A_128, %dma_start3A_473, %dma_start3A_474] : memref<2x128x32xf32, #tpu.memory_space<vmem>> -> memref<1x128x32xf32, #tpu.memory_space<vmem>>
      %dma_start3A_476 = tpu.memref_squeeze %dma_start3A_475 : memref<1x128x32xf32, #tpu.memory_space<vmem>> -> memref<128x32xf32, #tpu.memory_space<vmem>>
      %dma_start3A_477 = arith.constant 0 : i32
      %dma_start3A_478 = tpu.memref_slice %arg14[%add3A_127, %dma_start3A_477] : memref<16384x128xf32, #tpu.memory_space<hbm>> -> memref<128x32xf32, #tpu.memory_space<hbm>>
      %dma_start3A_479 = arith.constant 0 : i32
      %dma_start3A_480 = tpu.memref_slice %arg14[%add3A_127, %dma_start3A_479] : memref<16384x128xf32, #tpu.memory_space<hbm>> -> memref<128x32xf32, #tpu.memory_space<hbm>>
      %dma_start3A_481 = arith.constant 0 : i32
      %dma_start3A_482 = arith.constant 0 : i32
      %dma_start3A_483 = tpu.memref_slice %arg22[%run_scoped3A_128, %dma_start3A_481, %dma_start3A_482] : memref<2x128x32xf32, #tpu.memory_space<vmem>> -> memref<1x128x32xf32, #tpu.memory_space<vmem>>
      %dma_start3A_484 = tpu.memref_squeeze %dma_start3A_483 : memref<1x128x32xf32, #tpu.memory_space<vmem>> -> memref<128x32xf32, #tpu.memory_space<vmem>>
      tpu.enqueue_dma source(%dma_start3A_484 : memref<128x32xf32, #tpu.memory_space<vmem>>) target(%dma_start3A_480 : memref<128x32xf32, #tpu.memory_space<hbm>>) target_semaphore(%run_scoped3A_472 : memref<!tpu.dma_semaphore, #tpu.memory_space<semaphore_mem>>)
      %dma_wait3A_485 = arith.constant 0 : i32
      %dma_wait3A_486 = arith.constant 0 : i32
      %dma_wait3A_487 = tpu.memref_slice %arg22[%run_scoped3A_128, %dma_wait3A_485, %dma_wait3A_486] : memref<2x128x32xf32, #tpu.memory_space<vmem>> -> memref<1x128x32xf32, #tpu.memory_space<vmem>>
      %dma_wait3A_488 = tpu.memref_squeeze %dma_wait3A_487 : memref<1x128x32xf32, #tpu.memory_space<vmem>> -> memref<128x32xf32, #tpu.memory_space<vmem>>
      %dma_wait3A_489 = arith.constant 0 : i32
      %dma_wait3A_490 = tpu.memref_slice %arg14[%add3A_127, %dma_wait3A_489] : memref<16384x128xf32, #tpu.memory_space<hbm>> -> memref<128x32xf32, #tpu.memory_space<hbm>>
      %dma_wait3A_491 = arith.constant 0 : i32
      %dma_wait3A_492 = tpu.memref_slice %arg14[%add3A_127, %dma_wait3A_491] : memref<16384x128xf32, #tpu.memory_space<hbm>> -> memref<128x32xf32, #tpu.memory_space<hbm>>
      %dma_wait3A_493 = arith.constant 0 : i32
      %dma_wait3A_494 = arith.constant 0 : i32
      %dma_wait3A_495 = tpu.memref_slice %arg22[%run_scoped3A_128, %dma_wait3A_493, %dma_wait3A_494] : memref<2x128x32xf32, #tpu.memory_space<vmem>> -> memref<1x128x32xf32, #tpu.memory_space<vmem>>
      %dma_wait3A_496 = tpu.memref_squeeze %dma_wait3A_495 : memref<1x128x32xf32, #tpu.memory_space<vmem>> -> memref<128x32xf32, #tpu.memory_space<vmem>>
      tpu.wait_dma2 semaphore(%run_scoped3A_472 : memref<!tpu.dma_semaphore, #tpu.memory_space<semaphore_mem>>) src(%dma_wait3A_496 : memref<128x32xf32, #tpu.memory_space<vmem>>) dst(%dma_wait3A_492 : memref<128x32xf32, #tpu.memory_space<hbm>>)
      tpu.yield
    }) : () -> ()
    %dma_start3A_129 = arith.constant 0 : i32
    %dma_start3A_130 = arith.constant 0 : i32
    %dma_start3A_131 = arith.constant 0 : i32
    %dma_start3A_132 = tpu.memref_slice %arg22[%dma_start3A_129, %dma_start3A_130, %dma_start3A_131] : memref<2x128x32xf32, #tpu.memory_space<vmem>> -> memref<1x128x32xf32, #tpu.memory_space<vmem>>
    %dma_start3A_133 = tpu.memref_squeeze %dma_start3A_132 : memref<1x128x32xf32, #tpu.memory_space<vmem>> -> memref<128x32xf32, #tpu.memory_space<vmem>>
    %dma_start3A_134 = arith.constant 256 : i32
    %dma_start3A_135 = tpu.memref_slice %arg17[%dma_start3A_134] : memref<512xi32, #tpu.memory_space<vmem>> -> memref<128xi32, #tpu.memory_space<vmem>>
    %dma_start3A_136 = arith.constant 0 : i32
    %dma_start3A_137 = arith.constant 0 : i32
    %dma_start3A_138 = tpu.memref_slice %arg3[%dma_start3A_136, %dma_start3A_137] : memref<2015232x32xf32, #tpu.memory_space<hbm>> -> memref<2015232x32xf32, #tpu.memory_space<hbm>>
    tpu.enqueue_indirect_dma source(%dma_start3A_138 : memref<2015232x32xf32, #tpu.memory_space<hbm>>) target(%dma_start3A_133 : memref<128x32xf32, #tpu.memory_space<vmem>>) offsets(%dma_start3A_135 : memref<128xi32, #tpu.memory_space<vmem>>) semaphore(%arg27 : memref<!tpu.dma_semaphore, #tpu.memory_space<semaphore_mem>>)
    %dma_wait3A_139 = arith.constant 0 : i32
    %dma_wait3A_140 = arith.constant 0 : i32
    %dma_wait3A_141 = arith.constant 0 : i32
    %dma_wait3A_142 = tpu.memref_slice %arg23[%dma_wait3A_139, %dma_wait3A_140, %dma_wait3A_141] : memref<2x128x32xf32, #tpu.memory_space<vmem>> -> memref<1x128x32xf32, #tpu.memory_space<vmem>>
    %dma_wait3A_143 = tpu.memref_squeeze %dma_wait3A_142 : memref<1x128x32xf32, #tpu.memory_space<vmem>> -> memref<128x32xf32, #tpu.memory_space<vmem>>
    %dma_wait3A_144 = arith.constant 0 : i32
    %dma_wait3A_145 = tpu.memref_slice %arg18[%dma_wait3A_144] : memref<512xi32, #tpu.memory_space<vmem>> -> memref<128xi32, #tpu.memory_space<vmem>>
    %dma_wait3A_146 = arith.constant 0 : i32
    %dma_wait3A_147 = arith.constant 0 : i32
    %dma_wait3A_148 = tpu.memref_slice %arg4[%dma_wait3A_146, %dma_wait3A_147] : memref<51x32xf32, #tpu.memory_space<hbm>> -> memref<51x32xf32, #tpu.memory_space<hbm>>
    tpu.wait_indirect_dma semaphore(%arg28 : memref<!tpu.dma_semaphore, #tpu.memory_space<semaphore_mem>>) src(%dma_wait3A_148 : memref<51x32xf32, #tpu.memory_space<hbm>>) dst(%dma_wait3A_143 : memref<128x32xf32, #tpu.memory_space<vmem>>)
    %add3A_149 = arith.constant 0 : i32
    %add3A_150 = arith.addi %mul3A_2, %add3A_149 : i32
    %run_scoped3A_151 = arith.constant 0 : i32
    "tpu.region"() ({
      %run_scoped3A_472 = tpu.sem_alloc : memref<!tpu.dma_semaphore, #tpu.memory_space<semaphore_mem>>
      %dma_start3A_473 = arith.constant 0 : i32
      %dma_start3A_474 = arith.constant 0 : i32
      %dma_start3A_475 = tpu.memref_slice %arg23[%run_scoped3A_151, %dma_start3A_473, %dma_start3A_474] : memref<2x128x32xf32, #tpu.memory_space<vmem>> -> memref<1x128x32xf32, #tpu.memory_space<vmem>>
      %dma_start3A_476 = tpu.memref_squeeze %dma_start3A_475 : memref<1x128x32xf32, #tpu.memory_space<vmem>> -> memref<128x32xf32, #tpu.memory_space<vmem>>
      %dma_start3A_477 = arith.constant 32 : i32
      %dma_start3A_478 = tpu.memref_slice %arg14[%add3A_150, %dma_start3A_477] : memref<16384x128xf32, #tpu.memory_space<hbm>> -> memref<128x32xf32, #tpu.memory_space<hbm>>
      %dma_start3A_479 = arith.constant 32 : i32
      %dma_start3A_480 = tpu.memref_slice %arg14[%add3A_150, %dma_start3A_479] : memref<16384x128xf32, #tpu.memory_space<hbm>> -> memref<128x32xf32, #tpu.memory_space<hbm>>
      %dma_start3A_481 = arith.constant 0 : i32
      %dma_start3A_482 = arith.constant 0 : i32
      %dma_start3A_483 = tpu.memref_slice %arg23[%run_scoped3A_151, %dma_start3A_481, %dma_start3A_482] : memref<2x128x32xf32, #tpu.memory_space<vmem>> -> memref<1x128x32xf32, #tpu.memory_space<vmem>>
      %dma_start3A_484 = tpu.memref_squeeze %dma_start3A_483 : memref<1x128x32xf32, #tpu.memory_space<vmem>> -> memref<128x32xf32, #tpu.memory_space<vmem>>
      tpu.enqueue_dma source(%dma_start3A_484 : memref<128x32xf32, #tpu.memory_space<vmem>>) target(%dma_start3A_480 : memref<128x32xf32, #tpu.memory_space<hbm>>) target_semaphore(%run_scoped3A_472 : memref<!tpu.dma_semaphore, #tpu.memory_space<semaphore_mem>>)
      %dma_wait3A_485 = arith.constant 0 : i32
      %dma_wait3A_486 = arith.constant 0 : i32
      %dma_wait3A_487 = tpu.memref_slice %arg23[%run_scoped3A_151, %dma_wait3A_485, %dma_wait3A_486] : memref<2x128x32xf32, #tpu.memory_space<vmem>> -> memref<1x128x32xf32, #tpu.memory_space<vmem>>
      %dma_wait3A_488 = tpu.memref_squeeze %dma_wait3A_487 : memref<1x128x32xf32, #tpu.memory_space<vmem>> -> memref<128x32xf32, #tpu.memory_space<vmem>>
      %dma_wait3A_489 = arith.constant 32 : i32
      %dma_wait3A_490 = tpu.memref_slice %arg14[%add3A_150, %dma_wait3A_489] : memref<16384x128xf32, #tpu.memory_space<hbm>> -> memref<128x32xf32, #tpu.memory_space<hbm>>
      %dma_wait3A_491 = arith.constant 32 : i32
      %dma_wait3A_492 = tpu.memref_slice %arg14[%add3A_150, %dma_wait3A_491] : memref<16384x128xf32, #tpu.memory_space<hbm>> -> memref<128x32xf32, #tpu.memory_space<hbm>>
      %dma_wait3A_493 = arith.constant 0 : i32
      %dma_wait3A_494 = arith.constant 0 : i32
      %dma_wait3A_495 = tpu.memref_slice %arg23[%run_scoped3A_151, %dma_wait3A_493, %dma_wait3A_494] : memref<2x128x32xf32, #tpu.memory_space<vmem>> -> memref<1x128x32xf32, #tpu.memory_space<vmem>>
      %dma_wait3A_496 = tpu.memref_squeeze %dma_wait3A_495 : memref<1x128x32xf32, #tpu.memory_space<vmem>> -> memref<128x32xf32, #tpu.memory_space<vmem>>
      tpu.wait_dma2 semaphore(%run_scoped3A_472 : memref<!tpu.dma_semaphore, #tpu.memory_space<semaphore_mem>>) src(%dma_wait3A_496 : memref<128x32xf32, #tpu.memory_space<vmem>>) dst(%dma_wait3A_492 : memref<128x32xf32, #tpu.memory_space<hbm>>)
      tpu.yield
    }) : () -> ()
    %dma_start3A_152 = arith.constant 0 : i32
    %dma_start3A_153 = arith.constant 0 : i32
    %dma_start3A_154 = arith.constant 0 : i32
    %dma_start3A_155 = tpu.memref_slice %arg23[%dma_start3A_152, %dma_start3A_153, %dma_start3A_154] : memref<2x128x32xf32, #tpu.memory_space<vmem>> -> memref<1x128x32xf32, #tpu.memory_space<vmem>>
    %dma_start3A_156 = tpu.memref_squeeze %dma_start3A_155 : memref<1x128x32xf32, #tpu.memory_space<vmem>> -> memref<128x32xf32, #tpu.memory_space<vmem>>
    %dma_start3A_157 = arith.constant 256 : i32
    %dma_start3A_158 = tpu.memref_slice %arg18[%dma_start3A_157] : memref<512xi32, #tpu.memory_space<vmem>> -> memref<128xi32, #tpu.memory_space<vmem>>
    %dma_start3A_159 = arith.constant 0 : i32
    %dma_start3A_160 = arith.constant 0 : i32
    %dma_start3A_161 = tpu.memref_slice %arg4[%dma_start3A_159, %dma_start3A_160] : memref<51x32xf32, #tpu.memory_space<hbm>> -> memref<51x32xf32, #tpu.memory_space<hbm>>
    tpu.enqueue_indirect_dma source(%dma_start3A_161 : memref<51x32xf32, #tpu.memory_space<hbm>>) target(%dma_start3A_156 : memref<128x32xf32, #tpu.memory_space<vmem>>) offsets(%dma_start3A_158 : memref<128xi32, #tpu.memory_space<vmem>>) semaphore(%arg28 : memref<!tpu.dma_semaphore, #tpu.memory_space<semaphore_mem>>)
    %dma_wait3A_162 = arith.constant 0 : i32
    %dma_wait3A_163 = arith.constant 0 : i32
    %dma_wait3A_164 = arith.constant 0 : i32
    %dma_wait3A_165 = tpu.memref_slice %arg24[%dma_wait3A_162, %dma_wait3A_163, %dma_wait3A_164] : memref<2x128x64xf32, #tpu.memory_space<vmem>> -> memref<1x128x64xf32, #tpu.memory_space<vmem>>
    %dma_wait3A_166 = tpu.memref_squeeze %dma_wait3A_165 : memref<1x128x64xf32, #tpu.memory_space<vmem>> -> memref<128x64xf32, #tpu.memory_space<vmem>>
    %dma_wait3A_167 = arith.constant 0 : i32
    %dma_wait3A_168 = tpu.memref_slice %arg19[%dma_wait3A_167] : memref<512xi32, #tpu.memory_space<vmem>> -> memref<128xi32, #tpu.memory_space<vmem>>
    %dma_wait3A_169 = arith.constant 0 : i32
    %dma_wait3A_170 = arith.constant 0 : i32
    %dma_wait3A_171 = tpu.memref_slice %arg5[%dma_wait3A_169, %dma_wait3A_170] : memref<212992x64xf32, #tpu.memory_space<hbm>> -> memref<212992x64xf32, #tpu.memory_space<hbm>>
    tpu.wait_indirect_dma semaphore(%arg29 : memref<!tpu.dma_semaphore, #tpu.memory_space<semaphore_mem>>) src(%dma_wait3A_171 : memref<212992x64xf32, #tpu.memory_space<hbm>>) dst(%dma_wait3A_166 : memref<128x64xf32, #tpu.memory_space<vmem>>)
    %add3A_172 = arith.constant 0 : i32
    %add3A_173 = arith.addi %mul3A_2, %add3A_172 : i32
    %run_scoped3A_174 = arith.constant 0 : i32
    "tpu.region"() ({
      %run_scoped3A_472 = tpu.sem_alloc : memref<!tpu.dma_semaphore, #tpu.memory_space<semaphore_mem>>
      %dma_start3A_473 = arith.constant 0 : i32
      %dma_start3A_474 = arith.constant 0 : i32
      %dma_start3A_475 = tpu.memref_slice %arg24[%run_scoped3A_174, %dma_start3A_473, %dma_start3A_474] : memref<2x128x64xf32, #tpu.memory_space<vmem>> -> memref<1x128x64xf32, #tpu.memory_space<vmem>>
      %dma_start3A_476 = tpu.memref_squeeze %dma_start3A_475 : memref<1x128x64xf32, #tpu.memory_space<vmem>> -> memref<128x64xf32, #tpu.memory_space<vmem>>
      %dma_start3A_477 = arith.constant 64 : i32
      %dma_start3A_478 = tpu.memref_slice %arg14[%add3A_173, %dma_start3A_477] : memref<16384x128xf32, #tpu.memory_space<hbm>> -> memref<128x64xf32, #tpu.memory_space<hbm>>
      %dma_start3A_479 = arith.constant 64 : i32
      %dma_start3A_480 = tpu.memref_slice %arg14[%add3A_173, %dma_start3A_479] : memref<16384x128xf32, #tpu.memory_space<hbm>> -> memref<128x64xf32, #tpu.memory_space<hbm>>
      %dma_start3A_481 = arith.constant 0 : i32
      %dma_start3A_482 = arith.constant 0 : i32
      %dma_start3A_483 = tpu.memref_slice %arg24[%run_scoped3A_174, %dma_start3A_481, %dma_start3A_482] : memref<2x128x64xf32, #tpu.memory_space<vmem>> -> memref<1x128x64xf32, #tpu.memory_space<vmem>>
      %dma_start3A_484 = tpu.memref_squeeze %dma_start3A_483 : memref<1x128x64xf32, #tpu.memory_space<vmem>> -> memref<128x64xf32, #tpu.memory_space<vmem>>
      tpu.enqueue_dma source(%dma_start3A_484 : memref<128x64xf32, #tpu.memory_space<vmem>>) target(%dma_start3A_480 : memref<128x64xf32, #tpu.memory_space<hbm>>) target_semaphore(%run_scoped3A_472 : memref<!tpu.dma_semaphore, #tpu.memory_space<semaphore_mem>>)
      %dma_wait3A_485 = arith.constant 0 : i32
      %dma_wait3A_486 = arith.constant 0 : i32
      %dma_wait3A_487 = tpu.memref_slice %arg24[%run_scoped3A_174, %dma_wait3A_485, %dma_wait3A_486] : memref<2x128x64xf32, #tpu.memory_space<vmem>> -> memref<1x128x64xf32, #tpu.memory_space<vmem>>
      %dma_wait3A_488 = tpu.memref_squeeze %dma_wait3A_487 : memref<1x128x64xf32, #tpu.memory_space<vmem>> -> memref<128x64xf32, #tpu.memory_space<vmem>>
      %dma_wait3A_489 = arith.constant 64 : i32
      %dma_wait3A_490 = tpu.memref_slice %arg14[%add3A_173, %dma_wait3A_489] : memref<16384x128xf32, #tpu.memory_space<hbm>> -> memref<128x64xf32, #tpu.memory_space<hbm>>
      %dma_wait3A_491 = arith.constant 64 : i32
      %dma_wait3A_492 = tpu.memref_slice %arg14[%add3A_173, %dma_wait3A_491] : memref<16384x128xf32, #tpu.memory_space<hbm>> -> memref<128x64xf32, #tpu.memory_space<hbm>>
      %dma_wait3A_493 = arith.constant 0 : i32
      %dma_wait3A_494 = arith.constant 0 : i32
      %dma_wait3A_495 = tpu.memref_slice %arg24[%run_scoped3A_174, %dma_wait3A_493, %dma_wait3A_494] : memref<2x128x64xf32, #tpu.memory_space<vmem>> -> memref<1x128x64xf32, #tpu.memory_space<vmem>>
      %dma_wait3A_496 = tpu.memref_squeeze %dma_wait3A_495 : memref<1x128x64xf32, #tpu.memory_space<vmem>> -> memref<128x64xf32, #tpu.memory_space<vmem>>
      tpu.wait_dma2 semaphore(%run_scoped3A_472 : memref<!tpu.dma_semaphore, #tpu.memory_space<semaphore_mem>>) src(%dma_wait3A_496 : memref<128x64xf32, #tpu.memory_space<vmem>>) dst(%dma_wait3A_492 : memref<128x64xf32, #tpu.memory_space<hbm>>)
      tpu.yield
    }) : () -> ()
    %dma_start3A_175 = arith.constant 0 : i32
    %dma_start3A_176 = arith.constant 0 : i32
    %dma_start3A_177 = arith.constant 0 : i32
    %dma_start3A_178 = tpu.memref_slice %arg24[%dma_start3A_175, %dma_start3A_176, %dma_start3A_177] : memref<2x128x64xf32, #tpu.memory_space<vmem>> -> memref<1x128x64xf32, #tpu.memory_space<vmem>>
    %dma_start3A_179 = tpu.memref_squeeze %dma_start3A_178 : memref<1x128x64xf32, #tpu.memory_space<vmem>> -> memref<128x64xf32, #tpu.memory_space<vmem>>
    %dma_start3A_180 = arith.constant 256 : i32
    %dma_start3A_181 = tpu.memref_slice %arg19[%dma_start3A_180] : memref<512xi32, #tpu.memory_space<vmem>> -> memref<128xi32, #tpu.memory_space<vmem>>
    %dma_start3A_182 = arith.constant 0 : i32
    %dma_start3A_183 = arith.constant 0 : i32
    %dma_start3A_184 = tpu.memref_slice %arg5[%dma_start3A_182, %dma_start3A_183] : memref<212992x64xf32, #tpu.memory_space<hbm>> -> memref<212992x64xf32, #tpu.memory_space<hbm>>
    tpu.enqueue_indirect_dma source(%dma_start3A_184 : memref<212992x64xf32, #tpu.memory_space<hbm>>) target(%dma_start3A_179 : memref<128x64xf32, #tpu.memory_space<vmem>>) offsets(%dma_start3A_181 : memref<128xi32, #tpu.memory_space<vmem>>) semaphore(%arg29 : memref<!tpu.dma_semaphore, #tpu.memory_space<semaphore_mem>>)
    %dma_wait3A_185 = arith.constant 0 : i32
    %dma_wait3A_186 = arith.constant 0 : i32
    %dma_wait3A_187 = arith.constant 0 : i32
    %dma_wait3A_188 = tpu.memref_slice %arg25[%dma_wait3A_185, %dma_wait3A_186, %dma_wait3A_187] : memref<2x128x128xf32, #tpu.memory_space<vmem>> -> memref<1x128x128xf32, #tpu.memory_space<vmem>>
    %dma_wait3A_189 = tpu.memref_squeeze %dma_wait3A_188 : memref<1x128x128xf32, #tpu.memory_space<vmem>> -> memref<128x128xf32, #tpu.memory_space<vmem>>
    %dma_wait3A_190 = arith.constant 0 : i32
    %dma_wait3A_191 = tpu.memref_slice %arg20[%dma_wait3A_190] : memref<512xi32, #tpu.memory_space<vmem>> -> memref<128xi32, #tpu.memory_space<vmem>>
    %dma_wait3A_192 = arith.constant 0 : i32
    %dma_wait3A_193 = arith.constant 0 : i32
    %dma_wait3A_194 = tpu.memref_slice %arg6[%dma_wait3A_192, %dma_wait3A_193] : memref<16384x128xf32, #tpu.memory_space<hbm>> -> memref<16384x128xf32, #tpu.memory_space<hbm>>
    tpu.wait_indirect_dma semaphore(%arg30 : memref<!tpu.dma_semaphore, #tpu.memory_space<semaphore_mem>>) src(%dma_wait3A_194 : memref<16384x128xf32, #tpu.memory_space<hbm>>) dst(%dma_wait3A_189 : memref<128x128xf32, #tpu.memory_space<vmem>>)
    %add3A_195 = arith.constant 0 : i32
    %add3A_196 = arith.addi %mul3A_2, %add3A_195 : i32
    %run_scoped3A_197 = arith.constant 0 : i32
    "tpu.region"() ({
      %run_scoped3A_472 = tpu.sem_alloc : memref<!tpu.dma_semaphore, #tpu.memory_space<semaphore_mem>>
      %dma_start3A_473 = arith.constant 0 : i32
      %dma_start3A_474 = arith.constant 0 : i32
      %dma_start3A_475 = tpu.memref_slice %arg25[%run_scoped3A_197, %dma_start3A_473, %dma_start3A_474] : memref<2x128x128xf32, #tpu.memory_space<vmem>> -> memref<1x128x128xf32, #tpu.memory_space<vmem>>
      %dma_start3A_476 = tpu.memref_squeeze %dma_start3A_475 : memref<1x128x128xf32, #tpu.memory_space<vmem>> -> memref<128x128xf32, #tpu.memory_space<vmem>>
      %dma_start3A_477 = arith.constant 0 : i32
      %dma_start3A_478 = tpu.memref_slice %arg15[%add3A_196, %dma_start3A_477] : memref<16384x128xf32, #tpu.memory_space<hbm>> -> memref<128x128xf32, #tpu.memory_space<hbm>>
      %dma_start3A_479 = arith.constant 0 : i32
      %dma_start3A_480 = tpu.memref_slice %arg15[%add3A_196, %dma_start3A_479] : memref<16384x128xf32, #tpu.memory_space<hbm>> -> memref<128x128xf32, #tpu.memory_space<hbm>>
      %dma_start3A_481 = arith.constant 0 : i32
      %dma_start3A_482 = arith.constant 0 : i32
      %dma_start3A_483 = tpu.memref_slice %arg25[%run_scoped3A_197, %dma_start3A_481, %dma_start3A_482] : memref<2x128x128xf32, #tpu.memory_space<vmem>> -> memref<1x128x128xf32, #tpu.memory_space<vmem>>
      %dma_start3A_484 = tpu.memref_squeeze %dma_start3A_483 : memref<1x128x128xf32, #tpu.memory_space<vmem>> -> memref<128x128xf32, #tpu.memory_space<vmem>>
      tpu.enqueue_dma source(%dma_start3A_484 : memref<128x128xf32, #tpu.memory_space<vmem>>) target(%dma_start3A_480 : memref<128x128xf32, #tpu.memory_space<hbm>>) target_semaphore(%run_scoped3A_472 : memref<!tpu.dma_semaphore, #tpu.memory_space<semaphore_mem>>)
      %dma_wait3A_485 = arith.constant 0 : i32
      %dma_wait3A_486 = arith.constant 0 : i32
      %dma_wait3A_487 = tpu.memref_slice %arg25[%run_scoped3A_197, %dma_wait3A_485, %dma_wait3A_486] : memref<2x128x128xf32, #tpu.memory_space<vmem>> -> memref<1x128x128xf32, #tpu.memory_space<vmem>>
      %dma_wait3A_488 = tpu.memref_squeeze %dma_wait3A_487 : memref<1x128x128xf32, #tpu.memory_space<vmem>> -> memref<128x128xf32, #tpu.memory_space<vmem>>
      %dma_wait3A_489 = arith.constant 0 : i32
      %dma_wait3A_490 = tpu.memref_slice %arg15[%add3A_196, %dma_wait3A_489] : memref<16384x128xf32, #tpu.memory_space<hbm>> -> memref<128x128xf32, #tpu.memory_space<hbm>>
      %dma_wait3A_491 = arith.constant 0 : i32
      %dma_wait3A_492 = tpu.memref_slice %arg15[%add3A_196, %dma_wait3A_491] : memref<16384x128xf32, #tpu.memory_space<hbm>> -> memref<128x128xf32, #tpu.memory_space<hbm>>
      %dma_wait3A_493 = arith.constant 0 : i32
      %dma_wait3A_494 = arith.constant 0 : i32
      %dma_wait3A_495 = tpu.memref_slice %arg25[%run_scoped3A_197, %dma_wait3A_493, %dma_wait3A_494] : memref<2x128x128xf32, #tpu.memory_space<vmem>> -> memref<1x128x128xf32, #tpu.memory_space<vmem>>
      %dma_wait3A_496 = tpu.memref_squeeze %dma_wait3A_495 : memref<1x128x128xf32, #tpu.memory_space<vmem>> -> memref<128x128xf32, #tpu.memory_space<vmem>>
      tpu.wait_dma2 semaphore(%run_scoped3A_472 : memref<!tpu.dma_semaphore, #tpu.memory_space<semaphore_mem>>) src(%dma_wait3A_496 : memref<128x128xf32, #tpu.memory_space<vmem>>) dst(%dma_wait3A_492 : memref<128x128xf32, #tpu.memory_space<hbm>>)
      tpu.yield
    }) : () -> ()
    %dma_start3A_198 = arith.constant 0 : i32
    %dma_start3A_199 = arith.constant 0 : i32
    %dma_start3A_200 = arith.constant 0 : i32
    %dma_start3A_201 = tpu.memref_slice %arg25[%dma_start3A_198, %dma_start3A_199, %dma_start3A_200] : memref<2x128x128xf32, #tpu.memory_space<vmem>> -> memref<1x128x128xf32, #tpu.memory_space<vmem>>
    %dma_start3A_202 = tpu.memref_squeeze %dma_start3A_201 : memref<1x128x128xf32, #tpu.memory_space<vmem>> -> memref<128x128xf32, #tpu.memory_space<vmem>>
    %dma_start3A_203 = arith.constant 256 : i32
    %dma_start3A_204 = tpu.memref_slice %arg20[%dma_start3A_203] : memref<512xi32, #tpu.memory_space<vmem>> -> memref<128xi32, #tpu.memory_space<vmem>>
    %dma_start3A_205 = arith.constant 0 : i32
    %dma_start3A_206 = arith.constant 0 : i32
    %dma_start3A_207 = tpu.memref_slice %arg6[%dma_start3A_205, %dma_start3A_206] : memref<16384x128xf32, #tpu.memory_space<hbm>> -> memref<16384x128xf32, #tpu.memory_space<hbm>>
    tpu.enqueue_indirect_dma source(%dma_start3A_207 : memref<16384x128xf32, #tpu.memory_space<hbm>>) target(%dma_start3A_202 : memref<128x128xf32, #tpu.memory_space<vmem>>) offsets(%dma_start3A_204 : memref<128xi32, #tpu.memory_space<vmem>>) semaphore(%arg30 : memref<!tpu.dma_semaphore, #tpu.memory_space<semaphore_mem>>)
    %dma_wait3A_208 = arith.constant 0 : i32
    %dma_wait3A_209 = arith.constant 0 : i32
    %dma_wait3A_210 = arith.constant 0 : i32
    %dma_wait3A_211 = tpu.memref_slice %arg21[%dma_wait3A_208, %dma_wait3A_209, %dma_wait3A_210] : memref<1x128x256xf32, #tpu.memory_space<vmem>> -> memref<1x128x256xf32, #tpu.memory_space<vmem>>
    %dma_wait3A_212 = tpu.memref_squeeze %dma_wait3A_211 : memref<1x128x256xf32, #tpu.memory_space<vmem>> -> memref<128x256xf32, #tpu.memory_space<vmem>>
    %dma_wait3A_213 = arith.constant 128 : i32
    %dma_wait3A_214 = tpu.memref_slice %arg16[%dma_wait3A_213] : memref<512xi32, #tpu.memory_space<vmem>> -> memref<128xi32, #tpu.memory_space<vmem>>
    %dma_wait3A_215 = arith.constant 0 : i32
    %dma_wait3A_216 = arith.constant 0 : i32
    %dma_wait3A_217 = tpu.memref_slice %arg2[%dma_wait3A_215, %dma_wait3A_216] : memref<35x256xf32, #tpu.memory_space<hbm>> -> memref<35x256xf32, #tpu.memory_space<hbm>>
    tpu.wait_indirect_dma semaphore(%arg26 : memref<!tpu.dma_semaphore, #tpu.memory_space<semaphore_mem>>) src(%dma_wait3A_217 : memref<35x256xf32, #tpu.memory_space<hbm>>) dst(%dma_wait3A_212 : memref<128x256xf32, #tpu.memory_space<vmem>>)
    %add3A_218 = arith.constant 128 : i32
    %add3A_219 = arith.addi %mul3A_2, %add3A_218 : i32
    %run_scoped3A_220 = arith.constant 0 : i32
    "tpu.region"() ({
      %run_scoped3A_472 = tpu.sem_alloc : memref<!tpu.dma_semaphore, #tpu.memory_space<semaphore_mem>>
      %dma_start3A_473 = arith.constant 0 : i32
      %dma_start3A_474 = arith.constant 0 : i32
      %dma_start3A_475 = tpu.memref_slice %arg21[%run_scoped3A_220, %dma_start3A_473, %dma_start3A_474] : memref<1x128x256xf32, #tpu.memory_space<vmem>> -> memref<1x128x256xf32, #tpu.memory_space<vmem>>
      %dma_start3A_476 = tpu.memref_squeeze %dma_start3A_475 : memref<1x128x256xf32, #tpu.memory_space<vmem>> -> memref<128x256xf32, #tpu.memory_space<vmem>>
      %dma_start3A_477 = arith.constant 0 : i32
      %dma_start3A_478 = arith.constant 0 : i32
      %dma_start3A_479 = tpu.memref_slice %dma_start3A_476[%dma_start3A_477, %dma_start3A_478] : memref<128x256xf32, #tpu.memory_space<vmem>> -> memref<128x128xf32, #tpu.memory_space<vmem>>
      %dma_start3A_480 = arith.constant 0 : i32
      %dma_start3A_481 = tpu.memref_slice %arg12[%add3A_219, %dma_start3A_480] : memref<16384x128xf32, #tpu.memory_space<hbm>> -> memref<128x128xf32, #tpu.memory_space<hbm>>
      %dma_start3A_482 = arith.constant 0 : i32
      %dma_start3A_483 = tpu.memref_slice %arg12[%add3A_219, %dma_start3A_482] : memref<16384x128xf32, #tpu.memory_space<hbm>> -> memref<128x128xf32, #tpu.memory_space<hbm>>
      %dma_start3A_484 = arith.constant 0 : i32
      %dma_start3A_485 = arith.constant 0 : i32
      %dma_start3A_486 = tpu.memref_slice %arg21[%run_scoped3A_220, %dma_start3A_484, %dma_start3A_485] : memref<1x128x256xf32, #tpu.memory_space<vmem>> -> memref<1x128x256xf32, #tpu.memory_space<vmem>>
      %dma_start3A_487 = tpu.memref_squeeze %dma_start3A_486 : memref<1x128x256xf32, #tpu.memory_space<vmem>> -> memref<128x256xf32, #tpu.memory_space<vmem>>
      %dma_start3A_488 = arith.constant 0 : i32
      %dma_start3A_489 = arith.constant 0 : i32
      %dma_start3A_490 = tpu.memref_slice %dma_start3A_487[%dma_start3A_488, %dma_start3A_489] : memref<128x256xf32, #tpu.memory_space<vmem>> -> memref<128x128xf32, #tpu.memory_space<vmem>>
      tpu.enqueue_dma source(%dma_start3A_490 : memref<128x128xf32, #tpu.memory_space<vmem>>) target(%dma_start3A_483 : memref<128x128xf32, #tpu.memory_space<hbm>>) target_semaphore(%run_scoped3A_472 : memref<!tpu.dma_semaphore, #tpu.memory_space<semaphore_mem>>)
      %dma_wait3A_491 = arith.constant 0 : i32
      %dma_wait3A_492 = arith.constant 0 : i32
      %dma_wait3A_493 = tpu.memref_slice %arg21[%run_scoped3A_220, %dma_wait3A_491, %dma_wait3A_492] : memref<1x128x256xf32, #tpu.memory_space<vmem>> -> memref<1x128x256xf32, #tpu.memory_space<vmem>>
      %dma_wait3A_494 = tpu.memref_squeeze %dma_wait3A_493 : memref<1x128x256xf32, #tpu.memory_space<vmem>> -> memref<128x256xf32, #tpu.memory_space<vmem>>
      %dma_wait3A_495 = arith.constant 0 : i32
      %dma_wait3A_496 = arith.constant 0 : i32
      %dma_wait3A_497 = tpu.memref_slice %dma_wait3A_494[%dma_wait3A_495, %dma_wait3A_496] : memref<128x256xf32, #tpu.memory_space<vmem>> -> memref<128x128xf32, #tpu.memory_space<vmem>>
      %dma_wait3A_498 = arith.constant 0 : i32
      %dma_wait3A_499 = tpu.memref_slice %arg12[%add3A_219, %dma_wait3A_498] : memref<16384x128xf32, #tpu.memory_space<hbm>> -> memref<128x128xf32, #tpu.memory_space<hbm>>
      %dma_wait3A_500 = arith.constant 0 : i32
      %dma_wait3A_501 = tpu.memref_slice %arg12[%add3A_219, %dma_wait3A_500] : memref<16384x128xf32, #tpu.memory_space<hbm>> -> memref<128x128xf32, #tpu.memory_space<hbm>>
      %dma_wait3A_502 = arith.constant 0 : i32
      %dma_wait3A_503 = arith.constant 0 : i32
      %dma_wait3A_504 = tpu.memref_slice %arg21[%run_scoped3A_220, %dma_wait3A_502, %dma_wait3A_503] : memref<1x128x256xf32, #tpu.memory_space<vmem>> -> memref<1x128x256xf32, #tpu.memory_space<vmem>>
      %dma_wait3A_505 = tpu.memref_squeeze %dma_wait3A_504 : memref<1x128x256xf32, #tpu.memory_space<vmem>> -> memref<128x256xf32, #tpu.memory_space<vmem>>
      %dma_wait3A_506 = arith.constant 0 : i32
      %dma_wait3A_507 = arith.constant 0 : i32
      %dma_wait3A_508 = tpu.memref_slice %dma_wait3A_505[%dma_wait3A_506, %dma_wait3A_507] : memref<128x256xf32, #tpu.memory_space<vmem>> -> memref<128x128xf32, #tpu.memory_space<vmem>>
      tpu.wait_dma2 semaphore(%run_scoped3A_472 : memref<!tpu.dma_semaphore, #tpu.memory_space<semaphore_mem>>) src(%dma_wait3A_508 : memref<128x128xf32, #tpu.memory_space<vmem>>) dst(%dma_wait3A_501 : memref<128x128xf32, #tpu.memory_space<hbm>>)
      tpu.yield
    }) : () -> ()
    %add3A_221 = arith.constant 128 : i32
    %add3A_222 = arith.addi %mul3A_2, %add3A_221 : i32
    %run_scoped3A_223 = arith.constant 0 : i32
    "tpu.region"() ({
      %run_scoped3A_472 = tpu.sem_alloc : memref<!tpu.dma_semaphore, #tpu.memory_space<semaphore_mem>>
      %dma_start3A_473 = arith.constant 0 : i32
      %dma_start3A_474 = arith.constant 0 : i32
      %dma_start3A_475 = tpu.memref_slice %arg21[%run_scoped3A_223, %dma_start3A_473, %dma_start3A_474] : memref<1x128x256xf32, #tpu.memory_space<vmem>> -> memref<1x128x256xf32, #tpu.memory_space<vmem>>
      %dma_start3A_476 = tpu.memref_squeeze %dma_start3A_475 : memref<1x128x256xf32, #tpu.memory_space<vmem>> -> memref<128x256xf32, #tpu.memory_space<vmem>>
      %dma_start3A_477 = arith.constant 0 : i32
      %dma_start3A_478 = arith.constant 128 : i32
      %dma_start3A_479 = tpu.memref_slice %dma_start3A_476[%dma_start3A_477, %dma_start3A_478] : memref<128x256xf32, #tpu.memory_space<vmem>> -> memref<128x128xf32, #tpu.memory_space<vmem>>
      %dma_start3A_480 = arith.constant 0 : i32
      %dma_start3A_481 = tpu.memref_slice %arg13[%add3A_222, %dma_start3A_480] : memref<16384x128xf32, #tpu.memory_space<hbm>> -> memref<128x128xf32, #tpu.memory_space<hbm>>
      %dma_start3A_482 = arith.constant 0 : i32
      %dma_start3A_483 = tpu.memref_slice %arg13[%add3A_222, %dma_start3A_482] : memref<16384x128xf32, #tpu.memory_space<hbm>> -> memref<128x128xf32, #tpu.memory_space<hbm>>
      %dma_start3A_484 = arith.constant 0 : i32
      %dma_start3A_485 = arith.constant 0 : i32
      %dma_start3A_486 = tpu.memref_slice %arg21[%run_scoped3A_223, %dma_start3A_484, %dma_start3A_485] : memref<1x128x256xf32, #tpu.memory_space<vmem>> -> memref<1x128x256xf32, #tpu.memory_space<vmem>>
      %dma_start3A_487 = tpu.memref_squeeze %dma_start3A_486 : memref<1x128x256xf32, #tpu.memory_space<vmem>> -> memref<128x256xf32, #tpu.memory_space<vmem>>
      %dma_start3A_488 = arith.constant 0 : i32
      %dma_start3A_489 = arith.constant 128 : i32
      %dma_start3A_490 = tpu.memref_slice %dma_start3A_487[%dma_start3A_488, %dma_start3A_489] : memref<128x256xf32, #tpu.memory_space<vmem>> -> memref<128x128xf32, #tpu.memory_space<vmem>>
      tpu.enqueue_dma source(%dma_start3A_490 : memref<128x128xf32, #tpu.memory_space<vmem>>) target(%dma_start3A_483 : memref<128x128xf32, #tpu.memory_space<hbm>>) target_semaphore(%run_scoped3A_472 : memref<!tpu.dma_semaphore, #tpu.memory_space<semaphore_mem>>)
      %dma_wait3A_491 = arith.constant 0 : i32
      %dma_wait3A_492 = arith.constant 0 : i32
      %dma_wait3A_493 = tpu.memref_slice %arg21[%run_scoped3A_223, %dma_wait3A_491, %dma_wait3A_492] : memref<1x128x256xf32, #tpu.memory_space<vmem>> -> memref<1x128x256xf32, #tpu.memory_space<vmem>>
      %dma_wait3A_494 = tpu.memref_squeeze %dma_wait3A_493 : memref<1x128x256xf32, #tpu.memory_space<vmem>> -> memref<128x256xf32, #tpu.memory_space<vmem>>
      %dma_wait3A_495 = arith.constant 0 : i32
      %dma_wait3A_496 = arith.constant 128 : i32
      %dma_wait3A_497 = tpu.memref_slice %dma_wait3A_494[%dma_wait3A_495, %dma_wait3A_496] : memref<128x256xf32, #tpu.memory_space<vmem>> -> memref<128x128xf32, #tpu.memory_space<vmem>>
      %dma_wait3A_498 = arith.constant 0 : i32
      %dma_wait3A_499 = tpu.memref_slice %arg13[%add3A_222, %dma_wait3A_498] : memref<16384x128xf32, #tpu.memory_space<hbm>> -> memref<128x128xf32, #tpu.memory_space<hbm>>
      %dma_wait3A_500 = arith.constant 0 : i32
      %dma_wait3A_501 = tpu.memref_slice %arg13[%add3A_222, %dma_wait3A_500] : memref<16384x128xf32, #tpu.memory_space<hbm>> -> memref<128x128xf32, #tpu.memory_space<hbm>>
      %dma_wait3A_502 = arith.constant 0 : i32
      %dma_wait3A_503 = arith.constant 0 : i32
      %dma_wait3A_504 = tpu.memref_slice %arg21[%run_scoped3A_223, %dma_wait3A_502, %dma_wait3A_503] : memref<1x128x256xf32, #tpu.memory_space<vmem>> -> memref<1x128x256xf32, #tpu.memory_space<vmem>>
      %dma_wait3A_505 = tpu.memref_squeeze %dma_wait3A_504 : memref<1x128x256xf32, #tpu.memory_space<vmem>> -> memref<128x256xf32, #tpu.memory_space<vmem>>
      %dma_wait3A_506 = arith.constant 0 : i32
      %dma_wait3A_507 = arith.constant 128 : i32
      %dma_wait3A_508 = tpu.memref_slice %dma_wait3A_505[%dma_wait3A_506, %dma_wait3A_507] : memref<128x256xf32, #tpu.memory_space<vmem>> -> memref<128x128xf32, #tpu.memory_space<vmem>>
      tpu.wait_dma2 semaphore(%run_scoped3A_472 : memref<!tpu.dma_semaphore, #tpu.memory_space<semaphore_mem>>) src(%dma_wait3A_508 : memref<128x128xf32, #tpu.memory_space<vmem>>) dst(%dma_wait3A_501 : memref<128x128xf32, #tpu.memory_space<hbm>>)
      tpu.yield
    }) : () -> ()
    %dma_start3A_224 = arith.constant 0 : i32
    %dma_start3A_225 = arith.constant 0 : i32
    %dma_start3A_226 = arith.constant 0 : i32
    %dma_start3A_227 = tpu.memref_slice %arg21[%dma_start3A_224, %dma_start3A_225, %dma_start3A_226] : memref<1x128x256xf32, #tpu.memory_space<vmem>> -> memref<1x128x256xf32, #tpu.memory_space<vmem>>
    %dma_start3A_228 = tpu.memref_squeeze %dma_start3A_227 : memref<1x128x256xf32, #tpu.memory_space<vmem>> -> memref<128x256xf32, #tpu.memory_space<vmem>>
    %dma_start3A_229 = arith.constant 256 : i32
    %dma_start3A_230 = tpu.memref_slice %arg16[%dma_start3A_229] : memref<512xi32, #tpu.memory_space<vmem>> -> memref<128xi32, #tpu.memory_space<vmem>>
    %dma_start3A_231 = arith.constant 0 : i32
    %dma_start3A_232 = arith.constant 0 : i32
    %dma_start3A_233 = tpu.memref_slice %arg2[%dma_start3A_231, %dma_start3A_232] : memref<35x256xf32, #tpu.memory_space<hbm>> -> memref<35x256xf32, #tpu.memory_space<hbm>>
    tpu.enqueue_indirect_dma source(%dma_start3A_233 : memref<35x256xf32, #tpu.memory_space<hbm>>) target(%dma_start3A_228 : memref<128x256xf32, #tpu.memory_space<vmem>>) offsets(%dma_start3A_230 : memref<128xi32, #tpu.memory_space<vmem>>) semaphore(%arg26 : memref<!tpu.dma_semaphore, #tpu.memory_space<semaphore_mem>>)
    %dma_wait3A_234 = arith.constant 1 : i32
    %dma_wait3A_235 = arith.constant 0 : i32
    %dma_wait3A_236 = arith.constant 0 : i32
    %dma_wait3A_237 = tpu.memref_slice %arg22[%dma_wait3A_234, %dma_wait3A_235, %dma_wait3A_236] : memref<2x128x32xf32, #tpu.memory_space<vmem>> -> memref<1x128x32xf32, #tpu.memory_space<vmem>>
    %dma_wait3A_238 = tpu.memref_squeeze %dma_wait3A_237 : memref<1x128x32xf32, #tpu.memory_space<vmem>> -> memref<128x32xf32, #tpu.memory_space<vmem>>
    %dma_wait3A_239 = arith.constant 128 : i32
    %dma_wait3A_240 = tpu.memref_slice %arg17[%dma_wait3A_239] : memref<512xi32, #tpu.memory_space<vmem>> -> memref<128xi32, #tpu.memory_space<vmem>>
    %dma_wait3A_241 = arith.constant 0 : i32
    %dma_wait3A_242 = arith.constant 0 : i32
    %dma_wait3A_243 = tpu.memref_slice %arg3[%dma_wait3A_241, %dma_wait3A_242] : memref<2015232x32xf32, #tpu.memory_space<hbm>> -> memref<2015232x32xf32, #tpu.memory_space<hbm>>
    tpu.wait_indirect_dma semaphore(%arg27 : memref<!tpu.dma_semaphore, #tpu.memory_space<semaphore_mem>>) src(%dma_wait3A_243 : memref<2015232x32xf32, #tpu.memory_space<hbm>>) dst(%dma_wait3A_238 : memref<128x32xf32, #tpu.memory_space<vmem>>)
    %add3A_244 = arith.constant 128 : i32
    %add3A_245 = arith.addi %mul3A_2, %add3A_244 : i32
    %run_scoped3A_246 = arith.constant 1 : i32
    "tpu.region"() ({
      %run_scoped3A_472 = tpu.sem_alloc : memref<!tpu.dma_semaphore, #tpu.memory_space<semaphore_mem>>
      %dma_start3A_473 = arith.constant 0 : i32
      %dma_start3A_474 = arith.constant 0 : i32
      %dma_start3A_475 = tpu.memref_slice %arg22[%run_scoped3A_246, %dma_start3A_473, %dma_start3A_474] : memref<2x128x32xf32, #tpu.memory_space<vmem>> -> memref<1x128x32xf32, #tpu.memory_space<vmem>>
      %dma_start3A_476 = tpu.memref_squeeze %dma_start3A_475 : memref<1x128x32xf32, #tpu.memory_space<vmem>> -> memref<128x32xf32, #tpu.memory_space<vmem>>
      %dma_start3A_477 = arith.constant 0 : i32
      %dma_start3A_478 = tpu.memref_slice %arg14[%add3A_245, %dma_start3A_477] : memref<16384x128xf32, #tpu.memory_space<hbm>> -> memref<128x32xf32, #tpu.memory_space<hbm>>
      %dma_start3A_479 = arith.constant 0 : i32
      %dma_start3A_480 = tpu.memref_slice %arg14[%add3A_245, %dma_start3A_479] : memref<16384x128xf32, #tpu.memory_space<hbm>> -> memref<128x32xf32, #tpu.memory_space<hbm>>
      %dma_start3A_481 = arith.constant 0 : i32
      %dma_start3A_482 = arith.constant 0 : i32
      %dma_start3A_483 = tpu.memref_slice %arg22[%run_scoped3A_246, %dma_start3A_481, %dma_start3A_482] : memref<2x128x32xf32, #tpu.memory_space<vmem>> -> memref<1x128x32xf32, #tpu.memory_space<vmem>>
      %dma_start3A_484 = tpu.memref_squeeze %dma_start3A_483 : memref<1x128x32xf32, #tpu.memory_space<vmem>> -> memref<128x32xf32, #tpu.memory_space<vmem>>
      tpu.enqueue_dma source(%dma_start3A_484 : memref<128x32xf32, #tpu.memory_space<vmem>>) target(%dma_start3A_480 : memref<128x32xf32, #tpu.memory_space<hbm>>) target_semaphore(%run_scoped3A_472 : memref<!tpu.dma_semaphore, #tpu.memory_space<semaphore_mem>>)
      %dma_wait3A_485 = arith.constant 0 : i32
      %dma_wait3A_486 = arith.constant 0 : i32
      %dma_wait3A_487 = tpu.memref_slice %arg22[%run_scoped3A_246, %dma_wait3A_485, %dma_wait3A_486] : memref<2x128x32xf32, #tpu.memory_space<vmem>> -> memref<1x128x32xf32, #tpu.memory_space<vmem>>
      %dma_wait3A_488 = tpu.memref_squeeze %dma_wait3A_487 : memref<1x128x32xf32, #tpu.memory_space<vmem>> -> memref<128x32xf32, #tpu.memory_space<vmem>>
      %dma_wait3A_489 = arith.constant 0 : i32
      %dma_wait3A_490 = tpu.memref_slice %arg14[%add3A_245, %dma_wait3A_489] : memref<16384x128xf32, #tpu.memory_space<hbm>> -> memref<128x32xf32, #tpu.memory_space<hbm>>
      %dma_wait3A_491 = arith.constant 0 : i32
      %dma_wait3A_492 = tpu.memref_slice %arg14[%add3A_245, %dma_wait3A_491] : memref<16384x128xf32, #tpu.memory_space<hbm>> -> memref<128x32xf32, #tpu.memory_space<hbm>>
      %dma_wait3A_493 = arith.constant 0 : i32
      %dma_wait3A_494 = arith.constant 0 : i32
      %dma_wait3A_495 = tpu.memref_slice %arg22[%run_scoped3A_246, %dma_wait3A_493, %dma_wait3A_494] : memref<2x128x32xf32, #tpu.memory_space<vmem>> -> memref<1x128x32xf32, #tpu.memory_space<vmem>>
      %dma_wait3A_496 = tpu.memref_squeeze %dma_wait3A_495 : memref<1x128x32xf32, #tpu.memory_space<vmem>> -> memref<128x32xf32, #tpu.memory_space<vmem>>
      tpu.wait_dma2 semaphore(%run_scoped3A_472 : memref<!tpu.dma_semaphore, #tpu.memory_space<semaphore_mem>>) src(%dma_wait3A_496 : memref<128x32xf32, #tpu.memory_space<vmem>>) dst(%dma_wait3A_492 : memref<128x32xf32, #tpu.memory_space<hbm>>)
      tpu.yield
    }) : () -> ()
    %dma_start3A_247 = arith.constant 1 : i32
    %dma_start3A_248 = arith.constant 0 : i32
    %dma_start3A_249 = arith.constant 0 : i32
    %dma_start3A_250 = tpu.memref_slice %arg22[%dma_start3A_247, %dma_start3A_248, %dma_start3A_249] : memref<2x128x32xf32, #tpu.memory_space<vmem>> -> memref<1x128x32xf32, #tpu.memory_space<vmem>>
    %dma_start3A_251 = tpu.memref_squeeze %dma_start3A_250 : memref<1x128x32xf32, #tpu.memory_space<vmem>> -> memref<128x32xf32, #tpu.memory_space<vmem>>
    %dma_start3A_252 = arith.constant 384 : i32
    %dma_start3A_253 = tpu.memref_slice %arg17[%dma_start3A_252] : memref<512xi32, #tpu.memory_space<vmem>> -> memref<128xi32, #tpu.memory_space<vmem>>
    %dma_start3A_254 = arith.constant 0 : i32
    %dma_start3A_255 = arith.constant 0 : i32
    %dma_start3A_256 = tpu.memref_slice %arg3[%dma_start3A_254, %dma_start3A_255] : memref<2015232x32xf32, #tpu.memory_space<hbm>> -> memref<2015232x32xf32, #tpu.memory_space<hbm>>
    tpu.enqueue_indirect_dma source(%dma_start3A_256 : memref<2015232x32xf32, #tpu.memory_space<hbm>>) target(%dma_start3A_251 : memref<128x32xf32, #tpu.memory_space<vmem>>) offsets(%dma_start3A_253 : memref<128xi32, #tpu.memory_space<vmem>>) semaphore(%arg27 : memref<!tpu.dma_semaphore, #tpu.memory_space<semaphore_mem>>)
    %dma_wait3A_257 = arith.constant 1 : i32
    %dma_wait3A_258 = arith.constant 0 : i32
    %dma_wait3A_259 = arith.constant 0 : i32
    %dma_wait3A_260 = tpu.memref_slice %arg23[%dma_wait3A_257, %dma_wait3A_258, %dma_wait3A_259] : memref<2x128x32xf32, #tpu.memory_space<vmem>> -> memref<1x128x32xf32, #tpu.memory_space<vmem>>
    %dma_wait3A_261 = tpu.memref_squeeze %dma_wait3A_260 : memref<1x128x32xf32, #tpu.memory_space<vmem>> -> memref<128x32xf32, #tpu.memory_space<vmem>>
    %dma_wait3A_262 = arith.constant 128 : i32
    %dma_wait3A_263 = tpu.memref_slice %arg18[%dma_wait3A_262] : memref<512xi32, #tpu.memory_space<vmem>> -> memref<128xi32, #tpu.memory_space<vmem>>
    %dma_wait3A_264 = arith.constant 0 : i32
    %dma_wait3A_265 = arith.constant 0 : i32
    %dma_wait3A_266 = tpu.memref_slice %arg4[%dma_wait3A_264, %dma_wait3A_265] : memref<51x32xf32, #tpu.memory_space<hbm>> -> memref<51x32xf32, #tpu.memory_space<hbm>>
    tpu.wait_indirect_dma semaphore(%arg28 : memref<!tpu.dma_semaphore, #tpu.memory_space<semaphore_mem>>) src(%dma_wait3A_266 : memref<51x32xf32, #tpu.memory_space<hbm>>) dst(%dma_wait3A_261 : memref<128x32xf32, #tpu.memory_space<vmem>>)
    %add3A_267 = arith.constant 128 : i32
    %add3A_268 = arith.addi %mul3A_2, %add3A_267 : i32
    %run_scoped3A_269 = arith.constant 1 : i32
    "tpu.region"() ({
      %run_scoped3A_472 = tpu.sem_alloc : memref<!tpu.dma_semaphore, #tpu.memory_space<semaphore_mem>>
      %dma_start3A_473 = arith.constant 0 : i32
      %dma_start3A_474 = arith.constant 0 : i32
      %dma_start3A_475 = tpu.memref_slice %arg23[%run_scoped3A_269, %dma_start3A_473, %dma_start3A_474] : memref<2x128x32xf32, #tpu.memory_space<vmem>> -> memref<1x128x32xf32, #tpu.memory_space<vmem>>
      %dma_start3A_476 = tpu.memref_squeeze %dma_start3A_475 : memref<1x128x32xf32, #tpu.memory_space<vmem>> -> memref<128x32xf32, #tpu.memory_space<vmem>>
      %dma_start3A_477 = arith.constant 32 : i32
      %dma_start3A_478 = tpu.memref_slice %arg14[%add3A_268, %dma_start3A_477] : memref<16384x128xf32, #tpu.memory_space<hbm>> -> memref<128x32xf32, #tpu.memory_space<hbm>>
      %dma_start3A_479 = arith.constant 32 : i32
      %dma_start3A_480 = tpu.memref_slice %arg14[%add3A_268, %dma_start3A_479] : memref<16384x128xf32, #tpu.memory_space<hbm>> -> memref<128x32xf32, #tpu.memory_space<hbm>>
      %dma_start3A_481 = arith.constant 0 : i32
      %dma_start3A_482 = arith.constant 0 : i32
      %dma_start3A_483 = tpu.memref_slice %arg23[%run_scoped3A_269, %dma_start3A_481, %dma_start3A_482] : memref<2x128x32xf32, #tpu.memory_space<vmem>> -> memref<1x128x32xf32, #tpu.memory_space<vmem>>
      %dma_start3A_484 = tpu.memref_squeeze %dma_start3A_483 : memref<1x128x32xf32, #tpu.memory_space<vmem>> -> memref<128x32xf32, #tpu.memory_space<vmem>>
      tpu.enqueue_dma source(%dma_start3A_484 : memref<128x32xf32, #tpu.memory_space<vmem>>) target(%dma_start3A_480 : memref<128x32xf32, #tpu.memory_space<hbm>>) target_semaphore(%run_scoped3A_472 : memref<!tpu.dma_semaphore, #tpu.memory_space<semaphore_mem>>)
      %dma_wait3A_485 = arith.constant 0 : i32
      %dma_wait3A_486 = arith.constant 0 : i32
      %dma_wait3A_487 = tpu.memref_slice %arg23[%run_scoped3A_269, %dma_wait3A_485, %dma_wait3A_486] : memref<2x128x32xf32, #tpu.memory_space<vmem>> -> memref<1x128x32xf32, #tpu.memory_space<vmem>>
      %dma_wait3A_488 = tpu.memref_squeeze %dma_wait3A_487 : memref<1x128x32xf32, #tpu.memory_space<vmem>> -> memref<128x32xf32, #tpu.memory_space<vmem>>
      %dma_wait3A_489 = arith.constant 32 : i32
      %dma_wait3A_490 = tpu.memref_slice %arg14[%add3A_268, %dma_wait3A_489] : memref<16384x128xf32, #tpu.memory_space<hbm>> -> memref<128x32xf32, #tpu.memory_space<hbm>>
      %dma_wait3A_491 = arith.constant 32 : i32
      %dma_wait3A_492 = tpu.memref_slice %arg14[%add3A_268, %dma_wait3A_491] : memref<16384x128xf32, #tpu.memory_space<hbm>> -> memref<128x32xf32, #tpu.memory_space<hbm>>
      %dma_wait3A_493 = arith.constant 0 : i32
      %dma_wait3A_494 = arith.constant 0 : i32
      %dma_wait3A_495 = tpu.memref_slice %arg23[%run_scoped3A_269, %dma_wait3A_493, %dma_wait3A_494] : memref<2x128x32xf32, #tpu.memory_space<vmem>> -> memref<1x128x32xf32, #tpu.memory_space<vmem>>
      %dma_wait3A_496 = tpu.memref_squeeze %dma_wait3A_495 : memref<1x128x32xf32, #tpu.memory_space<vmem>> -> memref<128x32xf32, #tpu.memory_space<vmem>>
      tpu.wait_dma2 semaphore(%run_scoped3A_472 : memref<!tpu.dma_semaphore, #tpu.memory_space<semaphore_mem>>) src(%dma_wait3A_496 : memref<128x32xf32, #tpu.memory_space<vmem>>) dst(%dma_wait3A_492 : memref<128x32xf32, #tpu.memory_space<hbm>>)
      tpu.yield
    }) : () -> ()
    %dma_start3A_270 = arith.constant 1 : i32
    %dma_start3A_271 = arith.constant 0 : i32
    %dma_start3A_272 = arith.constant 0 : i32
    %dma_start3A_273 = tpu.memref_slice %arg23[%dma_start3A_270, %dma_start3A_271, %dma_start3A_272] : memref<2x128x32xf32, #tpu.memory_space<vmem>> -> memref<1x128x32xf32, #tpu.memory_space<vmem>>
    %dma_start3A_274 = tpu.memref_squeeze %dma_start3A_273 : memref<1x128x32xf32, #tpu.memory_space<vmem>> -> memref<128x32xf32, #tpu.memory_space<vmem>>
    %dma_start3A_275 = arith.constant 384 : i32
    %dma_start3A_276 = tpu.memref_slice %arg18[%dma_start3A_275] : memref<512xi32, #tpu.memory_space<vmem>> -> memref<128xi32, #tpu.memory_space<vmem>>
    %dma_start3A_277 = arith.constant 0 : i32
    %dma_start3A_278 = arith.constant 0 : i32
    %dma_start3A_279 = tpu.memref_slice %arg4[%dma_start3A_277, %dma_start3A_278] : memref<51x32xf32, #tpu.memory_space<hbm>> -> memref<51x32xf32, #tpu.memory_space<hbm>>
    tpu.enqueue_indirect_dma source(%dma_start3A_279 : memref<51x32xf32, #tpu.memory_space<hbm>>) target(%dma_start3A_274 : memref<128x32xf32, #tpu.memory_space<vmem>>) offsets(%dma_start3A_276 : memref<128xi32, #tpu.memory_space<vmem>>) semaphore(%arg28 : memref<!tpu.dma_semaphore, #tpu.memory_space<semaphore_mem>>)
    %dma_wait3A_280 = arith.constant 1 : i32
    %dma_wait3A_281 = arith.constant 0 : i32
    %dma_wait3A_282 = arith.constant 0 : i32
    %dma_wait3A_283 = tpu.memref_slice %arg24[%dma_wait3A_280, %dma_wait3A_281, %dma_wait3A_282] : memref<2x128x64xf32, #tpu.memory_space<vmem>> -> memref<1x128x64xf32, #tpu.memory_space<vmem>>
    %dma_wait3A_284 = tpu.memref_squeeze %dma_wait3A_283 : memref<1x128x64xf32, #tpu.memory_space<vmem>> -> memref<128x64xf32, #tpu.memory_space<vmem>>
    %dma_wait3A_285 = arith.constant 128 : i32
    %dma_wait3A_286 = tpu.memref_slice %arg19[%dma_wait3A_285] : memref<512xi32, #tpu.memory_space<vmem>> -> memref<128xi32, #tpu.memory_space<vmem>>
    %dma_wait3A_287 = arith.constant 0 : i32
    %dma_wait3A_288 = arith.constant 0 : i32
    %dma_wait3A_289 = tpu.memref_slice %arg5[%dma_wait3A_287, %dma_wait3A_288] : memref<212992x64xf32, #tpu.memory_space<hbm>> -> memref<212992x64xf32, #tpu.memory_space<hbm>>
    tpu.wait_indirect_dma semaphore(%arg29 : memref<!tpu.dma_semaphore, #tpu.memory_space<semaphore_mem>>) src(%dma_wait3A_289 : memref<212992x64xf32, #tpu.memory_space<hbm>>) dst(%dma_wait3A_284 : memref<128x64xf32, #tpu.memory_space<vmem>>)
    %add3A_290 = arith.constant 128 : i32
    %add3A_291 = arith.addi %mul3A_2, %add3A_290 : i32
    %run_scoped3A_292 = arith.constant 1 : i32
    "tpu.region"() ({
      %run_scoped3A_472 = tpu.sem_alloc : memref<!tpu.dma_semaphore, #tpu.memory_space<semaphore_mem>>
      %dma_start3A_473 = arith.constant 0 : i32
      %dma_start3A_474 = arith.constant 0 : i32
      %dma_start3A_475 = tpu.memref_slice %arg24[%run_scoped3A_292, %dma_start3A_473, %dma_start3A_474] : memref<2x128x64xf32, #tpu.memory_space<vmem>> -> memref<1x128x64xf32, #tpu.memory_space<vmem>>
      %dma_start3A_476 = tpu.memref_squeeze %dma_start3A_475 : memref<1x128x64xf32, #tpu.memory_space<vmem>> -> memref<128x64xf32, #tpu.memory_space<vmem>>
      %dma_start3A_477 = arith.constant 64 : i32
      %dma_start3A_478 = tpu.memref_slice %arg14[%add3A_291, %dma_start3A_477] : memref<16384x128xf32, #tpu.memory_space<hbm>> -> memref<128x64xf32, #tpu.memory_space<hbm>>
      %dma_start3A_479 = arith.constant 64 : i32
      %dma_start3A_480 = tpu.memref_slice %arg14[%add3A_291, %dma_start3A_479] : memref<16384x128xf32, #tpu.memory_space<hbm>> -> memref<128x64xf32, #tpu.memory_space<hbm>>
      %dma_start3A_481 = arith.constant 0 : i32
      %dma_start3A_482 = arith.constant 0 : i32
      %dma_start3A_483 = tpu.memref_slice %arg24[%run_scoped3A_292, %dma_start3A_481, %dma_start3A_482] : memref<2x128x64xf32, #tpu.memory_space<vmem>> -> memref<1x128x64xf32, #tpu.memory_space<vmem>>
      %dma_start3A_484 = tpu.memref_squeeze %dma_start3A_483 : memref<1x128x64xf32, #tpu.memory_space<vmem>> -> memref<128x64xf32, #tpu.memory_space<vmem>>
      tpu.enqueue_dma source(%dma_start3A_484 : memref<128x64xf32, #tpu.memory_space<vmem>>) target(%dma_start3A_480 : memref<128x64xf32, #tpu.memory_space<hbm>>) target_semaphore(%run_scoped3A_472 : memref<!tpu.dma_semaphore, #tpu.memory_space<semaphore_mem>>)
      %dma_wait3A_485 = arith.constant 0 : i32
      %dma_wait3A_486 = arith.constant 0 : i32
      %dma_wait3A_487 = tpu.memref_slice %arg24[%run_scoped3A_292, %dma_wait3A_485, %dma_wait3A_486] : memref<2x128x64xf32, #tpu.memory_space<vmem>> -> memref<1x128x64xf32, #tpu.memory_space<vmem>>
      %dma_wait3A_488 = tpu.memref_squeeze %dma_wait3A_487 : memref<1x128x64xf32, #tpu.memory_space<vmem>> -> memref<128x64xf32, #tpu.memory_space<vmem>>
      %dma_wait3A_489 = arith.constant 64 : i32
      %dma_wait3A_490 = tpu.memref_slice %arg14[%add3A_291, %dma_wait3A_489] : memref<16384x128xf32, #tpu.memory_space<hbm>> -> memref<128x64xf32, #tpu.memory_space<hbm>>
      %dma_wait3A_491 = arith.constant 64 : i32
      %dma_wait3A_492 = tpu.memref_slice %arg14[%add3A_291, %dma_wait3A_491] : memref<16384x128xf32, #tpu.memory_space<hbm>> -> memref<128x64xf32, #tpu.memory_space<hbm>>
      %dma_wait3A_493 = arith.constant 0 : i32
      %dma_wait3A_494 = arith.constant 0 : i32
      %dma_wait3A_495 = tpu.memref_slice %arg24[%run_scoped3A_292, %dma_wait3A_493, %dma_wait3A_494] : memref<2x128x64xf32, #tpu.memory_space<vmem>> -> memref<1x128x64xf32, #tpu.memory_space<vmem>>
      %dma_wait3A_496 = tpu.memref_squeeze %dma_wait3A_495 : memref<1x128x64xf32, #tpu.memory_space<vmem>> -> memref<128x64xf32, #tpu.memory_space<vmem>>
      tpu.wait_dma2 semaphore(%run_scoped3A_472 : memref<!tpu.dma_semaphore, #tpu.memory_space<semaphore_mem>>) src(%dma_wait3A_496 : memref<128x64xf32, #tpu.memory_space<vmem>>) dst(%dma_wait3A_492 : memref<128x64xf32, #tpu.memory_space<hbm>>)
      tpu.yield
    }) : () -> ()
    %dma_start3A_293 = arith.constant 1 : i32
    %dma_start3A_294 = arith.constant 0 : i32
    %dma_start3A_295 = arith.constant 0 : i32
    %dma_start3A_296 = tpu.memref_slice %arg24[%dma_start3A_293, %dma_start3A_294, %dma_start3A_295] : memref<2x128x64xf32, #tpu.memory_space<vmem>> -> memref<1x128x64xf32, #tpu.memory_space<vmem>>
    %dma_start3A_297 = tpu.memref_squeeze %dma_start3A_296 : memref<1x128x64xf32, #tpu.memory_space<vmem>> -> memref<128x64xf32, #tpu.memory_space<vmem>>
    %dma_start3A_298 = arith.constant 384 : i32
    %dma_start3A_299 = tpu.memref_slice %arg19[%dma_start3A_298] : memref<512xi32, #tpu.memory_space<vmem>> -> memref<128xi32, #tpu.memory_space<vmem>>
    %dma_start3A_300 = arith.constant 0 : i32
    %dma_start3A_301 = arith.constant 0 : i32
    %dma_start3A_302 = tpu.memref_slice %arg5[%dma_start3A_300, %dma_start3A_301] : memref<212992x64xf32, #tpu.memory_space<hbm>> -> memref<212992x64xf32, #tpu.memory_space<hbm>>
    tpu.enqueue_indirect_dma source(%dma_start3A_302 : memref<212992x64xf32, #tpu.memory_space<hbm>>) target(%dma_start3A_297 : memref<128x64xf32, #tpu.memory_space<vmem>>) offsets(%dma_start3A_299 : memref<128xi32, #tpu.memory_space<vmem>>) semaphore(%arg29 : memref<!tpu.dma_semaphore, #tpu.memory_space<semaphore_mem>>)
    %dma_wait3A_303 = arith.constant 1 : i32
    %dma_wait3A_304 = arith.constant 0 : i32
    %dma_wait3A_305 = arith.constant 0 : i32
    %dma_wait3A_306 = tpu.memref_slice %arg25[%dma_wait3A_303, %dma_wait3A_304, %dma_wait3A_305] : memref<2x128x128xf32, #tpu.memory_space<vmem>> -> memref<1x128x128xf32, #tpu.memory_space<vmem>>
    %dma_wait3A_307 = tpu.memref_squeeze %dma_wait3A_306 : memref<1x128x128xf32, #tpu.memory_space<vmem>> -> memref<128x128xf32, #tpu.memory_space<vmem>>
    %dma_wait3A_308 = arith.constant 128 : i32
    %dma_wait3A_309 = tpu.memref_slice %arg20[%dma_wait3A_308] : memref<512xi32, #tpu.memory_space<vmem>> -> memref<128xi32, #tpu.memory_space<vmem>>
    %dma_wait3A_310 = arith.constant 0 : i32
    %dma_wait3A_311 = arith.constant 0 : i32
    %dma_wait3A_312 = tpu.memref_slice %arg6[%dma_wait3A_310, %dma_wait3A_311] : memref<16384x128xf32, #tpu.memory_space<hbm>> -> memref<16384x128xf32, #tpu.memory_space<hbm>>
    tpu.wait_indirect_dma semaphore(%arg30 : memref<!tpu.dma_semaphore, #tpu.memory_space<semaphore_mem>>) src(%dma_wait3A_312 : memref<16384x128xf32, #tpu.memory_space<hbm>>) dst(%dma_wait3A_307 : memref<128x128xf32, #tpu.memory_space<vmem>>)
    %add3A_313 = arith.constant 128 : i32
    %add3A_314 = arith.addi %mul3A_2, %add3A_313 : i32
    %run_scoped3A_315 = arith.constant 1 : i32
    "tpu.region"() ({
      %run_scoped3A_472 = tpu.sem_alloc : memref<!tpu.dma_semaphore, #tpu.memory_space<semaphore_mem>>
      %dma_start3A_473 = arith.constant 0 : i32
      %dma_start3A_474 = arith.constant 0 : i32
      %dma_start3A_475 = tpu.memref_slice %arg25[%run_scoped3A_315, %dma_start3A_473, %dma_start3A_474] : memref<2x128x128xf32, #tpu.memory_space<vmem>> -> memref<1x128x128xf32, #tpu.memory_space<vmem>>
      %dma_start3A_476 = tpu.memref_squeeze %dma_start3A_475 : memref<1x128x128xf32, #tpu.memory_space<vmem>> -> memref<128x128xf32, #tpu.memory_space<vmem>>
      %dma_start3A_477 = arith.constant 0 : i32
      %dma_start3A_478 = tpu.memref_slice %arg15[%add3A_314, %dma_start3A_477] : memref<16384x128xf32, #tpu.memory_space<hbm>> -> memref<128x128xf32, #tpu.memory_space<hbm>>
      %dma_start3A_479 = arith.constant 0 : i32
      %dma_start3A_480 = tpu.memref_slice %arg15[%add3A_314, %dma_start3A_479] : memref<16384x128xf32, #tpu.memory_space<hbm>> -> memref<128x128xf32, #tpu.memory_space<hbm>>
      %dma_start3A_481 = arith.constant 0 : i32
      %dma_start3A_482 = arith.constant 0 : i32
      %dma_start3A_483 = tpu.memref_slice %arg25[%run_scoped3A_315, %dma_start3A_481, %dma_start3A_482] : memref<2x128x128xf32, #tpu.memory_space<vmem>> -> memref<1x128x128xf32, #tpu.memory_space<vmem>>
      %dma_start3A_484 = tpu.memref_squeeze %dma_start3A_483 : memref<1x128x128xf32, #tpu.memory_space<vmem>> -> memref<128x128xf32, #tpu.memory_space<vmem>>
      tpu.enqueue_dma source(%dma_start3A_484 : memref<128x128xf32, #tpu.memory_space<vmem>>) target(%dma_start3A_480 : memref<128x128xf32, #tpu.memory_space<hbm>>) target_semaphore(%run_scoped3A_472 : memref<!tpu.dma_semaphore, #tpu.memory_space<semaphore_mem>>)
      %dma_wait3A_485 = arith.constant 0 : i32
      %dma_wait3A_486 = arith.constant 0 : i32
      %dma_wait3A_487 = tpu.memref_slice %arg25[%run_scoped3A_315, %dma_wait3A_485, %dma_wait3A_486] : memref<2x128x128xf32, #tpu.memory_space<vmem>> -> memref<1x128x128xf32, #tpu.memory_space<vmem>>
      %dma_wait3A_488 = tpu.memref_squeeze %dma_wait3A_487 : memref<1x128x128xf32, #tpu.memory_space<vmem>> -> memref<128x128xf32, #tpu.memory_space<vmem>>
      %dma_wait3A_489 = arith.constant 0 : i32
      %dma_wait3A_490 = tpu.memref_slice %arg15[%add3A_314, %dma_wait3A_489] : memref<16384x128xf32, #tpu.memory_space<hbm>> -> memref<128x128xf32, #tpu.memory_space<hbm>>
      %dma_wait3A_491 = arith.constant 0 : i32
      %dma_wait3A_492 = tpu.memref_slice %arg15[%add3A_314, %dma_wait3A_491] : memref<16384x128xf32, #tpu.memory_space<hbm>> -> memref<128x128xf32, #tpu.memory_space<hbm>>
      %dma_wait3A_493 = arith.constant 0 : i32
      %dma_wait3A_494 = arith.constant 0 : i32
      %dma_wait3A_495 = tpu.memref_slice %arg25[%run_scoped3A_315, %dma_wait3A_493, %dma_wait3A_494] : memref<2x128x128xf32, #tpu.memory_space<vmem>> -> memref<1x128x128xf32, #tpu.memory_space<vmem>>
      %dma_wait3A_496 = tpu.memref_squeeze %dma_wait3A_495 : memref<1x128x128xf32, #tpu.memory_space<vmem>> -> memref<128x128xf32, #tpu.memory_space<vmem>>
      tpu.wait_dma2 semaphore(%run_scoped3A_472 : memref<!tpu.dma_semaphore, #tpu.memory_space<semaphore_mem>>) src(%dma_wait3A_496 : memref<128x128xf32, #tpu.memory_space<vmem>>) dst(%dma_wait3A_492 : memref<128x128xf32, #tpu.memory_space<hbm>>)
      tpu.yield
    }) : () -> ()
    %dma_start3A_316 = arith.constant 1 : i32
    %dma_start3A_317 = arith.constant 0 : i32
    %dma_start3A_318 = arith.constant 0 : i32
    %dma_start3A_319 = tpu.memref_slice %arg25[%dma_start3A_316, %dma_start3A_317, %dma_start3A_318] : memref<2x128x128xf32, #tpu.memory_space<vmem>> -> memref<1x128x128xf32, #tpu.memory_space<vmem>>
    %dma_start3A_320 = tpu.memref_squeeze %dma_start3A_319 : memref<1x128x128xf32, #tpu.memory_space<vmem>> -> memref<128x128xf32, #tpu.memory_space<vmem>>
    %dma_start3A_321 = arith.constant 384 : i32
    %dma_start3A_322 = tpu.memref_slice %arg20[%dma_start3A_321] : memref<512xi32, #tpu.memory_space<vmem>> -> memref<128xi32, #tpu.memory_space<vmem>>
    %dma_start3A_323 = arith.constant 0 : i32
    %dma_start3A_324 = arith.constant 0 : i32
    %dma_start3A_325 = tpu.memref_slice %arg6[%dma_start3A_323, %dma_start3A_324] : memref<16384x128xf32, #tpu.memory_space<hbm>> -> memref<16384x128xf32, #tpu.memory_space<hbm>>
    tpu.enqueue_indirect_dma source(%dma_start3A_325 : memref<16384x128xf32, #tpu.memory_space<hbm>>) target(%dma_start3A_320 : memref<128x128xf32, #tpu.memory_space<vmem>>) offsets(%dma_start3A_322 : memref<128xi32, #tpu.memory_space<vmem>>) semaphore(%arg30 : memref<!tpu.dma_semaphore, #tpu.memory_space<semaphore_mem>>)
    %dma_wait3A_326 = arith.constant 0 : i32
    %dma_wait3A_327 = arith.constant 0 : i32
    %dma_wait3A_328 = arith.constant 0 : i32
    %dma_wait3A_329 = tpu.memref_slice %arg21[%dma_wait3A_326, %dma_wait3A_327, %dma_wait3A_328] : memref<1x128x256xf32, #tpu.memory_space<vmem>> -> memref<1x128x256xf32, #tpu.memory_space<vmem>>
    %dma_wait3A_330 = tpu.memref_squeeze %dma_wait3A_329 : memref<1x128x256xf32, #tpu.memory_space<vmem>> -> memref<128x256xf32, #tpu.memory_space<vmem>>
    %dma_wait3A_331 = arith.constant 256 : i32
    %dma_wait3A_332 = tpu.memref_slice %arg16[%dma_wait3A_331] : memref<512xi32, #tpu.memory_space<vmem>> -> memref<128xi32, #tpu.memory_space<vmem>>
    %dma_wait3A_333 = arith.constant 0 : i32
    %dma_wait3A_334 = arith.constant 0 : i32
    %dma_wait3A_335 = tpu.memref_slice %arg2[%dma_wait3A_333, %dma_wait3A_334] : memref<35x256xf32, #tpu.memory_space<hbm>> -> memref<35x256xf32, #tpu.memory_space<hbm>>
    tpu.wait_indirect_dma semaphore(%arg26 : memref<!tpu.dma_semaphore, #tpu.memory_space<semaphore_mem>>) src(%dma_wait3A_335 : memref<35x256xf32, #tpu.memory_space<hbm>>) dst(%dma_wait3A_330 : memref<128x256xf32, #tpu.memory_space<vmem>>)
    %add3A_336 = arith.constant 256 : i32
    %add3A_337 = arith.addi %mul3A_2, %add3A_336 : i32
    %run_scoped3A_338 = arith.constant 0 : i32
    "tpu.region"() ({
      %run_scoped3A_472 = tpu.sem_alloc : memref<!tpu.dma_semaphore, #tpu.memory_space<semaphore_mem>>
      %dma_start3A_473 = arith.constant 0 : i32
      %dma_start3A_474 = arith.constant 0 : i32
      %dma_start3A_475 = tpu.memref_slice %arg21[%run_scoped3A_338, %dma_start3A_473, %dma_start3A_474] : memref<1x128x256xf32, #tpu.memory_space<vmem>> -> memref<1x128x256xf32, #tpu.memory_space<vmem>>
      %dma_start3A_476 = tpu.memref_squeeze %dma_start3A_475 : memref<1x128x256xf32, #tpu.memory_space<vmem>> -> memref<128x256xf32, #tpu.memory_space<vmem>>
      %dma_start3A_477 = arith.constant 0 : i32
      %dma_start3A_478 = arith.constant 0 : i32
      %dma_start3A_479 = tpu.memref_slice %dma_start3A_476[%dma_start3A_477, %dma_start3A_478] : memref<128x256xf32, #tpu.memory_space<vmem>> -> memref<128x128xf32, #tpu.memory_space<vmem>>
      %dma_start3A_480 = arith.constant 0 : i32
      %dma_start3A_481 = tpu.memref_slice %arg12[%add3A_337, %dma_start3A_480] : memref<16384x128xf32, #tpu.memory_space<hbm>> -> memref<128x128xf32, #tpu.memory_space<hbm>>
      %dma_start3A_482 = arith.constant 0 : i32
      %dma_start3A_483 = tpu.memref_slice %arg12[%add3A_337, %dma_start3A_482] : memref<16384x128xf32, #tpu.memory_space<hbm>> -> memref<128x128xf32, #tpu.memory_space<hbm>>
      %dma_start3A_484 = arith.constant 0 : i32
      %dma_start3A_485 = arith.constant 0 : i32
      %dma_start3A_486 = tpu.memref_slice %arg21[%run_scoped3A_338, %dma_start3A_484, %dma_start3A_485] : memref<1x128x256xf32, #tpu.memory_space<vmem>> -> memref<1x128x256xf32, #tpu.memory_space<vmem>>
      %dma_start3A_487 = tpu.memref_squeeze %dma_start3A_486 : memref<1x128x256xf32, #tpu.memory_space<vmem>> -> memref<128x256xf32, #tpu.memory_space<vmem>>
      %dma_start3A_488 = arith.constant 0 : i32
      %dma_start3A_489 = arith.constant 0 : i32
      %dma_start3A_490 = tpu.memref_slice %dma_start3A_487[%dma_start3A_488, %dma_start3A_489] : memref<128x256xf32, #tpu.memory_space<vmem>> -> memref<128x128xf32, #tpu.memory_space<vmem>>
      tpu.enqueue_dma source(%dma_start3A_490 : memref<128x128xf32, #tpu.memory_space<vmem>>) target(%dma_start3A_483 : memref<128x128xf32, #tpu.memory_space<hbm>>) target_semaphore(%run_scoped3A_472 : memref<!tpu.dma_semaphore, #tpu.memory_space<semaphore_mem>>)
      %dma_wait3A_491 = arith.constant 0 : i32
      %dma_wait3A_492 = arith.constant 0 : i32
      %dma_wait3A_493 = tpu.memref_slice %arg21[%run_scoped3A_338, %dma_wait3A_491, %dma_wait3A_492] : memref<1x128x256xf32, #tpu.memory_space<vmem>> -> memref<1x128x256xf32, #tpu.memory_space<vmem>>
      %dma_wait3A_494 = tpu.memref_squeeze %dma_wait3A_493 : memref<1x128x256xf32, #tpu.memory_space<vmem>> -> memref<128x256xf32, #tpu.memory_space<vmem>>
      %dma_wait3A_495 = arith.constant 0 : i32
      %dma_wait3A_496 = arith.constant 0 : i32
      %dma_wait3A_497 = tpu.memref_slice %dma_wait3A_494[%dma_wait3A_495, %dma_wait3A_496] : memref<128x256xf32, #tpu.memory_space<vmem>> -> memref<128x128xf32, #tpu.memory_space<vmem>>
      %dma_wait3A_498 = arith.constant 0 : i32
      %dma_wait3A_499 = tpu.memref_slice %arg12[%add3A_337, %dma_wait3A_498] : memref<16384x128xf32, #tpu.memory_space<hbm>> -> memref<128x128xf32, #tpu.memory_space<hbm>>
      %dma_wait3A_500 = arith.constant 0 : i32
      %dma_wait3A_501 = tpu.memref_slice %arg12[%add3A_337, %dma_wait3A_500] : memref<16384x128xf32, #tpu.memory_space<hbm>> -> memref<128x128xf32, #tpu.memory_space<hbm>>
      %dma_wait3A_502 = arith.constant 0 : i32
      %dma_wait3A_503 = arith.constant 0 : i32
      %dma_wait3A_504 = tpu.memref_slice %arg21[%run_scoped3A_338, %dma_wait3A_502, %dma_wait3A_503] : memref<1x128x256xf32, #tpu.memory_space<vmem>> -> memref<1x128x256xf32, #tpu.memory_space<vmem>>
      %dma_wait3A_505 = tpu.memref_squeeze %dma_wait3A_504 : memref<1x128x256xf32, #tpu.memory_space<vmem>> -> memref<128x256xf32, #tpu.memory_space<vmem>>
      %dma_wait3A_506 = arith.constant 0 : i32
      %dma_wait3A_507 = arith.constant 0 : i32
      %dma_wait3A_508 = tpu.memref_slice %dma_wait3A_505[%dma_wait3A_506, %dma_wait3A_507] : memref<128x256xf32, #tpu.memory_space<vmem>> -> memref<128x128xf32, #tpu.memory_space<vmem>>
      tpu.wait_dma2 semaphore(%run_scoped3A_472 : memref<!tpu.dma_semaphore, #tpu.memory_space<semaphore_mem>>) src(%dma_wait3A_508 : memref<128x128xf32, #tpu.memory_space<vmem>>) dst(%dma_wait3A_501 : memref<128x128xf32, #tpu.memory_space<hbm>>)
      tpu.yield
    }) : () -> ()
    %add3A_339 = arith.constant 256 : i32
    %add3A_340 = arith.addi %mul3A_2, %add3A_339 : i32
    %run_scoped3A_341 = arith.constant 0 : i32
    "tpu.region"() ({
      %run_scoped3A_472 = tpu.sem_alloc : memref<!tpu.dma_semaphore, #tpu.memory_space<semaphore_mem>>
      %dma_start3A_473 = arith.constant 0 : i32
      %dma_start3A_474 = arith.constant 0 : i32
      %dma_start3A_475 = tpu.memref_slice %arg21[%run_scoped3A_341, %dma_start3A_473, %dma_start3A_474] : memref<1x128x256xf32, #tpu.memory_space<vmem>> -> memref<1x128x256xf32, #tpu.memory_space<vmem>>
      %dma_start3A_476 = tpu.memref_squeeze %dma_start3A_475 : memref<1x128x256xf32, #tpu.memory_space<vmem>> -> memref<128x256xf32, #tpu.memory_space<vmem>>
      %dma_start3A_477 = arith.constant 0 : i32
      %dma_start3A_478 = arith.constant 128 : i32
      %dma_start3A_479 = tpu.memref_slice %dma_start3A_476[%dma_start3A_477, %dma_start3A_478] : memref<128x256xf32, #tpu.memory_space<vmem>> -> memref<128x128xf32, #tpu.memory_space<vmem>>
      %dma_start3A_480 = arith.constant 0 : i32
      %dma_start3A_481 = tpu.memref_slice %arg13[%add3A_340, %dma_start3A_480] : memref<16384x128xf32, #tpu.memory_space<hbm>> -> memref<128x128xf32, #tpu.memory_space<hbm>>
      %dma_start3A_482 = arith.constant 0 : i32
      %dma_start3A_483 = tpu.memref_slice %arg13[%add3A_340, %dma_start3A_482] : memref<16384x128xf32, #tpu.memory_space<hbm>> -> memref<128x128xf32, #tpu.memory_space<hbm>>
      %dma_start3A_484 = arith.constant 0 : i32
      %dma_start3A_485 = arith.constant 0 : i32
      %dma_start3A_486 = tpu.memref_slice %arg21[%run_scoped3A_341, %dma_start3A_484, %dma_start3A_485] : memref<1x128x256xf32, #tpu.memory_space<vmem>> -> memref<1x128x256xf32, #tpu.memory_space<vmem>>
      %dma_start3A_487 = tpu.memref_squeeze %dma_start3A_486 : memref<1x128x256xf32, #tpu.memory_space<vmem>> -> memref<128x256xf32, #tpu.memory_space<vmem>>
      %dma_start3A_488 = arith.constant 0 : i32
      %dma_start3A_489 = arith.constant 128 : i32
      %dma_start3A_490 = tpu.memref_slice %dma_start3A_487[%dma_start3A_488, %dma_start3A_489] : memref<128x256xf32, #tpu.memory_space<vmem>> -> memref<128x128xf32, #tpu.memory_space<vmem>>
      tpu.enqueue_dma source(%dma_start3A_490 : memref<128x128xf32, #tpu.memory_space<vmem>>) target(%dma_start3A_483 : memref<128x128xf32, #tpu.memory_space<hbm>>) target_semaphore(%run_scoped3A_472 : memref<!tpu.dma_semaphore, #tpu.memory_space<semaphore_mem>>)
      %dma_wait3A_491 = arith.constant 0 : i32
      %dma_wait3A_492 = arith.constant 0 : i32
      %dma_wait3A_493 = tpu.memref_slice %arg21[%run_scoped3A_341, %dma_wait3A_491, %dma_wait3A_492] : memref<1x128x256xf32, #tpu.memory_space<vmem>> -> memref<1x128x256xf32, #tpu.memory_space<vmem>>
      %dma_wait3A_494 = tpu.memref_squeeze %dma_wait3A_493 : memref<1x128x256xf32, #tpu.memory_space<vmem>> -> memref<128x256xf32, #tpu.memory_space<vmem>>
      %dma_wait3A_495 = arith.constant 0 : i32
      %dma_wait3A_496 = arith.constant 128 : i32
      %dma_wait3A_497 = tpu.memref_slice %dma_wait3A_494[%dma_wait3A_495, %dma_wait3A_496] : memref<128x256xf32, #tpu.memory_space<vmem>> -> memref<128x128xf32, #tpu.memory_space<vmem>>
      %dma_wait3A_498 = arith.constant 0 : i32
      %dma_wait3A_499 = tpu.memref_slice %arg13[%add3A_340, %dma_wait3A_498] : memref<16384x128xf32, #tpu.memory_space<hbm>> -> memref<128x128xf32, #tpu.memory_space<hbm>>
      %dma_wait3A_500 = arith.constant 0 : i32
      %dma_wait3A_501 = tpu.memref_slice %arg13[%add3A_340, %dma_wait3A_500] : memref<16384x128xf32, #tpu.memory_space<hbm>> -> memref<128x128xf32, #tpu.memory_space<hbm>>
      %dma_wait3A_502 = arith.constant 0 : i32
      %dma_wait3A_503 = arith.constant 0 : i32
      %dma_wait3A_504 = tpu.memref_slice %arg21[%run_scoped3A_341, %dma_wait3A_502, %dma_wait3A_503] : memref<1x128x256xf32, #tpu.memory_space<vmem>> -> memref<1x128x256xf32, #tpu.memory_space<vmem>>
      %dma_wait3A_505 = tpu.memref_squeeze %dma_wait3A_504 : memref<1x128x256xf32, #tpu.memory_space<vmem>> -> memref<128x256xf32, #tpu.memory_space<vmem>>
      %dma_wait3A_506 = arith.constant 0 : i32
      %dma_wait3A_507 = arith.constant 128 : i32
      %dma_wait3A_508 = tpu.memref_slice %dma_wait3A_505[%dma_wait3A_506, %dma_wait3A_507] : memref<128x256xf32, #tpu.memory_space<vmem>> -> memref<128x128xf32, #tpu.memory_space<vmem>>
      tpu.wait_dma2 semaphore(%run_scoped3A_472 : memref<!tpu.dma_semaphore, #tpu.memory_space<semaphore_mem>>) src(%dma_wait3A_508 : memref<128x128xf32, #tpu.memory_space<vmem>>) dst(%dma_wait3A_501 : memref<128x128xf32, #tpu.memory_space<hbm>>)
      tpu.yield
    }) : () -> ()
    %dma_start3A_342 = arith.constant 0 : i32
    %dma_start3A_343 = arith.constant 0 : i32
    %dma_start3A_344 = arith.constant 0 : i32
    %dma_start3A_345 = tpu.memref_slice %arg21[%dma_start3A_342, %dma_start3A_343, %dma_start3A_344] : memref<1x128x256xf32, #tpu.memory_space<vmem>> -> memref<1x128x256xf32, #tpu.memory_space<vmem>>
    %dma_start3A_346 = tpu.memref_squeeze %dma_start3A_345 : memref<1x128x256xf32, #tpu.memory_space<vmem>> -> memref<128x256xf32, #tpu.memory_space<vmem>>
    %dma_start3A_347 = arith.constant 384 : i32
    %dma_start3A_348 = tpu.memref_slice %arg16[%dma_start3A_347] : memref<512xi32, #tpu.memory_space<vmem>> -> memref<128xi32, #tpu.memory_space<vmem>>
    %dma_start3A_349 = arith.constant 0 : i32
    %dma_start3A_350 = arith.constant 0 : i32
    %dma_start3A_351 = tpu.memref_slice %arg2[%dma_start3A_349, %dma_start3A_350] : memref<35x256xf32, #tpu.memory_space<hbm>> -> memref<35x256xf32, #tpu.memory_space<hbm>>
    tpu.enqueue_indirect_dma source(%dma_start3A_351 : memref<35x256xf32, #tpu.memory_space<hbm>>) target(%dma_start3A_346 : memref<128x256xf32, #tpu.memory_space<vmem>>) offsets(%dma_start3A_348 : memref<128xi32, #tpu.memory_space<vmem>>) semaphore(%arg26 : memref<!tpu.dma_semaphore, #tpu.memory_space<semaphore_mem>>)
    %dma_wait3A_352 = arith.constant 0 : i32
    %dma_wait3A_353 = arith.constant 0 : i32
    %dma_wait3A_354 = arith.constant 0 : i32
    %dma_wait3A_355 = tpu.memref_slice %arg22[%dma_wait3A_352, %dma_wait3A_353, %dma_wait3A_354] : memref<2x128x32xf32, #tpu.memory_space<vmem>> -> memref<1x128x32xf32, #tpu.memory_space<vmem>>
    %dma_wait3A_356 = tpu.memref_squeeze %dma_wait3A_355 : memref<1x128x32xf32, #tpu.memory_space<vmem>> -> memref<128x32xf32, #tpu.memory_space<vmem>>
    %dma_wait3A_357 = arith.constant 256 : i32
    %dma_wait3A_358 = tpu.memref_slice %arg17[%dma_wait3A_357] : memref<512xi32, #tpu.memory_space<vmem>> -> memref<128xi32, #tpu.memory_space<vmem>>
    %dma_wait3A_359 = arith.constant 0 : i32
    %dma_wait3A_360 = arith.constant 0 : i32
    %dma_wait3A_361 = tpu.memref_slice %arg3[%dma_wait3A_359, %dma_wait3A_360] : memref<2015232x32xf32, #tpu.memory_space<hbm>> -> memref<2015232x32xf32, #tpu.memory_space<hbm>>
    tpu.wait_indirect_dma semaphore(%arg27 : memref<!tpu.dma_semaphore, #tpu.memory_space<semaphore_mem>>) src(%dma_wait3A_361 : memref<2015232x32xf32, #tpu.memory_space<hbm>>) dst(%dma_wait3A_356 : memref<128x32xf32, #tpu.memory_space<vmem>>)
    %add3A_362 = arith.constant 256 : i32
    %add3A_363 = arith.addi %mul3A_2, %add3A_362 : i32
    %run_scoped3A_364 = arith.constant 0 : i32
    "tpu.region"() ({
      %run_scoped3A_472 = tpu.sem_alloc : memref<!tpu.dma_semaphore, #tpu.memory_space<semaphore_mem>>
      %dma_start3A_473 = arith.constant 0 : i32
      %dma_start3A_474 = arith.constant 0 : i32
      %dma_start3A_475 = tpu.memref_slice %arg22[%run_scoped3A_364, %dma_start3A_473, %dma_start3A_474] : memref<2x128x32xf32, #tpu.memory_space<vmem>> -> memref<1x128x32xf32, #tpu.memory_space<vmem>>
      %dma_start3A_476 = tpu.memref_squeeze %dma_start3A_475 : memref<1x128x32xf32, #tpu.memory_space<vmem>> -> memref<128x32xf32, #tpu.memory_space<vmem>>
      %dma_start3A_477 = arith.constant 0 : i32
      %dma_start3A_478 = tpu.memref_slice %arg14[%add3A_363, %dma_start3A_477] : memref<16384x128xf32, #tpu.memory_space<hbm>> -> memref<128x32xf32, #tpu.memory_space<hbm>>
      %dma_start3A_479 = arith.constant 0 : i32
      %dma_start3A_480 = tpu.memref_slice %arg14[%add3A_363, %dma_start3A_479] : memref<16384x128xf32, #tpu.memory_space<hbm>> -> memref<128x32xf32, #tpu.memory_space<hbm>>
      %dma_start3A_481 = arith.constant 0 : i32
      %dma_start3A_482 = arith.constant 0 : i32
      %dma_start3A_483 = tpu.memref_slice %arg22[%run_scoped3A_364, %dma_start3A_481, %dma_start3A_482] : memref<2x128x32xf32, #tpu.memory_space<vmem>> -> memref<1x128x32xf32, #tpu.memory_space<vmem>>
      %dma_start3A_484 = tpu.memref_squeeze %dma_start3A_483 : memref<1x128x32xf32, #tpu.memory_space<vmem>> -> memref<128x32xf32, #tpu.memory_space<vmem>>
      tpu.enqueue_dma source(%dma_start3A_484 : memref<128x32xf32, #tpu.memory_space<vmem>>) target(%dma_start3A_480 : memref<128x32xf32, #tpu.memory_space<hbm>>) target_semaphore(%run_scoped3A_472 : memref<!tpu.dma_semaphore, #tpu.memory_space<semaphore_mem>>)
      %dma_wait3A_485 = arith.constant 0 : i32
      %dma_wait3A_486 = arith.constant 0 : i32
      %dma_wait3A_487 = tpu.memref_slice %arg22[%run_scoped3A_364, %dma_wait3A_485, %dma_wait3A_486] : memref<2x128x32xf32, #tpu.memory_space<vmem>> -> memref<1x128x32xf32, #tpu.memory_space<vmem>>
      %dma_wait3A_488 = tpu.memref_squeeze %dma_wait3A_487 : memref<1x128x32xf32, #tpu.memory_space<vmem>> -> memref<128x32xf32, #tpu.memory_space<vmem>>
      %dma_wait3A_489 = arith.constant 0 : i32
      %dma_wait3A_490 = tpu.memref_slice %arg14[%add3A_363, %dma_wait3A_489] : memref<16384x128xf32, #tpu.memory_space<hbm>> -> memref<128x32xf32, #tpu.memory_space<hbm>>
      %dma_wait3A_491 = arith.constant 0 : i32
      %dma_wait3A_492 = tpu.memref_slice %arg14[%add3A_363, %dma_wait3A_491] : memref<16384x128xf32, #tpu.memory_space<hbm>> -> memref<128x32xf32, #tpu.memory_space<hbm>>
      %dma_wait3A_493 = arith.constant 0 : i32
      %dma_wait3A_494 = arith.constant 0 : i32
      %dma_wait3A_495 = tpu.memref_slice %arg22[%run_scoped3A_364, %dma_wait3A_493, %dma_wait3A_494] : memref<2x128x32xf32, #tpu.memory_space<vmem>> -> memref<1x128x32xf32, #tpu.memory_space<vmem>>
      %dma_wait3A_496 = tpu.memref_squeeze %dma_wait3A_495 : memref<1x128x32xf32, #tpu.memory_space<vmem>> -> memref<128x32xf32, #tpu.memory_space<vmem>>
      tpu.wait_dma2 semaphore(%run_scoped3A_472 : memref<!tpu.dma_semaphore, #tpu.memory_space<semaphore_mem>>) src(%dma_wait3A_496 : memref<128x32xf32, #tpu.memory_space<vmem>>) dst(%dma_wait3A_492 : memref<128x32xf32, #tpu.memory_space<hbm>>)
      tpu.yield
    }) : () -> ()
    %dma_wait3A_365 = arith.constant 0 : i32
    %dma_wait3A_366 = arith.constant 0 : i32
    %dma_wait3A_367 = arith.constant 0 : i32
    %dma_wait3A_368 = tpu.memref_slice %arg23[%dma_wait3A_365, %dma_wait3A_366, %dma_wait3A_367] : memref<2x128x32xf32, #tpu.memory_space<vmem>> -> memref<1x128x32xf32, #tpu.memory_space<vmem>>
    %dma_wait3A_369 = tpu.memref_squeeze %dma_wait3A_368 : memref<1x128x32xf32, #tpu.memory_space<vmem>> -> memref<128x32xf32, #tpu.memory_space<vmem>>
    %dma_wait3A_370 = arith.constant 256 : i32
    %dma_wait3A_371 = tpu.memref_slice %arg18[%dma_wait3A_370] : memref<512xi32, #tpu.memory_space<vmem>> -> memref<128xi32, #tpu.memory_space<vmem>>
    %dma_wait3A_372 = arith.constant 0 : i32
    %dma_wait3A_373 = arith.constant 0 : i32
    %dma_wait3A_374 = tpu.memref_slice %arg4[%dma_wait3A_372, %dma_wait3A_373] : memref<51x32xf32, #tpu.memory_space<hbm>> -> memref<51x32xf32, #tpu.memory_space<hbm>>
    tpu.wait_indirect_dma semaphore(%arg28 : memref<!tpu.dma_semaphore, #tpu.memory_space<semaphore_mem>>) src(%dma_wait3A_374 : memref<51x32xf32, #tpu.memory_space<hbm>>) dst(%dma_wait3A_369 : memref<128x32xf32, #tpu.memory_space<vmem>>)
    %add3A_375 = arith.constant 256 : i32
    %add3A_376 = arith.addi %mul3A_2, %add3A_375 : i32
    %run_scoped3A_377 = arith.constant 0 : i32
    "tpu.region"() ({
      %run_scoped3A_472 = tpu.sem_alloc : memref<!tpu.dma_semaphore, #tpu.memory_space<semaphore_mem>>
      %dma_start3A_473 = arith.constant 0 : i32
      %dma_start3A_474 = arith.constant 0 : i32
      %dma_start3A_475 = tpu.memref_slice %arg23[%run_scoped3A_377, %dma_start3A_473, %dma_start3A_474] : memref<2x128x32xf32, #tpu.memory_space<vmem>> -> memref<1x128x32xf32, #tpu.memory_space<vmem>>
      %dma_start3A_476 = tpu.memref_squeeze %dma_start3A_475 : memref<1x128x32xf32, #tpu.memory_space<vmem>> -> memref<128x32xf32, #tpu.memory_space<vmem>>
      %dma_start3A_477 = arith.constant 32 : i32
      %dma_start3A_478 = tpu.memref_slice %arg14[%add3A_376, %dma_start3A_477] : memref<16384x128xf32, #tpu.memory_space<hbm>> -> memref<128x32xf32, #tpu.memory_space<hbm>>
      %dma_start3A_479 = arith.constant 32 : i32
      %dma_start3A_480 = tpu.memref_slice %arg14[%add3A_376, %dma_start3A_479] : memref<16384x128xf32, #tpu.memory_space<hbm>> -> memref<128x32xf32, #tpu.memory_space<hbm>>
      %dma_start3A_481 = arith.constant 0 : i32
      %dma_start3A_482 = arith.constant 0 : i32
      %dma_start3A_483 = tpu.memref_slice %arg23[%run_scoped3A_377, %dma_start3A_481, %dma_start3A_482] : memref<2x128x32xf32, #tpu.memory_space<vmem>> -> memref<1x128x32xf32, #tpu.memory_space<vmem>>
      %dma_start3A_484 = tpu.memref_squeeze %dma_start3A_483 : memref<1x128x32xf32, #tpu.memory_space<vmem>> -> memref<128x32xf32, #tpu.memory_space<vmem>>
      tpu.enqueue_dma source(%dma_start3A_484 : memref<128x32xf32, #tpu.memory_space<vmem>>) target(%dma_start3A_480 : memref<128x32xf32, #tpu.memory_space<hbm>>) target_semaphore(%run_scoped3A_472 : memref<!tpu.dma_semaphore, #tpu.memory_space<semaphore_mem>>)
      %dma_wait3A_485 = arith.constant 0 : i32
      %dma_wait3A_486 = arith.constant 0 : i32
      %dma_wait3A_487 = tpu.memref_slice %arg23[%run_scoped3A_377, %dma_wait3A_485, %dma_wait3A_486] : memref<2x128x32xf32, #tpu.memory_space<vmem>> -> memref<1x128x32xf32, #tpu.memory_space<vmem>>
      %dma_wait3A_488 = tpu.memref_squeeze %dma_wait3A_487 : memref<1x128x32xf32, #tpu.memory_space<vmem>> -> memref<128x32xf32, #tpu.memory_space<vmem>>
      %dma_wait3A_489 = arith.constant 32 : i32
      %dma_wait3A_490 = tpu.memref_slice %arg14[%add3A_376, %dma_wait3A_489] : memref<16384x128xf32, #tpu.memory_space<hbm>> -> memref<128x32xf32, #tpu.memory_space<hbm>>
      %dma_wait3A_491 = arith.constant 32 : i32
      %dma_wait3A_492 = tpu.memref_slice %arg14[%add3A_376, %dma_wait3A_491] : memref<16384x128xf32, #tpu.memory_space<hbm>> -> memref<128x32xf32, #tpu.memory_space<hbm>>
      %dma_wait3A_493 = arith.constant 0 : i32
      %dma_wait3A_494 = arith.constant 0 : i32
      %dma_wait3A_495 = tpu.memref_slice %arg23[%run_scoped3A_377, %dma_wait3A_493, %dma_wait3A_494] : memref<2x128x32xf32, #tpu.memory_space<vmem>> -> memref<1x128x32xf32, #tpu.memory_space<vmem>>
      %dma_wait3A_496 = tpu.memref_squeeze %dma_wait3A_495 : memref<1x128x32xf32, #tpu.memory_space<vmem>> -> memref<128x32xf32, #tpu.memory_space<vmem>>
      tpu.wait_dma2 semaphore(%run_scoped3A_472 : memref<!tpu.dma_semaphore, #tpu.memory_space<semaphore_mem>>) src(%dma_wait3A_496 : memref<128x32xf32, #tpu.memory_space<vmem>>) dst(%dma_wait3A_492 : memref<128x32xf32, #tpu.memory_space<hbm>>)
      tpu.yield
    }) : () -> ()
    %dma_wait3A_378 = arith.constant 0 : i32
    %dma_wait3A_379 = arith.constant 0 : i32
    %dma_wait3A_380 = arith.constant 0 : i32
    %dma_wait3A_381 = tpu.memref_slice %arg24[%dma_wait3A_378, %dma_wait3A_379, %dma_wait3A_380] : memref<2x128x64xf32, #tpu.memory_space<vmem>> -> memref<1x128x64xf32, #tpu.memory_space<vmem>>
    %dma_wait3A_382 = tpu.memref_squeeze %dma_wait3A_381 : memref<1x128x64xf32, #tpu.memory_space<vmem>> -> memref<128x64xf32, #tpu.memory_space<vmem>>
    %dma_wait3A_383 = arith.constant 256 : i32
    %dma_wait3A_384 = tpu.memref_slice %arg19[%dma_wait3A_383] : memref<512xi32, #tpu.memory_space<vmem>> -> memref<128xi32, #tpu.memory_space<vmem>>
    %dma_wait3A_385 = arith.constant 0 : i32
    %dma_wait3A_386 = arith.constant 0 : i32
    %dma_wait3A_387 = tpu.memref_slice %arg5[%dma_wait3A_385, %dma_wait3A_386] : memref<212992x64xf32, #tpu.memory_space<hbm>> -> memref<212992x64xf32, #tpu.memory_space<hbm>>
    tpu.wait_indirect_dma semaphore(%arg29 : memref<!tpu.dma_semaphore, #tpu.memory_space<semaphore_mem>>) src(%dma_wait3A_387 : memref<212992x64xf32, #tpu.memory_space<hbm>>) dst(%dma_wait3A_382 : memref<128x64xf32, #tpu.memory_space<vmem>>)
    %add3A_388 = arith.constant 256 : i32
    %add3A_389 = arith.addi %mul3A_2, %add3A_388 : i32
    %run_scoped3A_390 = arith.constant 0 : i32
    "tpu.region"() ({
      %run_scoped3A_472 = tpu.sem_alloc : memref<!tpu.dma_semaphore, #tpu.memory_space<semaphore_mem>>
      %dma_start3A_473 = arith.constant 0 : i32
      %dma_start3A_474 = arith.constant 0 : i32
      %dma_start3A_475 = tpu.memref_slice %arg24[%run_scoped3A_390, %dma_start3A_473, %dma_start3A_474] : memref<2x128x64xf32, #tpu.memory_space<vmem>> -> memref<1x128x64xf32, #tpu.memory_space<vmem>>
      %dma_start3A_476 = tpu.memref_squeeze %dma_start3A_475 : memref<1x128x64xf32, #tpu.memory_space<vmem>> -> memref<128x64xf32, #tpu.memory_space<vmem>>
      %dma_start3A_477 = arith.constant 64 : i32
      %dma_start3A_478 = tpu.memref_slice %arg14[%add3A_389, %dma_start3A_477] : memref<16384x128xf32, #tpu.memory_space<hbm>> -> memref<128x64xf32, #tpu.memory_space<hbm>>
      %dma_start3A_479 = arith.constant 64 : i32
      %dma_start3A_480 = tpu.memref_slice %arg14[%add3A_389, %dma_start3A_479] : memref<16384x128xf32, #tpu.memory_space<hbm>> -> memref<128x64xf32, #tpu.memory_space<hbm>>
      %dma_start3A_481 = arith.constant 0 : i32
      %dma_start3A_482 = arith.constant 0 : i32
      %dma_start3A_483 = tpu.memref_slice %arg24[%run_scoped3A_390, %dma_start3A_481, %dma_start3A_482] : memref<2x128x64xf32, #tpu.memory_space<vmem>> -> memref<1x128x64xf32, #tpu.memory_space<vmem>>
      %dma_start3A_484 = tpu.memref_squeeze %dma_start3A_483 : memref<1x128x64xf32, #tpu.memory_space<vmem>> -> memref<128x64xf32, #tpu.memory_space<vmem>>
      tpu.enqueue_dma source(%dma_start3A_484 : memref<128x64xf32, #tpu.memory_space<vmem>>) target(%dma_start3A_480 : memref<128x64xf32, #tpu.memory_space<hbm>>) target_semaphore(%run_scoped3A_472 : memref<!tpu.dma_semaphore, #tpu.memory_space<semaphore_mem>>)
      %dma_wait3A_485 = arith.constant 0 : i32
      %dma_wait3A_486 = arith.constant 0 : i32
      %dma_wait3A_487 = tpu.memref_slice %arg24[%run_scoped3A_390, %dma_wait3A_485, %dma_wait3A_486] : memref<2x128x64xf32, #tpu.memory_space<vmem>> -> memref<1x128x64xf32, #tpu.memory_space<vmem>>
      %dma_wait3A_488 = tpu.memref_squeeze %dma_wait3A_487 : memref<1x128x64xf32, #tpu.memory_space<vmem>> -> memref<128x64xf32, #tpu.memory_space<vmem>>
      %dma_wait3A_489 = arith.constant 64 : i32
      %dma_wait3A_490 = tpu.memref_slice %arg14[%add3A_389, %dma_wait3A_489] : memref<16384x128xf32, #tpu.memory_space<hbm>> -> memref<128x64xf32, #tpu.memory_space<hbm>>
      %dma_wait3A_491 = arith.constant 64 : i32
      %dma_wait3A_492 = tpu.memref_slice %arg14[%add3A_389, %dma_wait3A_491] : memref<16384x128xf32, #tpu.memory_space<hbm>> -> memref<128x64xf32, #tpu.memory_space<hbm>>
      %dma_wait3A_493 = arith.constant 0 : i32
      %dma_wait3A_494 = arith.constant 0 : i32
      %dma_wait3A_495 = tpu.memref_slice %arg24[%run_scoped3A_390, %dma_wait3A_493, %dma_wait3A_494] : memref<2x128x64xf32, #tpu.memory_space<vmem>> -> memref<1x128x64xf32, #tpu.memory_space<vmem>>
      %dma_wait3A_496 = tpu.memref_squeeze %dma_wait3A_495 : memref<1x128x64xf32, #tpu.memory_space<vmem>> -> memref<128x64xf32, #tpu.memory_space<vmem>>
      tpu.wait_dma2 semaphore(%run_scoped3A_472 : memref<!tpu.dma_semaphore, #tpu.memory_space<semaphore_mem>>) src(%dma_wait3A_496 : memref<128x64xf32, #tpu.memory_space<vmem>>) dst(%dma_wait3A_492 : memref<128x64xf32, #tpu.memory_space<hbm>>)
      tpu.yield
    }) : () -> ()
    %dma_wait3A_391 = arith.constant 0 : i32
    %dma_wait3A_392 = arith.constant 0 : i32
    %dma_wait3A_393 = arith.constant 0 : i32
    %dma_wait3A_394 = tpu.memref_slice %arg25[%dma_wait3A_391, %dma_wait3A_392, %dma_wait3A_393] : memref<2x128x128xf32, #tpu.memory_space<vmem>> -> memref<1x128x128xf32, #tpu.memory_space<vmem>>
    %dma_wait3A_395 = tpu.memref_squeeze %dma_wait3A_394 : memref<1x128x128xf32, #tpu.memory_space<vmem>> -> memref<128x128xf32, #tpu.memory_space<vmem>>
    %dma_wait3A_396 = arith.constant 256 : i32
    %dma_wait3A_397 = tpu.memref_slice %arg20[%dma_wait3A_396] : memref<512xi32, #tpu.memory_space<vmem>> -> memref<128xi32, #tpu.memory_space<vmem>>
    %dma_wait3A_398 = arith.constant 0 : i32
    %dma_wait3A_399 = arith.constant 0 : i32
    %dma_wait3A_400 = tpu.memref_slice %arg6[%dma_wait3A_398, %dma_wait3A_399] : memref<16384x128xf32, #tpu.memory_space<hbm>> -> memref<16384x128xf32, #tpu.memory_space<hbm>>
    tpu.wait_indirect_dma semaphore(%arg30 : memref<!tpu.dma_semaphore, #tpu.memory_space<semaphore_mem>>) src(%dma_wait3A_400 : memref<16384x128xf32, #tpu.memory_space<hbm>>) dst(%dma_wait3A_395 : memref<128x128xf32, #tpu.memory_space<vmem>>)
    %add3A_401 = arith.constant 256 : i32
    %add3A_402 = arith.addi %mul3A_2, %add3A_401 : i32
    %run_scoped3A_403 = arith.constant 0 : i32
    "tpu.region"() ({
      %run_scoped3A_472 = tpu.sem_alloc : memref<!tpu.dma_semaphore, #tpu.memory_space<semaphore_mem>>
      %dma_start3A_473 = arith.constant 0 : i32
      %dma_start3A_474 = arith.constant 0 : i32
      %dma_start3A_475 = tpu.memref_slice %arg25[%run_scoped3A_403, %dma_start3A_473, %dma_start3A_474] : memref<2x128x128xf32, #tpu.memory_space<vmem>> -> memref<1x128x128xf32, #tpu.memory_space<vmem>>
      %dma_start3A_476 = tpu.memref_squeeze %dma_start3A_475 : memref<1x128x128xf32, #tpu.memory_space<vmem>> -> memref<128x128xf32, #tpu.memory_space<vmem>>
      %dma_start3A_477 = arith.constant 0 : i32
      %dma_start3A_478 = tpu.memref_slice %arg15[%add3A_402, %dma_start3A_477] : memref<16384x128xf32, #tpu.memory_space<hbm>> -> memref<128x128xf32, #tpu.memory_space<hbm>>
      %dma_start3A_479 = arith.constant 0 : i32
      %dma_start3A_480 = tpu.memref_slice %arg15[%add3A_402, %dma_start3A_479] : memref<16384x128xf32, #tpu.memory_space<hbm>> -> memref<128x128xf32, #tpu.memory_space<hbm>>
      %dma_start3A_481 = arith.constant 0 : i32
      %dma_start3A_482 = arith.constant 0 : i32
      %dma_start3A_483 = tpu.memref_slice %arg25[%run_scoped3A_403, %dma_start3A_481, %dma_start3A_482] : memref<2x128x128xf32, #tpu.memory_space<vmem>> -> memref<1x128x128xf32, #tpu.memory_space<vmem>>
      %dma_start3A_484 = tpu.memref_squeeze %dma_start3A_483 : memref<1x128x128xf32, #tpu.memory_space<vmem>> -> memref<128x128xf32, #tpu.memory_space<vmem>>
      tpu.enqueue_dma source(%dma_start3A_484 : memref<128x128xf32, #tpu.memory_space<vmem>>) target(%dma_start3A_480 : memref<128x128xf32, #tpu.memory_space<hbm>>) target_semaphore(%run_scoped3A_472 : memref<!tpu.dma_semaphore, #tpu.memory_space<semaphore_mem>>)
      %dma_wait3A_485 = arith.constant 0 : i32
      %dma_wait3A_486 = arith.constant 0 : i32
      %dma_wait3A_487 = tpu.memref_slice %arg25[%run_scoped3A_403, %dma_wait3A_485, %dma_wait3A_486] : memref<2x128x128xf32, #tpu.memory_space<vmem>> -> memref<1x128x128xf32, #tpu.memory_space<vmem>>
      %dma_wait3A_488 = tpu.memref_squeeze %dma_wait3A_487 : memref<1x128x128xf32, #tpu.memory_space<vmem>> -> memref<128x128xf32, #tpu.memory_space<vmem>>
      %dma_wait3A_489 = arith.constant 0 : i32
      %dma_wait3A_490 = tpu.memref_slice %arg15[%add3A_402, %dma_wait3A_489] : memref<16384x128xf32, #tpu.memory_space<hbm>> -> memref<128x128xf32, #tpu.memory_space<hbm>>
      %dma_wait3A_491 = arith.constant 0 : i32
      %dma_wait3A_492 = tpu.memref_slice %arg15[%add3A_402, %dma_wait3A_491] : memref<16384x128xf32, #tpu.memory_space<hbm>> -> memref<128x128xf32, #tpu.memory_space<hbm>>
      %dma_wait3A_493 = arith.constant 0 : i32
      %dma_wait3A_494 = arith.constant 0 : i32
      %dma_wait3A_495 = tpu.memref_slice %arg25[%run_scoped3A_403, %dma_wait3A_493, %dma_wait3A_494] : memref<2x128x128xf32, #tpu.memory_space<vmem>> -> memref<1x128x128xf32, #tpu.memory_space<vmem>>
      %dma_wait3A_496 = tpu.memref_squeeze %dma_wait3A_495 : memref<1x128x128xf32, #tpu.memory_space<vmem>> -> memref<128x128xf32, #tpu.memory_space<vmem>>
      tpu.wait_dma2 semaphore(%run_scoped3A_472 : memref<!tpu.dma_semaphore, #tpu.memory_space<semaphore_mem>>) src(%dma_wait3A_496 : memref<128x128xf32, #tpu.memory_space<vmem>>) dst(%dma_wait3A_492 : memref<128x128xf32, #tpu.memory_space<hbm>>)
      tpu.yield
    }) : () -> ()
    %dma_wait3A_404 = arith.constant 0 : i32
    %dma_wait3A_405 = arith.constant 0 : i32
    %dma_wait3A_406 = arith.constant 0 : i32
    %dma_wait3A_407 = tpu.memref_slice %arg21[%dma_wait3A_404, %dma_wait3A_405, %dma_wait3A_406] : memref<1x128x256xf32, #tpu.memory_space<vmem>> -> memref<1x128x256xf32, #tpu.memory_space<vmem>>
    %dma_wait3A_408 = tpu.memref_squeeze %dma_wait3A_407 : memref<1x128x256xf32, #tpu.memory_space<vmem>> -> memref<128x256xf32, #tpu.memory_space<vmem>>
    %dma_wait3A_409 = arith.constant 384 : i32
    %dma_wait3A_410 = tpu.memref_slice %arg16[%dma_wait3A_409] : memref<512xi32, #tpu.memory_space<vmem>> -> memref<128xi32, #tpu.memory_space<vmem>>
    %dma_wait3A_411 = arith.constant 0 : i32
    %dma_wait3A_412 = arith.constant 0 : i32
    %dma_wait3A_413 = tpu.memref_slice %arg2[%dma_wait3A_411, %dma_wait3A_412] : memref<35x256xf32, #tpu.memory_space<hbm>> -> memref<35x256xf32, #tpu.memory_space<hbm>>
    tpu.wait_indirect_dma semaphore(%arg26 : memref<!tpu.dma_semaphore, #tpu.memory_space<semaphore_mem>>) src(%dma_wait3A_413 : memref<35x256xf32, #tpu.memory_space<hbm>>) dst(%dma_wait3A_408 : memref<128x256xf32, #tpu.memory_space<vmem>>)
    %add3A_414 = arith.constant 384 : i32
    %add3A_415 = arith.addi %mul3A_2, %add3A_414 : i32
    %run_scoped3A_416 = arith.constant 0 : i32
    "tpu.region"() ({
      %run_scoped3A_472 = tpu.sem_alloc : memref<!tpu.dma_semaphore, #tpu.memory_space<semaphore_mem>>
      %dma_start3A_473 = arith.constant 0 : i32
      %dma_start3A_474 = arith.constant 0 : i32
      %dma_start3A_475 = tpu.memref_slice %arg21[%run_scoped3A_416, %dma_start3A_473, %dma_start3A_474] : memref<1x128x256xf32, #tpu.memory_space<vmem>> -> memref<1x128x256xf32, #tpu.memory_space<vmem>>
      %dma_start3A_476 = tpu.memref_squeeze %dma_start3A_475 : memref<1x128x256xf32, #tpu.memory_space<vmem>> -> memref<128x256xf32, #tpu.memory_space<vmem>>
      %dma_start3A_477 = arith.constant 0 : i32
      %dma_start3A_478 = arith.constant 0 : i32
      %dma_start3A_479 = tpu.memref_slice %dma_start3A_476[%dma_start3A_477, %dma_start3A_478] : memref<128x256xf32, #tpu.memory_space<vmem>> -> memref<128x128xf32, #tpu.memory_space<vmem>>
      %dma_start3A_480 = arith.constant 0 : i32
      %dma_start3A_481 = tpu.memref_slice %arg12[%add3A_415, %dma_start3A_480] : memref<16384x128xf32, #tpu.memory_space<hbm>> -> memref<128x128xf32, #tpu.memory_space<hbm>>
      %dma_start3A_482 = arith.constant 0 : i32
      %dma_start3A_483 = tpu.memref_slice %arg12[%add3A_415, %dma_start3A_482] : memref<16384x128xf32, #tpu.memory_space<hbm>> -> memref<128x128xf32, #tpu.memory_space<hbm>>
      %dma_start3A_484 = arith.constant 0 : i32
      %dma_start3A_485 = arith.constant 0 : i32
      %dma_start3A_486 = tpu.memref_slice %arg21[%run_scoped3A_416, %dma_start3A_484, %dma_start3A_485] : memref<1x128x256xf32, #tpu.memory_space<vmem>> -> memref<1x128x256xf32, #tpu.memory_space<vmem>>
      %dma_start3A_487 = tpu.memref_squeeze %dma_start3A_486 : memref<1x128x256xf32, #tpu.memory_space<vmem>> -> memref<128x256xf32, #tpu.memory_space<vmem>>
      %dma_start3A_488 = arith.constant 0 : i32
      %dma_start3A_489 = arith.constant 0 : i32
      %dma_start3A_490 = tpu.memref_slice %dma_start3A_487[%dma_start3A_488, %dma_start3A_489] : memref<128x256xf32, #tpu.memory_space<vmem>> -> memref<128x128xf32, #tpu.memory_space<vmem>>
      tpu.enqueue_dma source(%dma_start3A_490 : memref<128x128xf32, #tpu.memory_space<vmem>>) target(%dma_start3A_483 : memref<128x128xf32, #tpu.memory_space<hbm>>) target_semaphore(%run_scoped3A_472 : memref<!tpu.dma_semaphore, #tpu.memory_space<semaphore_mem>>)
      %dma_wait3A_491 = arith.constant 0 : i32
      %dma_wait3A_492 = arith.constant 0 : i32
      %dma_wait3A_493 = tpu.memref_slice %arg21[%run_scoped3A_416, %dma_wait3A_491, %dma_wait3A_492] : memref<1x128x256xf32, #tpu.memory_space<vmem>> -> memref<1x128x256xf32, #tpu.memory_space<vmem>>
      %dma_wait3A_494 = tpu.memref_squeeze %dma_wait3A_493 : memref<1x128x256xf32, #tpu.memory_space<vmem>> -> memref<128x256xf32, #tpu.memory_space<vmem>>
      %dma_wait3A_495 = arith.constant 0 : i32
      %dma_wait3A_496 = arith.constant 0 : i32
      %dma_wait3A_497 = tpu.memref_slice %dma_wait3A_494[%dma_wait3A_495, %dma_wait3A_496] : memref<128x256xf32, #tpu.memory_space<vmem>> -> memref<128x128xf32, #tpu.memory_space<vmem>>
      %dma_wait3A_498 = arith.constant 0 : i32
      %dma_wait3A_499 = tpu.memref_slice %arg12[%add3A_415, %dma_wait3A_498] : memref<16384x128xf32, #tpu.memory_space<hbm>> -> memref<128x128xf32, #tpu.memory_space<hbm>>
      %dma_wait3A_500 = arith.constant 0 : i32
      %dma_wait3A_501 = tpu.memref_slice %arg12[%add3A_415, %dma_wait3A_500] : memref<16384x128xf32, #tpu.memory_space<hbm>> -> memref<128x128xf32, #tpu.memory_space<hbm>>
      %dma_wait3A_502 = arith.constant 0 : i32
      %dma_wait3A_503 = arith.constant 0 : i32
      %dma_wait3A_504 = tpu.memref_slice %arg21[%run_scoped3A_416, %dma_wait3A_502, %dma_wait3A_503] : memref<1x128x256xf32, #tpu.memory_space<vmem>> -> memref<1x128x256xf32, #tpu.memory_space<vmem>>
      %dma_wait3A_505 = tpu.memref_squeeze %dma_wait3A_504 : memref<1x128x256xf32, #tpu.memory_space<vmem>> -> memref<128x256xf32, #tpu.memory_space<vmem>>
      %dma_wait3A_506 = arith.constant 0 : i32
      %dma_wait3A_507 = arith.constant 0 : i32
      %dma_wait3A_508 = tpu.memref_slice %dma_wait3A_505[%dma_wait3A_506, %dma_wait3A_507] : memref<128x256xf32, #tpu.memory_space<vmem>> -> memref<128x128xf32, #tpu.memory_space<vmem>>
      tpu.wait_dma2 semaphore(%run_scoped3A_472 : memref<!tpu.dma_semaphore, #tpu.memory_space<semaphore_mem>>) src(%dma_wait3A_508 : memref<128x128xf32, #tpu.memory_space<vmem>>) dst(%dma_wait3A_501 : memref<128x128xf32, #tpu.memory_space<hbm>>)
      tpu.yield
    }) : () -> ()
    %add3A_417 = arith.constant 384 : i32
    %add3A_418 = arith.addi %mul3A_2, %add3A_417 : i32
    %run_scoped3A_419 = arith.constant 0 : i32
    "tpu.region"() ({
      %run_scoped3A_472 = tpu.sem_alloc : memref<!tpu.dma_semaphore, #tpu.memory_space<semaphore_mem>>
      %dma_start3A_473 = arith.constant 0 : i32
      %dma_start3A_474 = arith.constant 0 : i32
      %dma_start3A_475 = tpu.memref_slice %arg21[%run_scoped3A_419, %dma_start3A_473, %dma_start3A_474] : memref<1x128x256xf32, #tpu.memory_space<vmem>> -> memref<1x128x256xf32, #tpu.memory_space<vmem>>
      %dma_start3A_476 = tpu.memref_squeeze %dma_start3A_475 : memref<1x128x256xf32, #tpu.memory_space<vmem>> -> memref<128x256xf32, #tpu.memory_space<vmem>>
      %dma_start3A_477 = arith.constant 0 : i32
      %dma_start3A_478 = arith.constant 128 : i32
      %dma_start3A_479 = tpu.memref_slice %dma_start3A_476[%dma_start3A_477, %dma_start3A_478] : memref<128x256xf32, #tpu.memory_space<vmem>> -> memref<128x128xf32, #tpu.memory_space<vmem>>
      %dma_start3A_480 = arith.constant 0 : i32
      %dma_start3A_481 = tpu.memref_slice %arg13[%add3A_418, %dma_start3A_480] : memref<16384x128xf32, #tpu.memory_space<hbm>> -> memref<128x128xf32, #tpu.memory_space<hbm>>
      %dma_start3A_482 = arith.constant 0 : i32
      %dma_start3A_483 = tpu.memref_slice %arg13[%add3A_418, %dma_start3A_482] : memref<16384x128xf32, #tpu.memory_space<hbm>> -> memref<128x128xf32, #tpu.memory_space<hbm>>
      %dma_start3A_484 = arith.constant 0 : i32
      %dma_start3A_485 = arith.constant 0 : i32
      %dma_start3A_486 = tpu.memref_slice %arg21[%run_scoped3A_419, %dma_start3A_484, %dma_start3A_485] : memref<1x128x256xf32, #tpu.memory_space<vmem>> -> memref<1x128x256xf32, #tpu.memory_space<vmem>>
      %dma_start3A_487 = tpu.memref_squeeze %dma_start3A_486 : memref<1x128x256xf32, #tpu.memory_space<vmem>> -> memref<128x256xf32, #tpu.memory_space<vmem>>
      %dma_start3A_488 = arith.constant 0 : i32
      %dma_start3A_489 = arith.constant 128 : i32
      %dma_start3A_490 = tpu.memref_slice %dma_start3A_487[%dma_start3A_488, %dma_start3A_489] : memref<128x256xf32, #tpu.memory_space<vmem>> -> memref<128x128xf32, #tpu.memory_space<vmem>>
      tpu.enqueue_dma source(%dma_start3A_490 : memref<128x128xf32, #tpu.memory_space<vmem>>) target(%dma_start3A_483 : memref<128x128xf32, #tpu.memory_space<hbm>>) target_semaphore(%run_scoped3A_472 : memref<!tpu.dma_semaphore, #tpu.memory_space<semaphore_mem>>)
      %dma_wait3A_491 = arith.constant 0 : i32
      %dma_wait3A_492 = arith.constant 0 : i32
      %dma_wait3A_493 = tpu.memref_slice %arg21[%run_scoped3A_419, %dma_wait3A_491, %dma_wait3A_492] : memref<1x128x256xf32, #tpu.memory_space<vmem>> -> memref<1x128x256xf32, #tpu.memory_space<vmem>>
      %dma_wait3A_494 = tpu.memref_squeeze %dma_wait3A_493 : memref<1x128x256xf32, #tpu.memory_space<vmem>> -> memref<128x256xf32, #tpu.memory_space<vmem>>
      %dma_wait3A_495 = arith.constant 0 : i32
      %dma_wait3A_496 = arith.constant 128 : i32
      %dma_wait3A_497 = tpu.memref_slice %dma_wait3A_494[%dma_wait3A_495, %dma_wait3A_496] : memref<128x256xf32, #tpu.memory_space<vmem>> -> memref<128x128xf32, #tpu.memory_space<vmem>>
      %dma_wait3A_498 = arith.constant 0 : i32
      %dma_wait3A_499 = tpu.memref_slice %arg13[%add3A_418, %dma_wait3A_498] : memref<16384x128xf32, #tpu.memory_space<hbm>> -> memref<128x128xf32, #tpu.memory_space<hbm>>
      %dma_wait3A_500 = arith.constant 0 : i32
      %dma_wait3A_501 = tpu.memref_slice %arg13[%add3A_418, %dma_wait3A_500] : memref<16384x128xf32, #tpu.memory_space<hbm>> -> memref<128x128xf32, #tpu.memory_space<hbm>>
      %dma_wait3A_502 = arith.constant 0 : i32
      %dma_wait3A_503 = arith.constant 0 : i32
      %dma_wait3A_504 = tpu.memref_slice %arg21[%run_scoped3A_419, %dma_wait3A_502, %dma_wait3A_503] : memref<1x128x256xf32, #tpu.memory_space<vmem>> -> memref<1x128x256xf32, #tpu.memory_space<vmem>>
      %dma_wait3A_505 = tpu.memref_squeeze %dma_wait3A_504 : memref<1x128x256xf32, #tpu.memory_space<vmem>> -> memref<128x256xf32, #tpu.memory_space<vmem>>
      %dma_wait3A_506 = arith.constant 0 : i32
      %dma_wait3A_507 = arith.constant 128 : i32
      %dma_wait3A_508 = tpu.memref_slice %dma_wait3A_505[%dma_wait3A_506, %dma_wait3A_507] : memref<128x256xf32, #tpu.memory_space<vmem>> -> memref<128x128xf32, #tpu.memory_space<vmem>>
      tpu.wait_dma2 semaphore(%run_scoped3A_472 : memref<!tpu.dma_semaphore, #tpu.memory_space<semaphore_mem>>) src(%dma_wait3A_508 : memref<128x128xf32, #tpu.memory_space<vmem>>) dst(%dma_wait3A_501 : memref<128x128xf32, #tpu.memory_space<hbm>>)
      tpu.yield
    }) : () -> ()
    %dma_wait3A_420 = arith.constant 1 : i32
    %dma_wait3A_421 = arith.constant 0 : i32
    %dma_wait3A_422 = arith.constant 0 : i32
    %dma_wait3A_423 = tpu.memref_slice %arg22[%dma_wait3A_420, %dma_wait3A_421, %dma_wait3A_422] : memref<2x128x32xf32, #tpu.memory_space<vmem>> -> memref<1x128x32xf32, #tpu.memory_space<vmem>>
    %dma_wait3A_424 = tpu.memref_squeeze %dma_wait3A_423 : memref<1x128x32xf32, #tpu.memory_space<vmem>> -> memref<128x32xf32, #tpu.memory_space<vmem>>
    %dma_wait3A_425 = arith.constant 384 : i32
    %dma_wait3A_426 = tpu.memref_slice %arg17[%dma_wait3A_425] : memref<512xi32, #tpu.memory_space<vmem>> -> memref<128xi32, #tpu.memory_space<vmem>>
    %dma_wait3A_427 = arith.constant 0 : i32
    %dma_wait3A_428 = arith.constant 0 : i32
    %dma_wait3A_429 = tpu.memref_slice %arg3[%dma_wait3A_427, %dma_wait3A_428] : memref<2015232x32xf32, #tpu.memory_space<hbm>> -> memref<2015232x32xf32, #tpu.memory_space<hbm>>
    tpu.wait_indirect_dma semaphore(%arg27 : memref<!tpu.dma_semaphore, #tpu.memory_space<semaphore_mem>>) src(%dma_wait3A_429 : memref<2015232x32xf32, #tpu.memory_space<hbm>>) dst(%dma_wait3A_424 : memref<128x32xf32, #tpu.memory_space<vmem>>)
    %add3A_430 = arith.constant 384 : i32
    %add3A_431 = arith.addi %mul3A_2, %add3A_430 : i32
    %run_scoped3A_432 = arith.constant 1 : i32
    "tpu.region"() ({
      %run_scoped3A_472 = tpu.sem_alloc : memref<!tpu.dma_semaphore, #tpu.memory_space<semaphore_mem>>
      %dma_start3A_473 = arith.constant 0 : i32
      %dma_start3A_474 = arith.constant 0 : i32
      %dma_start3A_475 = tpu.memref_slice %arg22[%run_scoped3A_432, %dma_start3A_473, %dma_start3A_474] : memref<2x128x32xf32, #tpu.memory_space<vmem>> -> memref<1x128x32xf32, #tpu.memory_space<vmem>>
      %dma_start3A_476 = tpu.memref_squeeze %dma_start3A_475 : memref<1x128x32xf32, #tpu.memory_space<vmem>> -> memref<128x32xf32, #tpu.memory_space<vmem>>
      %dma_start3A_477 = arith.constant 0 : i32
      %dma_start3A_478 = tpu.memref_slice %arg14[%add3A_431, %dma_start3A_477] : memref<16384x128xf32, #tpu.memory_space<hbm>> -> memref<128x32xf32, #tpu.memory_space<hbm>>
      %dma_start3A_479 = arith.constant 0 : i32
      %dma_start3A_480 = tpu.memref_slice %arg14[%add3A_431, %dma_start3A_479] : memref<16384x128xf32, #tpu.memory_space<hbm>> -> memref<128x32xf32, #tpu.memory_space<hbm>>
      %dma_start3A_481 = arith.constant 0 : i32
      %dma_start3A_482 = arith.constant 0 : i32
      %dma_start3A_483 = tpu.memref_slice %arg22[%run_scoped3A_432, %dma_start3A_481, %dma_start3A_482] : memref<2x128x32xf32, #tpu.memory_space<vmem>> -> memref<1x128x32xf32, #tpu.memory_space<vmem>>
      %dma_start3A_484 = tpu.memref_squeeze %dma_start3A_483 : memref<1x128x32xf32, #tpu.memory_space<vmem>> -> memref<128x32xf32, #tpu.memory_space<vmem>>
      tpu.enqueue_dma source(%dma_start3A_484 : memref<128x32xf32, #tpu.memory_space<vmem>>) target(%dma_start3A_480 : memref<128x32xf32, #tpu.memory_space<hbm>>) target_semaphore(%run_scoped3A_472 : memref<!tpu.dma_semaphore, #tpu.memory_space<semaphore_mem>>)
      %dma_wait3A_485 = arith.constant 0 : i32
      %dma_wait3A_486 = arith.constant 0 : i32
      %dma_wait3A_487 = tpu.memref_slice %arg22[%run_scoped3A_432, %dma_wait3A_485, %dma_wait3A_486] : memref<2x128x32xf32, #tpu.memory_space<vmem>> -> memref<1x128x32xf32, #tpu.memory_space<vmem>>
      %dma_wait3A_488 = tpu.memref_squeeze %dma_wait3A_487 : memref<1x128x32xf32, #tpu.memory_space<vmem>> -> memref<128x32xf32, #tpu.memory_space<vmem>>
      %dma_wait3A_489 = arith.constant 0 : i32
      %dma_wait3A_490 = tpu.memref_slice %arg14[%add3A_431, %dma_wait3A_489] : memref<16384x128xf32, #tpu.memory_space<hbm>> -> memref<128x32xf32, #tpu.memory_space<hbm>>
      %dma_wait3A_491 = arith.constant 0 : i32
      %dma_wait3A_492 = tpu.memref_slice %arg14[%add3A_431, %dma_wait3A_491] : memref<16384x128xf32, #tpu.memory_space<hbm>> -> memref<128x32xf32, #tpu.memory_space<hbm>>
      %dma_wait3A_493 = arith.constant 0 : i32
      %dma_wait3A_494 = arith.constant 0 : i32
      %dma_wait3A_495 = tpu.memref_slice %arg22[%run_scoped3A_432, %dma_wait3A_493, %dma_wait3A_494] : memref<2x128x32xf32, #tpu.memory_space<vmem>> -> memref<1x128x32xf32, #tpu.memory_space<vmem>>
      %dma_wait3A_496 = tpu.memref_squeeze %dma_wait3A_495 : memref<1x128x32xf32, #tpu.memory_space<vmem>> -> memref<128x32xf32, #tpu.memory_space<vmem>>
      tpu.wait_dma2 semaphore(%run_scoped3A_472 : memref<!tpu.dma_semaphore, #tpu.memory_space<semaphore_mem>>) src(%dma_wait3A_496 : memref<128x32xf32, #tpu.memory_space<vmem>>) dst(%dma_wait3A_492 : memref<128x32xf32, #tpu.memory_space<hbm>>)
      tpu.yield
    }) : () -> ()
    %dma_wait3A_433 = arith.constant 1 : i32
    %dma_wait3A_434 = arith.constant 0 : i32
    %dma_wait3A_435 = arith.constant 0 : i32
    %dma_wait3A_436 = tpu.memref_slice %arg23[%dma_wait3A_433, %dma_wait3A_434, %dma_wait3A_435] : memref<2x128x32xf32, #tpu.memory_space<vmem>> -> memref<1x128x32xf32, #tpu.memory_space<vmem>>
    %dma_wait3A_437 = tpu.memref_squeeze %dma_wait3A_436 : memref<1x128x32xf32, #tpu.memory_space<vmem>> -> memref<128x32xf32, #tpu.memory_space<vmem>>
    %dma_wait3A_438 = arith.constant 384 : i32
    %dma_wait3A_439 = tpu.memref_slice %arg18[%dma_wait3A_438] : memref<512xi32, #tpu.memory_space<vmem>> -> memref<128xi32, #tpu.memory_space<vmem>>
    %dma_wait3A_440 = arith.constant 0 : i32
    %dma_wait3A_441 = arith.constant 0 : i32
    %dma_wait3A_442 = tpu.memref_slice %arg4[%dma_wait3A_440, %dma_wait3A_441] : memref<51x32xf32, #tpu.memory_space<hbm>> -> memref<51x32xf32, #tpu.memory_space<hbm>>
    tpu.wait_indirect_dma semaphore(%arg28 : memref<!tpu.dma_semaphore, #tpu.memory_space<semaphore_mem>>) src(%dma_wait3A_442 : memref<51x32xf32, #tpu.memory_space<hbm>>) dst(%dma_wait3A_437 : memref<128x32xf32, #tpu.memory_space<vmem>>)
    %add3A_443 = arith.constant 384 : i32
    %add3A_444 = arith.addi %mul3A_2, %add3A_443 : i32
    %run_scoped3A_445 = arith.constant 1 : i32
    "tpu.region"() ({
      %run_scoped3A_472 = tpu.sem_alloc : memref<!tpu.dma_semaphore, #tpu.memory_space<semaphore_mem>>
      %dma_start3A_473 = arith.constant 0 : i32
      %dma_start3A_474 = arith.constant 0 : i32
      %dma_start3A_475 = tpu.memref_slice %arg23[%run_scoped3A_445, %dma_start3A_473, %dma_start3A_474] : memref<2x128x32xf32, #tpu.memory_space<vmem>> -> memref<1x128x32xf32, #tpu.memory_space<vmem>>
      %dma_start3A_476 = tpu.memref_squeeze %dma_start3A_475 : memref<1x128x32xf32, #tpu.memory_space<vmem>> -> memref<128x32xf32, #tpu.memory_space<vmem>>
      %dma_start3A_477 = arith.constant 32 : i32
      %dma_start3A_478 = tpu.memref_slice %arg14[%add3A_444, %dma_start3A_477] : memref<16384x128xf32, #tpu.memory_space<hbm>> -> memref<128x32xf32, #tpu.memory_space<hbm>>
      %dma_start3A_479 = arith.constant 32 : i32
      %dma_start3A_480 = tpu.memref_slice %arg14[%add3A_444, %dma_start3A_479] : memref<16384x128xf32, #tpu.memory_space<hbm>> -> memref<128x32xf32, #tpu.memory_space<hbm>>
      %dma_start3A_481 = arith.constant 0 : i32
      %dma_start3A_482 = arith.constant 0 : i32
      %dma_start3A_483 = tpu.memref_slice %arg23[%run_scoped3A_445, %dma_start3A_481, %dma_start3A_482] : memref<2x128x32xf32, #tpu.memory_space<vmem>> -> memref<1x128x32xf32, #tpu.memory_space<vmem>>
      %dma_start3A_484 = tpu.memref_squeeze %dma_start3A_483 : memref<1x128x32xf32, #tpu.memory_space<vmem>> -> memref<128x32xf32, #tpu.memory_space<vmem>>
      tpu.enqueue_dma source(%dma_start3A_484 : memref<128x32xf32, #tpu.memory_space<vmem>>) target(%dma_start3A_480 : memref<128x32xf32, #tpu.memory_space<hbm>>) target_semaphore(%run_scoped3A_472 : memref<!tpu.dma_semaphore, #tpu.memory_space<semaphore_mem>>)
      %dma_wait3A_485 = arith.constant 0 : i32
      %dma_wait3A_486 = arith.constant 0 : i32
      %dma_wait3A_487 = tpu.memref_slice %arg23[%run_scoped3A_445, %dma_wait3A_485, %dma_wait3A_486] : memref<2x128x32xf32, #tpu.memory_space<vmem>> -> memref<1x128x32xf32, #tpu.memory_space<vmem>>
      %dma_wait3A_488 = tpu.memref_squeeze %dma_wait3A_487 : memref<1x128x32xf32, #tpu.memory_space<vmem>> -> memref<128x32xf32, #tpu.memory_space<vmem>>
      %dma_wait3A_489 = arith.constant 32 : i32
      %dma_wait3A_490 = tpu.memref_slice %arg14[%add3A_444, %dma_wait3A_489] : memref<16384x128xf32, #tpu.memory_space<hbm>> -> memref<128x32xf32, #tpu.memory_space<hbm>>
      %dma_wait3A_491 = arith.constant 32 : i32
      %dma_wait3A_492 = tpu.memref_slice %arg14[%add3A_444, %dma_wait3A_491] : memref<16384x128xf32, #tpu.memory_space<hbm>> -> memref<128x32xf32, #tpu.memory_space<hbm>>
      %dma_wait3A_493 = arith.constant 0 : i32
      %dma_wait3A_494 = arith.constant 0 : i32
      %dma_wait3A_495 = tpu.memref_slice %arg23[%run_scoped3A_445, %dma_wait3A_493, %dma_wait3A_494] : memref<2x128x32xf32, #tpu.memory_space<vmem>> -> memref<1x128x32xf32, #tpu.memory_space<vmem>>
      %dma_wait3A_496 = tpu.memref_squeeze %dma_wait3A_495 : memref<1x128x32xf32, #tpu.memory_space<vmem>> -> memref<128x32xf32, #tpu.memory_space<vmem>>
      tpu.wait_dma2 semaphore(%run_scoped3A_472 : memref<!tpu.dma_semaphore, #tpu.memory_space<semaphore_mem>>) src(%dma_wait3A_496 : memref<128x32xf32, #tpu.memory_space<vmem>>) dst(%dma_wait3A_492 : memref<128x32xf32, #tpu.memory_space<hbm>>)
      tpu.yield
    }) : () -> ()
    %dma_wait3A_446 = arith.constant 1 : i32
    %dma_wait3A_447 = arith.constant 0 : i32
    %dma_wait3A_448 = arith.constant 0 : i32
    %dma_wait3A_449 = tpu.memref_slice %arg24[%dma_wait3A_446, %dma_wait3A_447, %dma_wait3A_448] : memref<2x128x64xf32, #tpu.memory_space<vmem>> -> memref<1x128x64xf32, #tpu.memory_space<vmem>>
    %dma_wait3A_450 = tpu.memref_squeeze %dma_wait3A_449 : memref<1x128x64xf32, #tpu.memory_space<vmem>> -> memref<128x64xf32, #tpu.memory_space<vmem>>
    %dma_wait3A_451 = arith.constant 384 : i32
    %dma_wait3A_452 = tpu.memref_slice %arg19[%dma_wait3A_451] : memref<512xi32, #tpu.memory_space<vmem>> -> memref<128xi32, #tpu.memory_space<vmem>>
    %dma_wait3A_453 = arith.constant 0 : i32
    %dma_wait3A_454 = arith.constant 0 : i32
    %dma_wait3A_455 = tpu.memref_slice %arg5[%dma_wait3A_453, %dma_wait3A_454] : memref<212992x64xf32, #tpu.memory_space<hbm>> -> memref<212992x64xf32, #tpu.memory_space<hbm>>
    tpu.wait_indirect_dma semaphore(%arg29 : memref<!tpu.dma_semaphore, #tpu.memory_space<semaphore_mem>>) src(%dma_wait3A_455 : memref<212992x64xf32, #tpu.memory_space<hbm>>) dst(%dma_wait3A_450 : memref<128x64xf32, #tpu.memory_space<vmem>>)
    %add3A_456 = arith.constant 384 : i32
    %add3A_457 = arith.addi %mul3A_2, %add3A_456 : i32
    %run_scoped3A_458 = arith.constant 1 : i32
    "tpu.region"() ({
      %run_scoped3A_472 = tpu.sem_alloc : memref<!tpu.dma_semaphore, #tpu.memory_space<semaphore_mem>>
      %dma_start3A_473 = arith.constant 0 : i32
      %dma_start3A_474 = arith.constant 0 : i32
      %dma_start3A_475 = tpu.memref_slice %arg24[%run_scoped3A_458, %dma_start3A_473, %dma_start3A_474] : memref<2x128x64xf32, #tpu.memory_space<vmem>> -> memref<1x128x64xf32, #tpu.memory_space<vmem>>
      %dma_start3A_476 = tpu.memref_squeeze %dma_start3A_475 : memref<1x128x64xf32, #tpu.memory_space<vmem>> -> memref<128x64xf32, #tpu.memory_space<vmem>>
      %dma_start3A_477 = arith.constant 64 : i32
      %dma_start3A_478 = tpu.memref_slice %arg14[%add3A_457, %dma_start3A_477] : memref<16384x128xf32, #tpu.memory_space<hbm>> -> memref<128x64xf32, #tpu.memory_space<hbm>>
      %dma_start3A_479 = arith.constant 64 : i32
      %dma_start3A_480 = tpu.memref_slice %arg14[%add3A_457, %dma_start3A_479] : memref<16384x128xf32, #tpu.memory_space<hbm>> -> memref<128x64xf32, #tpu.memory_space<hbm>>
      %dma_start3A_481 = arith.constant 0 : i32
      %dma_start3A_482 = arith.constant 0 : i32
      %dma_start3A_483 = tpu.memref_slice %arg24[%run_scoped3A_458, %dma_start3A_481, %dma_start3A_482] : memref<2x128x64xf32, #tpu.memory_space<vmem>> -> memref<1x128x64xf32, #tpu.memory_space<vmem>>
      %dma_start3A_484 = tpu.memref_squeeze %dma_start3A_483 : memref<1x128x64xf32, #tpu.memory_space<vmem>> -> memref<128x64xf32, #tpu.memory_space<vmem>>
      tpu.enqueue_dma source(%dma_start3A_484 : memref<128x64xf32, #tpu.memory_space<vmem>>) target(%dma_start3A_480 : memref<128x64xf32, #tpu.memory_space<hbm>>) target_semaphore(%run_scoped3A_472 : memref<!tpu.dma_semaphore, #tpu.memory_space<semaphore_mem>>)
      %dma_wait3A_485 = arith.constant 0 : i32
      %dma_wait3A_486 = arith.constant 0 : i32
      %dma_wait3A_487 = tpu.memref_slice %arg24[%run_scoped3A_458, %dma_wait3A_485, %dma_wait3A_486] : memref<2x128x64xf32, #tpu.memory_space<vmem>> -> memref<1x128x64xf32, #tpu.memory_space<vmem>>
      %dma_wait3A_488 = tpu.memref_squeeze %dma_wait3A_487 : memref<1x128x64xf32, #tpu.memory_space<vmem>> -> memref<128x64xf32, #tpu.memory_space<vmem>>
      %dma_wait3A_489 = arith.constant 64 : i32
      %dma_wait3A_490 = tpu.memref_slice %arg14[%add3A_457, %dma_wait3A_489] : memref<16384x128xf32, #tpu.memory_space<hbm>> -> memref<128x64xf32, #tpu.memory_space<hbm>>
      %dma_wait3A_491 = arith.constant 64 : i32
      %dma_wait3A_492 = tpu.memref_slice %arg14[%add3A_457, %dma_wait3A_491] : memref<16384x128xf32, #tpu.memory_space<hbm>> -> memref<128x64xf32, #tpu.memory_space<hbm>>
      %dma_wait3A_493 = arith.constant 0 : i32
      %dma_wait3A_494 = arith.constant 0 : i32
      %dma_wait3A_495 = tpu.memref_slice %arg24[%run_scoped3A_458, %dma_wait3A_493, %dma_wait3A_494] : memref<2x128x64xf32, #tpu.memory_space<vmem>> -> memref<1x128x64xf32, #tpu.memory_space<vmem>>
      %dma_wait3A_496 = tpu.memref_squeeze %dma_wait3A_495 : memref<1x128x64xf32, #tpu.memory_space<vmem>> -> memref<128x64xf32, #tpu.memory_space<vmem>>
      tpu.wait_dma2 semaphore(%run_scoped3A_472 : memref<!tpu.dma_semaphore, #tpu.memory_space<semaphore_mem>>) src(%dma_wait3A_496 : memref<128x64xf32, #tpu.memory_space<vmem>>) dst(%dma_wait3A_492 : memref<128x64xf32, #tpu.memory_space<hbm>>)
      tpu.yield
    }) : () -> ()
    %dma_wait3A_459 = arith.constant 1 : i32
    %dma_wait3A_460 = arith.constant 0 : i32
    %dma_wait3A_461 = arith.constant 0 : i32
    %dma_wait3A_462 = tpu.memref_slice %arg25[%dma_wait3A_459, %dma_wait3A_460, %dma_wait3A_461] : memref<2x128x128xf32, #tpu.memory_space<vmem>> -> memref<1x128x128xf32, #tpu.memory_space<vmem>>
    %dma_wait3A_463 = tpu.memref_squeeze %dma_wait3A_462 : memref<1x128x128xf32, #tpu.memory_space<vmem>> -> memref<128x128xf32, #tpu.memory_space<vmem>>
    %dma_wait3A_464 = arith.constant 384 : i32
    %dma_wait3A_465 = tpu.memref_slice %arg20[%dma_wait3A_464] : memref<512xi32, #tpu.memory_space<vmem>> -> memref<128xi32, #tpu.memory_space<vmem>>
    %dma_wait3A_466 = arith.constant 0 : i32
    %dma_wait3A_467 = arith.constant 0 : i32
    %dma_wait3A_468 = tpu.memref_slice %arg6[%dma_wait3A_466, %dma_wait3A_467] : memref<16384x128xf32, #tpu.memory_space<hbm>> -> memref<16384x128xf32, #tpu.memory_space<hbm>>
    tpu.wait_indirect_dma semaphore(%arg30 : memref<!tpu.dma_semaphore, #tpu.memory_space<semaphore_mem>>) src(%dma_wait3A_468 : memref<16384x128xf32, #tpu.memory_space<hbm>>) dst(%dma_wait3A_463 : memref<128x128xf32, #tpu.memory_space<vmem>>)
    %add3A_469 = arith.constant 384 : i32
    %add3A_470 = arith.addi %mul3A_2, %add3A_469 : i32
    %run_scoped3A_471 = arith.constant 1 : i32
    "tpu.region"() ({
      %run_scoped3A_472 = tpu.sem_alloc : memref<!tpu.dma_semaphore, #tpu.memory_space<semaphore_mem>>
      %dma_start3A_473 = arith.constant 0 : i32
      %dma_start3A_474 = arith.constant 0 : i32
      %dma_start3A_475 = tpu.memref_slice %arg25[%run_scoped3A_471, %dma_start3A_473, %dma_start3A_474] : memref<2x128x128xf32, #tpu.memory_space<vmem>> -> memref<1x128x128xf32, #tpu.memory_space<vmem>>
      %dma_start3A_476 = tpu.memref_squeeze %dma_start3A_475 : memref<1x128x128xf32, #tpu.memory_space<vmem>> -> memref<128x128xf32, #tpu.memory_space<vmem>>
      %dma_start3A_477 = arith.constant 0 : i32
      %dma_start3A_478 = tpu.memref_slice %arg15[%add3A_470, %dma_start3A_477] : memref<16384x128xf32, #tpu.memory_space<hbm>> -> memref<128x128xf32, #tpu.memory_space<hbm>>
      %dma_start3A_479 = arith.constant 0 : i32
      %dma_start3A_480 = tpu.memref_slice %arg15[%add3A_470, %dma_start3A_479] : memref<16384x128xf32, #tpu.memory_space<hbm>> -> memref<128x128xf32, #tpu.memory_space<hbm>>
      %dma_start3A_481 = arith.constant 0 : i32
      %dma_start3A_482 = arith.constant 0 : i32
      %dma_start3A_483 = tpu.memref_slice %arg25[%run_scoped3A_471, %dma_start3A_481, %dma_start3A_482] : memref<2x128x128xf32, #tpu.memory_space<vmem>> -> memref<1x128x128xf32, #tpu.memory_space<vmem>>
      %dma_start3A_484 = tpu.memref_squeeze %dma_start3A_483 : memref<1x128x128xf32, #tpu.memory_space<vmem>> -> memref<128x128xf32, #tpu.memory_space<vmem>>
      tpu.enqueue_dma source(%dma_start3A_484 : memref<128x128xf32, #tpu.memory_space<vmem>>) target(%dma_start3A_480 : memref<128x128xf32, #tpu.memory_space<hbm>>) target_semaphore(%run_scoped3A_472 : memref<!tpu.dma_semaphore, #tpu.memory_space<semaphore_mem>>)
      %dma_wait3A_485 = arith.constant 0 : i32
      %dma_wait3A_486 = arith.constant 0 : i32
      %dma_wait3A_487 = tpu.memref_slice %arg25[%run_scoped3A_471, %dma_wait3A_485, %dma_wait3A_486] : memref<2x128x128xf32, #tpu.memory_space<vmem>> -> memref<1x128x128xf32, #tpu.memory_space<vmem>>
      %dma_wait3A_488 = tpu.memref_squeeze %dma_wait3A_487 : memref<1x128x128xf32, #tpu.memory_space<vmem>> -> memref<128x128xf32, #tpu.memory_space<vmem>>
      %dma_wait3A_489 = arith.constant 0 : i32
      %dma_wait3A_490 = tpu.memref_slice %arg15[%add3A_470, %dma_wait3A_489] : memref<16384x128xf32, #tpu.memory_space<hbm>> -> memref<128x128xf32, #tpu.memory_space<hbm>>
      %dma_wait3A_491 = arith.constant 0 : i32
      %dma_wait3A_492 = tpu.memref_slice %arg15[%add3A_470, %dma_wait3A_491] : memref<16384x128xf32, #tpu.memory_space<hbm>> -> memref<128x128xf32, #tpu.memory_space<hbm>>
      %dma_wait3A_493 = arith.constant 0 : i32
      %dma_wait3A_494 = arith.constant 0 : i32
      %dma_wait3A_495 = tpu.memref_slice %arg25[%run_scoped3A_471, %dma_wait3A_493, %dma_wait3A_494] : memref<2x128x128xf32, #tpu.memory_space<vmem>> -> memref<1x128x128xf32, #tpu.memory_space<vmem>>
      %dma_wait3A_496 = tpu.memref_squeeze %dma_wait3A_495 : memref<1x128x128xf32, #tpu.memory_space<vmem>> -> memref<128x128xf32, #tpu.memory_space<vmem>>
      tpu.wait_dma2 semaphore(%run_scoped3A_472 : memref<!tpu.dma_semaphore, #tpu.memory_space<semaphore_mem>>) src(%dma_wait3A_496 : memref<128x128xf32, #tpu.memory_space<vmem>>) dst(%dma_wait3A_492 : memref<128x128xf32, #tpu.memory_space<hbm>>)
      tpu.yield
    }) : () -> ()
    return
  }
}

module attributes {stable_mosaic.version = 14 : i64} {
  func.func @_repack_body(%arg0: i32, %arg1: memref<25x16384xf32, #tpu.memory_space<vmem>>, %arg2: memref<4096x128xf32, #tpu.memory_space<vmem>>) attributes {dimension_semantics = [#tpu.dimension_semantics<parallel>], iteration_bounds = array<i64: 123>, scalar_prefetch = 0 : i64, scratch_operands = 0 : i64, tpu.core_type = #tpu.core_type<tc>, window_params = [{transform_indices = @transform_0, window_bounds = array<i64: 25, 16384>}, {transform_indices = @transform_1, window_bounds = array<i64: 4096, 128>}]} {
    %get3A = arith.constant 0 : index
    %get3A_0 = arith.constant 0 : index
    %get3A_1 = vector.load %arg1[%get3A, %get3A_0] : memref<25x16384xf32, #tpu.memory_space<vmem>>, vector<25x16384xf32>
    %broadcast_in_dim3A = arith.constant 0.000000e+00 : f32
    %broadcast_in_dim3A_2 = vector.broadcast %broadcast_in_dim3A : f32 to vector<7x4096xf32>
    %slice3A = vector.extract_strided_slice %get3A_1 {offsets = [0, 0], sizes = [25, 4096], strides = [1, 1]} : vector<25x16384xf32> to vector<25x4096xf32>
    %slice3A_3 = vector.extract_strided_slice %get3A_1 {offsets = [0, 4096], sizes = [25, 4096], strides = [1, 1]} : vector<25x16384xf32> to vector<25x4096xf32>
    %slice3A_4 = vector.extract_strided_slice %get3A_1 {offsets = [0, 8192], sizes = [25, 4096], strides = [1, 1]} : vector<25x16384xf32> to vector<25x4096xf32>
    %slice3A_5 = vector.extract_strided_slice %get3A_1 {offsets = [0, 12288], sizes = [25, 4096], strides = [1, 1]} : vector<25x16384xf32> to vector<25x4096xf32>
    %concatenate3A = tpu.concatenate %slice3A, %broadcast_in_dim3A_2, %slice3A_3, %broadcast_in_dim3A_2, %slice3A_4, %broadcast_in_dim3A_2, %slice3A_5, %broadcast_in_dim3A_2 in 0 : vector<25x4096xf32>, vector<7x4096xf32>, vector<25x4096xf32>, vector<7x4096xf32>, vector<25x4096xf32>, vector<7x4096xf32>, vector<25x4096xf32>, vector<7x4096xf32> -> vector<128x4096xf32>
    %transpose3A = tpu.transpose %concatenate3A, [1, 0] : vector<128x4096xf32> -> vector<4096x128xf32>
    %swap3A = arith.constant 0 : index
    %swap3A_6 = arith.constant 0 : index
    %swap3A_7 = vector.load %arg2[%swap3A, %swap3A_6] : memref<4096x128xf32, #tpu.memory_space<vmem>>, vector<4096x128xf32>
    tpu.vector_store %arg2[%swap3A, %swap3A_6], %transpose3A {strides = array<i32>} : memref<4096x128xf32, #tpu.memory_space<vmem>>, vector<4096x128xf32>,
    return
  }
  func.func @transform_0(%arg0: i32) -> (i32, i32) {
    %c0_i32 = arith.constant 0 : i32
    %c0_i32_0 = arith.constant 0 : i32
    return %c0_i32, %arg0 : i32, i32
  }
  func.func @transform_1(%arg0: i32) -> (i32, i32) {
    %c0_i32 = arith.constant 0 : i32
    %c0_i32_0 = arith.constant 0 : i32
    return %arg0, %c0_i32 : i32, i32
  }
}

module attributes {stable_mosaic.version = 14 : i64} {
  func.func @_repack_body(%arg0: i32, %arg1: memref<40x16384xf32, #tpu.memory_space<vmem>>, %arg2: memref<8192x128xf32, #tpu.memory_space<vmem>>) attributes {dimension_semantics = [#tpu.dimension_semantics<parallel>], iteration_bounds = array<i64: 13>, scalar_prefetch = 0 : i64, scratch_operands = 0 : i64, tpu.core_type = #tpu.core_type<tc>, window_params = [{transform_indices = @transform_0, window_bounds = array<i64: 40, 16384>}, {transform_indices = @transform_1, window_bounds = array<i64: 8192, 128>}]} {
    %get3A = arith.constant 0 : index
    %get3A_0 = arith.constant 0 : index
    %get3A_1 = vector.load %arg1[%get3A, %get3A_0] : memref<40x16384xf32, #tpu.memory_space<vmem>>, vector<40x16384xf32>
    %broadcast_in_dim3A = arith.constant 0.000000e+00 : f32
    %broadcast_in_dim3A_2 = vector.broadcast %broadcast_in_dim3A : f32 to vector<24x8192xf32>
    %slice3A = vector.extract_strided_slice %get3A_1 {offsets = [0, 0], sizes = [40, 8192], strides = [1, 1]} : vector<40x16384xf32> to vector<40x8192xf32>
    %slice3A_3 = vector.extract_strided_slice %get3A_1 {offsets = [0, 8192], sizes = [40, 8192], strides = [1, 1]} : vector<40x16384xf32> to vector<40x8192xf32>
    %concatenate3A = tpu.concatenate %slice3A, %broadcast_in_dim3A_2, %slice3A_3, %broadcast_in_dim3A_2 in 0 : vector<40x8192xf32>, vector<24x8192xf32>, vector<40x8192xf32>, vector<24x8192xf32> -> vector<128x8192xf32>
    %transpose3A = tpu.transpose %concatenate3A, [1, 0] : vector<128x8192xf32> -> vector<8192x128xf32>
    %swap3A = arith.constant 0 : index
    %swap3A_4 = arith.constant 0 : index
    %swap3A_5 = vector.load %arg2[%swap3A, %swap3A_4] : memref<8192x128xf32, #tpu.memory_space<vmem>>, vector<8192x128xf32>
    tpu.vector_store %arg2[%swap3A, %swap3A_4], %transpose3A {strides = array<i32>} : memref<8192x128xf32, #tpu.memory_space<vmem>>, vector<8192x128xf32>,
    return
  }
  func.func @transform_0(%arg0: i32) -> (i32, i32) {
    %c0_i32 = arith.constant 0 : i32
    %c0_i32_0 = arith.constant 0 : i32
    return %c0_i32, %arg0 : i32, i32
  }
  func.func @transform_1(%arg0: i32) -> (i32, i32) {
    %c0_i32 = arith.constant 0 : i32
    %c0_i32_0 = arith.constant 0 : i32
    return %arg0, %c0_i32 : i32, i32
  }
}

module attributes {stable_mosaic.version = 14 : i64} {
  func.func @_repack_body(%arg0: i32, %arg1: memref<45x16384xf32, #tpu.memory_space<vmem>>, %arg2: memref<16384x128xf32, #tpu.memory_space<vmem>>) attributes {dimension_semantics = [#tpu.dimension_semantics<parallel>], iteration_bounds = array<i64: 1>, scalar_prefetch = 0 : i64, scratch_operands = 0 : i64, tpu.core_type = #tpu.core_type<tc>, window_params = [{transform_indices = @transform_0, window_bounds = array<i64: 45, 16384>}, {transform_indices = @transform_1, window_bounds = array<i64: 16384, 128>}]} {
    %get3A = arith.constant 0 : index
    %get3A_0 = arith.constant 0 : index
    %get3A_1 = vector.load %arg1[%get3A, %get3A_0] : memref<45x16384xf32, #tpu.memory_space<vmem>>, vector<45x16384xf32>
    %broadcast_in_dim3A = arith.constant 0.000000e+00 : f32
    %broadcast_in_dim3A_2 = vector.broadcast %broadcast_in_dim3A : f32 to vector<83x16384xf32>
    %concatenate3A = tpu.concatenate %get3A_1, %broadcast_in_dim3A_2 in 0 : vector<45x16384xf32>, vector<83x16384xf32> -> vector<128x16384xf32>
    %transpose3A = tpu.transpose %concatenate3A, [1, 0] : vector<128x16384xf32> -> vector<16384x128xf32>
    %swap3A = arith.constant 0 : index
    %swap3A_3 = arith.constant 0 : index
    %swap3A_4 = vector.load %arg2[%swap3A, %swap3A_3] : memref<16384x128xf32, #tpu.memory_space<vmem>>, vector<16384x128xf32>
    tpu.vector_store %arg2[%swap3A, %swap3A_3], %transpose3A {strides = array<i32>} : memref<16384x128xf32, #tpu.memory_space<vmem>>, vector<16384x128xf32>,
    return
  }
  func.func @transform_0(%arg0: i32) -> (i32, i32) {
    %c0_i32 = arith.constant 0 : i32
    %c0_i32_0 = arith.constant 0 : i32
    return %c0_i32, %arg0 : i32, i32
  }
  func.func @transform_1(%arg0: i32) -> (i32, i32) {
    %c0_i32 = arith.constant 0 : i32
    %c0_i32_0 = arith.constant 0 : i32
    return %arg0, %c0_i32 : i32, i32
  }
}

module attributes {stable_mosaic.version = 14 : i64} {
  func.func @_mlp_body(%arg0: i32, %arg1: memref<4096x128xf32, #tpu.memory_space<vmem>>, %arg2: memref<4096x128xf32, #tpu.memory_space<vmem>>, %arg3: memref<4096x128xf32, #tpu.memory_space<vmem>>, %arg4: memref<4096x128xf32, #tpu.memory_space<vmem>>, %arg5: memref<128x256xf32, #tpu.memory_space<vmem>>, %arg6: memref<128x256xf32, #tpu.memory_space<vmem>>, %arg7: memref<128x256xf32, #tpu.memory_space<vmem>>, %arg8: memref<128x256xf32, #tpu.memory_space<vmem>>, %arg9: memref<1x256xf32, #tpu.memory_space<vmem>>, %arg10: memref<256x256xf32, #tpu.memory_space<vmem>>, %arg11: memref<1x256xf32, #tpu.memory_space<vmem>>, %arg12: memref<256x1xf32, #tpu.memory_space<vmem>>, %arg13: memref<1x1xf32, #tpu.memory_space<vmem>>, %arg14: memref<4096x1xf32, #tpu.memory_space<vmem>>) attributes {dimension_semantics = [#tpu.dimension_semantics<parallel>], iteration_bounds = array<i64: 4>, scalar_prefetch = 0 : i64, scratch_operands = 0 : i64, tpu.core_type = #tpu.core_type<tc>, window_params = [{transform_indices = @transform_0, window_bounds = array<i64: 4096, 128>}, {transform_indices = @transform_1, window_bounds = array<i64: 4096, 128>}, {transform_indices = @transform_2, window_bounds = array<i64: 4096, 128>}, {transform_indices = @transform_3, window_bounds = array<i64: 4096, 128>}, {pipeline_mode = #tpu.pipeline_mode<synchronous>, transform_indices = @transform_4, window_bounds = array<i64: 128, 256>}, {pipeline_mode = #tpu.pipeline_mode<synchronous>, transform_indices = @transform_5, window_bounds = array<i64: 128, 256>}, {pipeline_mode = #tpu.pipeline_mode<synchronous>, transform_indices = @transform_6, window_bounds = array<i64: 128, 256>}, {pipeline_mode = #tpu.pipeline_mode<synchronous>, transform_indices = @transform_7, window_bounds = array<i64: 128, 256>}, {pipeline_mode = #tpu.pipeline_mode<synchronous>, transform_indices = @transform_8, window_bounds = array<i64: 1, 256>}, {pipeline_mode = #tpu.pipeline_mode<synchronous>, transform_indices = @transform_9, window_bounds = array<i64: 256, 256>}, {pipeline_mode = #tpu.pipeline_mode<synchronous>, transform_indices = @transform_10, window_bounds = array<i64: 1, 256>}, {pipeline_mode = #tpu.pipeline_mode<synchronous>, transform_indices = @transform_11, window_bounds = array<i64: 256, 1>}, {pipeline_mode = #tpu.pipeline_mode<synchronous>, transform_indices = @transform_12, window_bounds = array<i64: 1, 1>}, {transform_indices = @transform_13, window_bounds = array<i64: 4096, 1>}]} {
    %get3A = arith.constant 0 : index
    %get3A_0 = arith.constant 0 : index
    %get3A_1 = vector.load %arg1[%get3A, %get3A_0] : memref<4096x128xf32, #tpu.memory_space<vmem>>, vector<4096x128xf32>
    %get3A_2 = arith.constant 0 : index
    %get3A_3 = arith.constant 0 : index
    %get3A_4 = vector.load %arg5[%get3A_2, %get3A_3] : memref<128x256xf32, #tpu.memory_space<vmem>>, vector<128x256xf32>
    %dot_general3A = arith.constant dense<0.000000e+00> : vector<4096x256xf32>
    %dot_general3A_5 = tpu.matmul %get3A_1, %get3A_4, %dot_general3A {dimension_numbers = #tpu.dot_dimension_numbers<[1], [0], [0], [1], [0, 0, 1, 1], [], []>, transpose_lhs_hint = false} : vector<4096x128xf32>, vector<128x256xf32>, vector<4096x256xf32> -> vector<4096x256xf32>
    %get3A_6 = arith.constant 0 : index
    %get3A_7 = arith.constant 0 : index
    %get3A_8 = vector.load %arg2[%get3A_6, %get3A_7] : memref<4096x128xf32, #tpu.memory_space<vmem>>, vector<4096x128xf32>
    %get3A_9 = arith.constant 0 : index
    %get3A_10 = arith.constant 0 : index
    %get3A_11 = vector.load %arg6[%get3A_9, %get3A_10] : memref<128x256xf32, #tpu.memory_space<vmem>>, vector<128x256xf32>
    %dot_general3A_12 = arith.constant dense<0.000000e+00> : vector<4096x256xf32>
    %dot_general3A_13 = tpu.matmul %get3A_8, %get3A_11, %dot_general3A_12 {dimension_numbers = #tpu.dot_dimension_numbers<[1], [0], [0], [1], [0, 0, 1, 1], [], []>, transpose_lhs_hint = false} : vector<4096x128xf32>, vector<128x256xf32>, vector<4096x256xf32> -> vector<4096x256xf32>
    %add3A = arith.addf %dot_general3A_5, %dot_general3A_13 : vector<4096x256xf32>
    %get3A_14 = arith.constant 0 : index
    %get3A_15 = arith.constant 0 : index
    %get3A_16 = vector.load %arg3[%get3A_14, %get3A_15] : memref<4096x128xf32, #tpu.memory_space<vmem>>, vector<4096x128xf32>
    %get3A_17 = arith.constant 0 : index
    %get3A_18 = arith.constant 0 : index
    %get3A_19 = vector.load %arg7[%get3A_17, %get3A_18] : memref<128x256xf32, #tpu.memory_space<vmem>>, vector<128x256xf32>
    %dot_general3A_20 = arith.constant dense<0.000000e+00> : vector<4096x256xf32>
    %dot_general3A_21 = tpu.matmul %get3A_16, %get3A_19, %dot_general3A_20 {dimension_numbers = #tpu.dot_dimension_numbers<[1], [0], [0], [1], [0, 0, 1, 1], [], []>, transpose_lhs_hint = false} : vector<4096x128xf32>, vector<128x256xf32>, vector<4096x256xf32> -> vector<4096x256xf32>
    %add3A_22 = arith.addf %add3A, %dot_general3A_21 : vector<4096x256xf32>
    %get3A_23 = arith.constant 0 : index
    %get3A_24 = arith.constant 0 : index
    %get3A_25 = vector.load %arg4[%get3A_23, %get3A_24] : memref<4096x128xf32, #tpu.memory_space<vmem>>, vector<4096x128xf32>
    %get3A_26 = arith.constant 0 : index
    %get3A_27 = arith.constant 0 : index
    %get3A_28 = vector.load %arg8[%get3A_26, %get3A_27] : memref<128x256xf32, #tpu.memory_space<vmem>>, vector<128x256xf32>
    %dot_general3A_29 = arith.constant dense<0.000000e+00> : vector<4096x256xf32>
    %dot_general3A_30 = tpu.matmul %get3A_25, %get3A_28, %dot_general3A_29 {dimension_numbers = #tpu.dot_dimension_numbers<[1], [0], [0], [1], [0, 0, 1, 1], [], []>, transpose_lhs_hint = false} : vector<4096x128xf32>, vector<128x256xf32>, vector<4096x256xf32> -> vector<4096x256xf32>
    %add3A_31 = arith.addf %add3A_22, %dot_general3A_30 : vector<4096x256xf32>
    %get3A_32 = arith.constant 0 : index
    %get3A_33 = arith.constant 0 : index
    %get3A_34 = vector.load %arg9[%get3A_32, %get3A_33] : memref<1x256xf32, #tpu.memory_space<vmem>>, vector<1x256xf32>
    %add3A_35 = vector.broadcast %get3A_34 : vector<1x256xf32> to vector<4096x256xf32>
    %add3A_36 = arith.addf %add3A_31, %add3A_35 : vector<4096x256xf32>
    %max3A = arith.constant 0.000000e+00 : f32
    %max3A_37 = vector.broadcast %max3A : f32 to vector<4096x256xf32>
    %max3A_38 = arith.maximumf %add3A_36, %max3A_37 : vector<4096x256xf32>
    %get3A_39 = arith.constant 0 : index
    %get3A_40 = arith.constant 0 : index
    %get3A_41 = vector.load %arg10[%get3A_39, %get3A_40] : memref<256x256xf32, #tpu.memory_space<vmem>>, vector<256x256xf32>
    %dot_general3A_42 = arith.constant dense<0.000000e+00> : vector<4096x256xf32>
    %dot_general3A_43 = tpu.matmul %max3A_38, %get3A_41, %dot_general3A_42 {dimension_numbers = #tpu.dot_dimension_numbers<[1], [0], [0], [1], [0, 0, 1, 1], [], []>, transpose_lhs_hint = false} : vector<4096x256xf32>, vector<256x256xf32>, vector<4096x256xf32> -> vector<4096x256xf32>
    %get3A_44 = arith.constant 0 : index
    %get3A_45 = arith.constant 0 : index
    %get3A_46 = vector.load %arg11[%get3A_44, %get3A_45] : memref<1x256xf32, #tpu.memory_space<vmem>>, vector<1x256xf32>
    %add3A_47 = vector.broadcast %get3A_46 : vector<1x256xf32> to vector<4096x256xf32>
    %add3A_48 = arith.addf %dot_general3A_43, %add3A_47 : vector<4096x256xf32>
    %max3A_49 = arith.constant 0.000000e+00 : f32
    %max3A_50 = vector.broadcast %max3A_49 : f32 to vector<4096x256xf32>
    %max3A_51 = arith.maximumf %add3A_48, %max3A_50 : vector<4096x256xf32>
    %get3A_52 = arith.constant 0 : index
    %get3A_53 = arith.constant 0 : index
    %get3A_54 = vector.load %arg12[%get3A_52, %get3A_53] : memref<256x1xf32, #tpu.memory_space<vmem>>, vector<256x1xf32>
    %dot_general3A_55 = arith.constant dense<0.000000e+00> : vector<4096x1xf32>
    %dot_general3A_56 = tpu.matmul %max3A_51, %get3A_54, %dot_general3A_55 {dimension_numbers = #tpu.dot_dimension_numbers<[1], [0], [0], [1], [0, 0, 1, 1], [], []>, transpose_lhs_hint = false} : vector<4096x256xf32>, vector<256x1xf32>, vector<4096x1xf32> -> vector<4096x1xf32>
    %get3A_57 = arith.constant 0 : index
    %get3A_58 = arith.constant 0 : index
    %get3A_59 = vector.load %arg13[%get3A_57, %get3A_58] : memref<1x1xf32, #tpu.memory_space<vmem>>, vector<1x1xf32>
    %add3A_60 = vector.broadcast %get3A_59 : vector<1x1xf32> to vector<4096x1xf32>
    %add3A_61 = arith.addf %dot_general3A_56, %add3A_60 : vector<4096x1xf32>
    %swap3A = arith.constant 0 : index
    %swap3A_62 = arith.constant 0 : index
    %swap3A_63 = vector.load %arg14[%swap3A, %swap3A_62] : memref<4096x1xf32, #tpu.memory_space<vmem>>, vector<4096x1xf32>
    tpu.vector_store %arg14[%swap3A, %swap3A_62], %add3A_61 {strides = array<i32>} : memref<4096x1xf32, #tpu.memory_space<vmem>>, vector<4096x1xf32>,
    return
  }
  func.func @transform_0(%arg0: i32) -> (i32, i32) {
    %c0_i32 = arith.constant 0 : i32
    %c0_i32_0 = arith.constant 0 : i32
    return %arg0, %c0_i32 : i32, i32
  }
  func.func @transform_1(%arg0: i32) -> (i32, i32) {
    %c0_i32 = arith.constant 0 : i32
    %c0_i32_0 = arith.constant 0 : i32
    return %arg0, %c0_i32 : i32, i32
  }
  func.func @transform_2(%arg0: i32) -> (i32, i32) {
    %c0_i32 = arith.constant 0 : i32
    %c0_i32_0 = arith.constant 0 : i32
    return %arg0, %c0_i32 : i32, i32
  }
  func.func @transform_3(%arg0: i32) -> (i32, i32) {
    %c0_i32 = arith.constant 0 : i32
    %c0_i32_0 = arith.constant 0 : i32
    return %arg0, %c0_i32 : i32, i32
  }
  func.func @transform_4(%arg0: i32) -> (i32, i32) {
    %c0_i32 = arith.constant 0 : i32
    %c0_i32_0 = arith.constant 0 : i32
    %c0_i32_1 = arith.constant 0 : i32
    return %c0_i32, %c0_i32_0 : i32, i32
  }
  func.func @transform_5(%arg0: i32) -> (i32, i32) {
    %c0_i32 = arith.constant 0 : i32
    %c0_i32_0 = arith.constant 0 : i32
    %c0_i32_1 = arith.constant 0 : i32
    return %c0_i32, %c0_i32_0 : i32, i32
  }
  func.func @transform_6(%arg0: i32) -> (i32, i32) {
    %c0_i32 = arith.constant 0 : i32
    %c0_i32_0 = arith.constant 0 : i32
    %c0_i32_1 = arith.constant 0 : i32
    return %c0_i32, %c0_i32_0 : i32, i32
  }
  func.func @transform_7(%arg0: i32) -> (i32, i32) {
    %c0_i32 = arith.constant 0 : i32
    %c0_i32_0 = arith.constant 0 : i32
    %c0_i32_1 = arith.constant 0 : i32
    return %c0_i32, %c0_i32_0 : i32, i32
  }
  func.func @transform_8(%arg0: i32) -> (i32, i32) {
    %c0_i32 = arith.constant 0 : i32
    %c0_i32_0 = arith.constant 0 : i32
    %c0_i32_1 = arith.constant 0 : i32
    return %c0_i32, %c0_i32_0 : i32, i32
  }
  func.func @transform_9(%arg0: i32) -> (i32, i32) {
    %c0_i32 = arith.constant 0 : i32
    %c0_i32_0 = arith.constant 0 : i32
    %c0_i32_1 = arith.constant 0 : i32
    return %c0_i32, %c0_i32_0 : i32, i32
  }
  func.func @transform_10(%arg0: i32) -> (i32, i32) {
    %c0_i32 = arith.constant 0 : i32
    %c0_i32_0 = arith.constant 0 : i32
    %c0_i32_1 = arith.constant 0 : i32
    return %c0_i32, %c0_i32_0 : i32, i32
  }
  func.func @transform_11(%arg0: i32) -> (i32, i32) {
    %c0_i32 = arith.constant 0 : i32
    %c0_i32_0 = arith.constant 0 : i32
    %c0_i32_1 = arith.constant 0 : i32
    return %c0_i32, %c0_i32_0 : i32, i32
  }
  func.func @transform_12(%arg0: i32) -> (i32, i32) {
    %c0_i32 = arith.constant 0 : i32
    %c0_i32_0 = arith.constant 0 : i32
    %c0_i32_1 = arith.constant 0 : i32
    return %c0_i32, %c0_i32_0 : i32, i32
  }
  func.func @transform_13(%arg0: i32) -> (i32, i32) {
    %c0_i32 = arith.constant 0 : i32
    %c0_i32_0 = arith.constant 0 : i32
    return %arg0, %c0_i32 : i32, i32
  }
}

</mosaic_0001>

<sc_bundles>
// kernel: kernel.7.cloned.1.call-start
scs
__scs_entry_jumppad:
0x0: {  	(pc) =	sbr.rel $0x88, $3  }
0x1: {  	(tag) =	ssettag $0x0;
	lr =	simm.s32 $0x1  }
0x2: {  	[smem:$0x3F95] =	sst lr;
	_ =	strace $0xD0000000  }
0x3: {  	_ = 	snop  }
0x4: {  	_ = 	snop  }
0x5: {  	_ = 	snop  }
0x6: {  	_ = 	snop  }
0x7: {  	_ = 	snop  }
__scs_overlays_trampoline_lowered:
0x8: {  	[smem:$0x3FA4] =	sst s0  }
0x9: {  	[smem:$0x3FA5] =	sst s1  }
0xa: {  	[smem:$0x3FA6] =	sst s2  }
0xb: {  	[smem:$0x3FA7] =	sst s3  }
0xc: {  	[smem:$0x3FA8] =	sst s4  }
0xd: {  	[smem:$0x3FA9] =	sst s5  }
0xe: {  	[smem:$0x3FAA] =	sst s6  }
0xf: {  	[smem:$0x3FAB] =	sst s7  }
0x10: {  	[smem:$0x3FAC] =	sst s8  }
0x11: {  	[smem:$0x3FAD] =	sst s9;
	s0 =	simm.s32 @!p0 $0x0  }
0x12: {  	s1 =	sld [smem:$0x3F93];
	s0 =	simm.s32 @p0 $0x1  }
0x13: {  	[smem:$0x3FAE] =	sst s0;
	s0 =	simm.s32 @!p1 $0x0  }
0x14: {  	s2 =	sld [smem:$0x3F92];
	s0 =	simm.s32 @p1 $0x1  }
0x15: {  	[smem:$0x3FAF] =	sst s0;
	s0 =	simm.s32 @!p2 $0x0  }
0x16: {  	s3 =	sld [smem:$0x3FDB];
	s0 =	simm.s32 @p2 $0x1  }
0x17: {  	s4 =	simm.s32 $0x1BF5;
	[smem:$0x3FB1] =	sst s0  }
0x18: {  	s0 =	sld [smem:$0x3F94];
	_ =	swait.ge [sflag:s4], $0x0  }
0x19: {  	s7 =	sld [smem:$0x3F95]  }
0x1a: {  	s8 =	sadd.s32 $0xFFFFE003, lr  }
0x1b: {  	s9 =	sadd.s32 $0xFFFFFEF7, lr;
	s5 =	simm.s32 $0xFFFFFFFF;
	p2 =	slt.u32 s8, $0xFFFFF086  }
0x1c: {  	p1 =	slt.u32 s9, $0xF7A;
	s5 =	simm.s32 @!p2 $0x0  }
0x1d: {  	s5 =	simm.s32 @p1 $0x1;
	p0 =	seq.s32 s7, s2  }
0x1e: {  	s7 =	smul.u32 @!p0 $0xF7A, s2;
	p2 =	seq.s32 @!p0 s5, $0x0  }
0x1f: {  	s9 =	smul.u32 $0xF7A, s1;
	s8 =	simm.s32 @!p0 $0x1BF5;
	p2 =	por !p2, p0  }
0x20: {  	[sflag:s8] =	ssyncset.s32 @!p0 $0xFFFFF086;
	s6 =	sadd.s32 @!p0 s3, s7;
	s7 =	simm.s32 @!p0 $0x108  }
0x21: {  	s3 =	sadd.s32 s3, s9;
	s6 =	sadd.s32 @!p0 $0x88, s6;
	s7 =	simm.s32 @p2 $0x1082  }
0x22: {  	[simem:s7], [sflag:s8] =	dma.local @!p0 [hbm:s6], $0xF7A  }
0x23: {  	s9 =	sor.u32 $0xD0000000, s2;
	s6 =	simm.s32 $0x108;
	_ =	swait.ge @!p0 [sflag:s8], $0x0  }
0x24: {  	s3 =	sadd.s32 $0x88, s3;
	s6 =	simm.s32 @!p1 $0x1082;
	[sflag:s4] =	ssyncset.s32 $0xFFFFF086  }
0x25: {  	[simem:s6], [sflag:s4] =	dma.local [hbm:s3], $0xF7A  }
0x26: {  	[smem:$0x3F95] =	sst s1;
	(tag) =	ssettag s2;
	_ =	strace s9  }
0x27: {  	s1 =	sld [smem:$0x3FA5]  }
0x28: {  	s2 =	sld [smem:$0x3FA6]  }
0x29: {  	s4 =	sld [smem:$0x3FA8]  }
0x2a: {  	p0 =	seq.s32 s5, $0x0;
	s5 =	sld [smem:$0x3FA9]  }
0x2b: {  	s6 =	sld [smem:$0x3FAA]  }
0x2c: {  	s7 =	sld [smem:$0x3FAB]  }
0x2d: {  	s3 =	simm.s32 $0x108;
	s8 =	sld [smem:$0x3FAC]  }
0x2e: {  	s3 =	simm.s32 @!p0 $0x1082;
	s9 =	sld [smem:$0x3FAD]  }
0x2f: {  	lr =	sadd.s32 s0, s3;
	s0 =	sld [smem:$0x3FA4]  }
0x30: {  	s3 =	sld [smem:$0x3FA7]  }
0x31: {  	[smem:$0x3FB0] =	sst s10  }
0x32: {  	s10 =	sld [smem:$0x3FAE];
	_ =	sdelay $0x3  }
0x33: {  	p0 =	seq.s32 s10, $0x1;
	s10 =	sld [smem:$0x3FB0];
	_ =	sdelay $0x3  }
0x34: {  	[smem:$0x3FB0] =	sst s10  }
0x35: {  	s10 =	sld [smem:$0x3FAF];
	_ =	sdelay $0x3  }
0x36: {  	p1 =	seq.s32 s10, $0x1;
	s10 =	sld [smem:$0x3FB0];
	_ =	sdelay $0x3  }
0x37: {  	[smem:$0x3FB0] =	sst s10  }
0x38: {  	s10 =	sld [smem:$0x3FB1]  }
0x39: {  	_ = 	snop;
	(pc) =	sbr.ind lr, $3  }
0x3a: {  	_ = 	snop  }
0x3b: {  	_ = 	snop  }
0x3c: {  	p2 =	seq.s32 s10, $0x1;
	s10 =	sld [smem:$0x3FB0]  }
0x3d: {  	_ =	shalt  }
0x3e: {  	_ =	shalt  }
0x3f: {  	_ =	shalt  }
0x40: {  	_ =	shalt  }
0x41: {  	_ =	shalt  }
0x42: {  	_ =	shalt  }
0x43: {  	_ =	shalt  }
0x44: {  	_ =	shalt  }
0x45: {  	_ =	shalt  }
0x46: {  	_ =	shalt  }
0x47: {  	_ =	shalt  }
0x48: {  	_ =	shalt  }
0x49: {  	_ =	shalt  }
0x4a: {  	_ =	shalt  }
0x4b: {  	_ =	shalt  }
0x4c: {  	_ =	shalt  }
0x4d: {  	_ =	shalt  }
0x4e: {  	_ =	shalt  }
0x4f: {  	_ =	shalt  }
0x50: {  	_ =	shalt  }
0x51: {  	_ =	shalt  }
0x52: {  	_ =	shalt  }
0x53: {  	_ =	shalt  }
0x54: {  	_ =	shalt  }
0x55: {  	_ =	shalt  }
0x56: {  	_ =	shalt  }
0x57: {  	_ =	shalt  }
0x58: {  	_ =	shalt  }
0x59: {  	_ =	shalt  }
0x5a: {  	_ =	shalt  }
0x5b: {  	_ =	shalt  }
0x5c: {  	_ =	shalt  }
0x5d: {  	_ =	shalt  }
0x5e: {  	_ =	shalt  }
0x5f: {  	_ =	shalt  }
0x60: {  	_ =	shalt  }
0x61: {  	_ =	shalt  }
0x62: {  	_ =	shalt  }
0x63: {  	_ =	shalt  }
0x64: {  	_ =	shalt  }
0x65: {  	_ =	shalt  }
0x66: {  	_ =	shalt  }
0x67: {  	_ =	shalt  }
0x68: {  	_ =	shalt  }
0x69: {  	_ =	shalt  }
0x6a: {  	_ =	shalt  }
0x6b: {  	_ =	shalt  }
0x6c: {  	_ =	shalt  }
0x6d: {  	_ =	shalt  }
0x6e: {  	_ =	shalt  }
0x6f: {  	_ =	shalt  }
0x70: {  	_ =	shalt  }
0x71: {  	_ =	shalt  }
0x72: {  	_ =	shalt  }
0x73: {  	_ =	shalt  }
0x74: {  	_ =	shalt  }
0x75: {  	_ =	shalt  }
0x76: {  	_ =	shalt  }
0x77: {  	_ =	shalt  }
0x78: {  	_ =	shalt  }
0x79: {  	_ =	shalt  }
0x7a: {  	_ =	shalt  }
0x7b: {  	_ =	shalt  }
0x7c: {  	_ =	shalt  }
0x7d: {  	_ =	shalt  }
0x7e: {  	_ =	shalt  }
0x7f: {  	_ =	shalt  }
0x80: {  	_ =	shalt  }
0x81: {  	_ =	shalt  }
0x82: {  	_ =	shalt  }
0x83: {  	_ =	shalt  }
0x84: {  	_ =	shalt  }
0x85: {  	_ =	shalt  }
0x86: {  	_ =	shalt  }
0x87: {  	_ =	shalt  }
.Lfunc_end0:
.L_simem_size_0:
called_computation_lowered:
.L_overlay_start_0:
0x88: {  	s2 =	sld [smem:$0x3FD9]  }
0x89: {  	s3 =	sld [smem:$0x3FFE];
	_ =	sdelay $0x1  }
0x8a: {  	s1 =	srdreg.scid  }
0x8b: {  	s0 =	sand.u32 $0x1, s1  }
0x8c: {  	s17 =	sshll.u32 s0, $0xA;
	s2 =	sadd.s32 s3, s2  }
0x8d: {  	s2 =	sadd.s32 s2, s17  }
0x8e: {  	[smem:$0x3FBC] =	sst s2  }
0x8f: {  	_ = 	snop  }
0x90: {  	s2 =	sld [smem:$0x3FD0];
	(tm) =	ssettm $0x1  }
0x91: {  	s18 =	sld [smem:$0x3FFB];
	_ =	sdelay $0x3  }
0x92: {  	_ =	strace s18  }
0x93: {  	s3 =	sld [smem:$0x3FFC];
	_ =	sdelay $0x3  }
0x94: {  	_ =	strace s3  }
0x95: {  	s3 =	sld [smem:$0x3FFD];
	_ =	sdelay $0x3  }
0x96: {  	_ =	strace s3  }
0x97: {  	_ =	strace $0x8FFFFFFF  }
0x98: {  	s19 =	sld [smem:$0x3FDB];
	_ =	sdelay $0x1  }
0x99: {  	s4 =	simm.s32 $_scs_section_size  }
0x9a: {  	s5 =	simm.s32 $_size__tile_overlayer_lowered;
	s6 =	simm.s32 $_tile_overlayer_lowered  }
0x9b: {  	s22 =	simm.s32 $0x1BFF;
	s21 =	sshll.u32 s6, $0x1;
	s3 =	sadd.s32 s4, s19  }
0x9c: {  	s7 =	simm.s32 $0x0;
	s20 =	sshll.u32 s5, $0x1;
	s5 =	sadd.s32 s21, s3  }
0x9d: {  	[timem:s7], [sflag:s22] =	dma.local [hbm:s5], s20  }
0x9e: {  	_ =	swait.ge [sflag:s22], s20  }
0x9f: {  	s4 =	ssub.s32 $0x0, s20;
	[sflag:s22] =	ssyncset.done $0x0  }
0xa0: {  	[sflag:s22] =	ssyncadd.s32 s4;
	_ =	sdelay $0x1  }
0xa1: {  	s23 =	simm.s32 $0x1B8B  }
0xa2: {  	_ =	swait.ge [sflag:s23], $0x1  }
0xa3: {  	[sflag:s23] =	ssyncset.done $0x0  }
0xa4: {  	s25 =	simm.s32 $0x1B8E;
	s24 =	sld [smem:$0x3FFE];
	[sflag:s23] =	ssyncadd.s32 $0xFFFFFFFF  }
0xa5: {  	s26 =	simm.s32 $execute0_lowered;
	[smem:$0x3FD2] =	sst s25  }
0xa6: {  	s5 =	sshll.u32 s26, $0x1;
	_ =	strace $0x80000046;
	[dreg:$0x1] =	wrdreg $0xFFFFFFFF  }
0xa7: {  	s28 =	simm.s32 $_size_execute0_lowered;
	s3 =	sadd.s32 s3, s5;
	[dreg:$0x0] =	wrdreg $0x0  }
0xa8: {  	s5 =	sshll.u32 s28, $0x1;
	[dreg:$0x2] =	wrdreg s3  }
0xa9: {  	[dreg:$0x3] =	wrdreg s5  }
0xaa: {  	[dreg:$0x4] =	wrdreg $0xC0  }
0xab: {  	_ =	task [dreg:s7], $0x5FFFF  }
0xac: {  	[dreg:$0x1] =	wrdreg $0xFFFFFFFF  }
0xad: {  	[dreg:$0x0] =	wrdreg $0x60  }
0xae: {  	[dreg:$0x2] =	wrdreg s24  }
0xaf: {  	[dreg:$0x3] =	wrdreg s2  }
0xb0: {  	[dreg:$0x4] =	wrdreg $0x9  }
0xb1: {  	_ =	task.clear_ibuf [dreg:s7], $0x5FFFF;
	_ =	strace $0x90000046  }
0xb2: {  	s29 =	simm.s32 $0x9;
	_ =	strace $0x80000048  }
0xb3: {  	_ =	swait.ge [sflag:s29], $0x1  }
0xb4: {  	[sflag:s29] =	ssyncadd.s32 $0xFFFFFFFF  }
0xb5: {  	_ =	strace $0x90000048  }
0xb6: {  	_ =	sfence  }
0xb7: {  	s30 =	sld [smem:$0x0];
	_ =	sdelay $0x2  }
0xb8: {  	s31 =	sshll.u32 s1, $0xD;
	s1 =	sshrl.u32 s1, $0x2  }
0xb9: {  	s3 =	sand.u32 $0x4000, s31;
	s1 =	sadd.s32 s1, s30  }
0xba: {  	s0 =	sor.u32 s3, s0;
	s1 =	sshll.u32 s1, $0x11  }
0xbb: {  	s0 =	sor.u32 s1, s0  }
0xbc: {  	s0 =	sadd.s32 $0x8F2B, s0  }
0xbd: {  	[sflag:s0] =	ssyncadd.remote.s32 $0x1  }
0xbe: {  	_ =	sfence.sel $0xFFFF  }
0xbf: {  	[dreg:$0x0] =	wrdreg $0xFFFFFFFF;
	(pc) =	sbr.abs _section_cstart, $3  }
0xc0: {  	[dreg:$0x1] =	wrdreg $0xFFFFFFFF  }
0xc1: {  	_ =	task.clear_ibuf [dreg:s7], $0x2FFFF;
	_ =	strace $0x9FFFFFFF  }
0xc2: {  	(tm) =	ssettm $0x7FFFFFFF  }
0xc3: {  	_ =	shalt  }
tec
execute0_lowered:
.L_overlay_start_1:
0x0: {  	(tag) =	ssettag $0x1  }
0x1: {  	s0 =	rddreg [dreg:$0x0]  }
0x2: {  	s1 =	rddreg [dreg:$0x1]  }
0x3: {  	s3 =	srdreg.scid;
	s2 =	simm.s32 $0x0;
	s4 =	stileid.u32  }
0x4: {  	s5 =	sand.u32 $0x1, s3;
	[smem:$0x7FF] =	sst s2;
	s22 =	sshll.u32 s4, $0xA  }
0x5: {  	s8 =	sadd.s32 $0x995000, s0;
	s11 =	sadd.s32 $0x9D5000, s0;
	s12 =	sadd.s32 $0xA15000, s0  }
0x6: {  	s16 =	sadd.s32 $0xA55000, s0;
	s23 =	sshll.u32 s5, $0x9;
	s5 =	ssub.s32 $0x2, s5  }
0x7: {  	_ =	strace $0x80000047;
	s6 =	sor.u32 s23, s22;
	s9 =	sshrl.u32 s5, $0x1  }
0x8: {  	s7 =	sshrl.u32 s6, $0x3;
	s15 =	sshll.u32 s6, $0x4;
	s19 =	ssub.s32 s5, s9  }
0x9: {  	s5 =	sadd.s32 s8, s15;
	s6 =	sadd.s32 s11, s15;
	s24 =	sadd.s32 s16, s15  }
0xa: {  	s20 =	sadd.s32 s12, s15;
	s1 =	sadd.s32 s1, s7;
	[dreg:$0x4] =	wrdreg s24  }
0xb: {  	s13 =	sor.u32 $0x800, s15;
	s17 =	sor.u32 $0x1000, s15;
	[dreg:$0xb] =	wrdreg s1  }
0xc: {  	s9 =	sadd.s32 s8, s13;
	s14 =	sadd.s32 s12, s13;
	[dreg:$0x3] =	wrdreg s20  }
0xd: {  	s10 =	sadd.s32 s11, s13;
	s13 =	sadd.s32 s16, s13;
	[dreg:$0x5] =	wrdreg s14  }
0xe: {  	s15 =	sor.u32 $0x1800, s15;
	s18 =	sadd.s32 s12, s17;
	[dreg:$0x6] =	wrdreg s13  }
0xf: {  	s25 =	sadd.s32 s12, s15;
	[dreg:$0x7] =	wrdreg s18  }
0x10: {  	s30 =	sadd.s32 s7, s0;
	s26 =	sadd.s32 s16, s15;
	[dreg:$0x9] =	wrdreg s25  }
0x11: {  	s31 =	sadd.s32 $0x3000, s30;
	[dreg:$0xa] =	wrdreg s26  }
0x12: {  	s28 =	simm.s32 $0x80;
	s7 =	sadd.s32 $0x4000, s30;
	[dreg:$0xc] =	wrdreg s31  }
0x13: {  	s29 =	simm.s32 $0x0;
	s12 =	smax.u32 s19, $0x1;
	[dreg:$0xd] =	wrdreg s7  }
0x14: {  	s3 =	sadd.s32 $0x994A00, s0;
	s19 =	sadd.s32 $0x804, s20;
	[dreg:$0x10] =	wrdreg s12  }
0x15: {  	s22 =	sadd.s32 $0x808, s20;
	s13 =	sadd.s32 s8, s17;
	[dreg:$0x13] =	wrdreg s19  }
0x16: {  	s14 =	sadd.s32 s11, s17;
	s17 =	sadd.s32 s16, s17;
	[dreg:$0x14] =	wrdreg s22  }
0x17: {  	s18 =	sadd.s32 s11, s15;
	s11 =	sadd.s32 $0x3800, s30;
	[dreg:$0x8] =	wrdreg s17  }
0x18: {  	s4 =	sadd.s32 $0x994800, s0;
	s16 =	sadd.s32 $0x8, s20;
	[dreg:$0xf] =	wrdreg s11  }
0x19: {  	s21 =	sadd.s32 $0x7B4800, s0;
	s25 =	sadd.s32 $0x1004, s20;
	[dreg:$0x12] =	wrdreg s16  }
0x1a: {  	s23 =	sadd.s32 $0x4800, s0;
	s26 =	sadd.s32 $0x1008, s20;
	[dreg:$0x15] =	wrdreg s25  }
0x1b: {  	s24 =	sadd.s32 $0x954800, s0;
	s31 =	sadd.s32 $0x1808, s20;
	[dreg:$0x16] =	wrdreg s26  }
0x1c: {  	s17 =	sadd.s32 s8, s15;
	s8 =	sadd.s32 $0x2800, s30;
	[dreg:$0x18] =	wrdreg s31  }
0x1d: {  	s19 =	simm.s32 $0x6;
	s15 =	sadd.s32 $0x4, s20;
	[dreg:$0xe] =	wrdreg s8  }
0x1e: {  	s7 =	simm.s32 $0x5;
	s30 =	sadd.s32 $0x1804, s20;
	[dreg:$0x11] =	wrdreg s15  }
0x1f: {  	s26 =	simm.s32 $0x3;
	[dreg:$0x17] =	wrdreg s30;
	s15 =	simm.s32 $0x4  }
.LBB2_1:
0x20: {  	s0 =	rddreg [dreg:$0xc]  }
0x21: {  	[tilespmem:s2], [sflag:$0x6] =	stream.linear.gather [hbm4b:s0+s2], $0x200, $0x38;
	[tilespmem:$0x18A00] =	vst v63  }
0x22: {  	_ =	swait.ge [sflag:s19], $0x200  }
0x23: {  	[sflag:s19] =	ssyncset.done $0x0  }
0x24: {  	s1 =	simm.s32 $0x200;
	s11 =	rddreg [dreg:$0xd];
	[sflag:s19] =	ssyncadd.s32 $0xFFFFFE00  }
0x25: {  	[tilespmem:s1], [sflag:$0x6] =	stream.linear.gather [hbm4b:s11+s2], $0x200, $0x38;
	[tilespmem:$0x18A00] =	vst v63  }
0x26: {  	_ =	swait.ge [sflag:s19], $0x200  }
0x27: {  	[sflag:s19] =	ssyncset.done $0x0  }
0x28: {  	s31 =	simm.s32 $0x400;
	s12 =	rddreg [dreg:$0xe];
	[sflag:s19] =	ssyncadd.s32 $0xFFFFFE00  }
0x29: {  	[tilespmem:s31], [sflag:$0x6] =	stream.linear.gather [hbm4b:s12+s2], $0x200, $0x38;
	[tilespmem:$0x18A00] =	vst v63  }
0x2a: {  	_ =	swait.ge [sflag:s19], $0x200  }
0x2b: {  	[sflag:s19] =	ssyncset.done $0x0  }
0x2c: {  	s20 =	simm.s32 $0x600;
	s16 =	rddreg [dreg:$0xf];
	[sflag:s19] =	ssyncadd.s32 $0xFFFFFE00  }
0x2d: {  	[tilespmem:s20], [sflag:$0x6] =	stream.linear.gather [hbm4b:s16+s2], $0x200, $0x38;
	[tilespmem:$0x18A00] =	vst v63  }
0x2e: {  	_ =	swait.ge [sflag:s19], $0x200  }
0x2f: {  	s8 =	simm.s32 $0x800;
	s30 =	simm.s32 $0xA00;
	[sflag:s19] =	ssyncset.done $0x0  }
0x30: {  	s12 =	smov.u32 s24;
	s22 =	rddreg [dreg:$0xb];
	[sflag:s19] =	ssyncadd.s32 $0xFFFFFE00  }
0x31: {  	[tilespmem:s8], [sflag:$0x6] =	stream.linear.gather [hbm4b:s22+s2], $0x200, $0x38;
	[tilespmem:$0x18A00] =	vst v63  }
0x32: {  	s24 =	smov.u32 s23;
	s23 =	smov.u32 s21;
	_ =	swait.ge [sflag:s19], $0x200  }
0x33: {  	s21 =	smov.u32 s4;
	s4 =	smov.u32 s3;
	[sflag:s19] =	ssyncset.done $0x0  }
0x34: {  	s0 =	simm.s32 $0x8A00;
	s22 =	smov.u32 s4;
	[sflag:s19] =	ssyncadd.s32 $0xFFFFFE00  }
0x35: {  	[tilespmem:s30], [sflag:$0x1] =	stream.indirect.gather [hbm4b:s4+s28], $0x100, s2, s28, $0xb8;
	[tilespmem:$0x18A00] =	vst v63  }
0x36: {  	s4 =	smov.u32 s21;
	s21 =	smov.u32 s23;
	s23 =	smov.u32 s24  }
0x37: {  	[tilespmem:s0], [sflag:$0x2] =	stream.indirect.gather [hbm4b:s23+s28], $0x20, s1, s28, $0xb8;
	[tilespmem:$0x18A00] =	vst v63  }
0x38: {  	s16 =	simm.s32 $0x9A00;
	s1 =	simm.s32 $0x280  }
0x39: {  	[tilespmem:s16], [sflag:$0x2] =	stream.indirect.gather [hbm4b:s23+s28], $0x20, s1, s28, $0xb8;
	[tilespmem:$0x18A00] =	vst v63  }
0x3a: {  	s16 =	simm.s32 $0xAA00  }
0x3b: {  	[tilespmem:s16], [sflag:$0x3] =	stream.indirect.gather [hbm4b:s4+s28], $0x20, s31, s28, $0xb8;
	[tilespmem:$0x18A00] =	vst v63  }
0x3c: {  	s3 =	simm.s32 $0xBA00;
	s1 =	simm.s32 $0x480  }
0x3d: {  	[tilespmem:s3], [sflag:$0x3] =	stream.indirect.gather [hbm4b:s4+s28], $0x20, s1, s28, $0xb8;
	[tilespmem:$0x18A00] =	vst v63  }
0x3e: {  	s24 =	smov.u32 s12;
	s12 =	simm.s32 $0xCA00  }
0x3f: {  	[tilespmem:s12], [sflag:$0x4] =	stream.indirect.gather [hbm4b:s21+s28], $0x40, s20, s28, $0xb8;
	[tilespmem:$0x18A00] =	vst v63  }
0x40: {  	s11 =	simm.s32 $0xEA00;
	s3 =	simm.s32 $0x680  }
0x41: {  	[tilespmem:s11], [sflag:$0x4] =	stream.indirect.gather [hbm4b:s21+s28], $0x40, s3, s28, $0xb8;
	[tilespmem:$0x18A00] =	vst v63  }
0x42: {  	s11 =	simm.s32 $0x10A00  }
0x43: {  	[tilespmem:s11], [sflag:$0x5] =	stream.indirect.gather [hbm4b:s24+s28], $0x80, s8, s28, $0xb8;
	[tilespmem:$0x18A00] =	vst v63  }
0x44: {  	s25 =	simm.s32 $0x14A00;
	s20 =	simm.s32 $0x880;
	s8 =	simm.s32 $0x1  }
0x45: {  	[tilespmem:s25], [sflag:$0x5] =	stream.indirect.gather [hbm4b:s24+s28], $0x80, s20, s28, $0xb8;
	[tilespmem:$0x18A00] =	vst v63  }
0x46: {  	_ =	swait.ge [sflag:s8], $0x8000  }
0x47: {  	s0 =	simm.s32 $0xB00;
	[sflag:s8] =	ssyncset.done $0x0  }
0x48: {  	s31 =	simm.s32 $0x10;
	s1 =	sadd.s32 $0x0, s5;
	[sflag:s8] =	ssyncadd.s32 $0xFFFF8000  }
.LBB2_2:
0x49: {  	[hbm4b:s1+s2] =	stream.linear.scatter [tilespmem:s30], [sflag:$0x6], $0x80, $0x38;
	[tilespmem:$0x18A00] =	vst v63  }
0x4a: {  	s1 =	smov.u32 s31;
	s30 =	smov.u32 s0;
	p0 =	sne.s32 s31, $0x7F0  }
.Ltmp0:
0x4b: {  	s31 =	sadd.s32 $0x10, s31;
	(pc) =	sbr.rel @p0 .LBB2_2-.Ltmp0, $2  }
0x4c: {  	_ =	sdelay $0x2  }
0x4d: {  	s0 =	sadd.s32 $0x100, s0;
	s1 =	sadd.s32 s1, s5  }
0x4e: {  	[hbm4b:s1+s2] =	stream.linear.scatter [tilespmem:s30], [sflag:$0x6], $0x80, $0x38;
	[tilespmem:$0x18A00] =	vst v63  }
0x4f: {  	_ =	swait.ge [sflag:s19], $0x4000  }
0x50: {  	s30 =	simm.s32 $0xA80;
	s31 =	simm.s32 $0x10;
	[sflag:s19] =	ssyncset.done $0x0  }
0x51: {  	s1 =	sadd.s32 $0x0, s6;
	s0 =	simm.s32 $0xB80;
	[sflag:s19] =	ssyncadd.s32 $0xFFFFC000  }
.LBB2_4:
0x52: {  	[hbm4b:s1+s2] =	stream.linear.scatter [tilespmem:s30], [sflag:$0x6], $0x80, $0x38;
	[tilespmem:$0x18A00] =	vst v63  }
0x53: {  	s1 =	smov.u32 s31;
	s30 =	smov.u32 s0;
	p0 =	sne.s32 s31, $0x7F0  }
.Ltmp1:
0x54: {  	s31 =	sadd.s32 $0x10, s31;
	(pc) =	sbr.rel @p0 .LBB2_4-.Ltmp1, $2  }
0x55: {  	_ =	sdelay $0x2  }
0x56: {  	s0 =	sadd.s32 $0x100, s0;
	s1 =	sadd.s32 s1, s6  }
0x57: {  	[hbm4b:s1+s2] =	stream.linear.scatter [tilespmem:s30], [sflag:$0x6], $0x80, $0x38;
	[tilespmem:$0x18A00] =	vst v63  }
0x58: {  	_ =	swait.ge [sflag:s19], $0x4000  }
0x59: {  	[sflag:s19] =	ssyncset.done $0x0  }
0x5a: {  	s30 =	simm.s32 $0xA00;
	s0 =	simm.s32 $0x2;
	[sflag:s19] =	ssyncadd.s32 $0xFFFFC000  }
0x5b: {  	[tilespmem:s30], [sflag:$0x1] =	stream.indirect.gather [hbm4b:s22+s28], $0x100, s28, s28, $0xb8;
	[tilespmem:$0x18A00] =	vst v63  }
0x5c: {  	_ =	swait.ge [sflag:s0], $0x1000  }
0x5d: {  	s3 =	smov.u32 s22;
	s20 =	simm.s32 $0x20;
	[sflag:s0] =	ssyncset.done $0x0  }
0x5e: {  	s22 =	simm.s32 $0x8A00;
	s1 =	rddreg [dreg:$0x3];
	[sflag:s0] =	ssyncadd.s32 $0xFFFFF000  }
0x5f: {  	[hbm4b:s1+s20] =	stream.strided.scatter [tilespmem:s22], [sflag:$0x6], $0x1000, s28, s20, $0x38;
	[tilespmem:$0x18A00] =	vst v63  }
0x60: {  	_ =	swait.ge [sflag:s19], $0x1000  }
0x61: {  	[sflag:s19] =	ssyncset.done $0x0  }
0x62: {  	s25 =	simm.s32 $0x300;
	[sflag:s19] =	ssyncadd.s32 $0xFFFFF000  }
0x63: {  	[tilespmem:s22], [sflag:$0x2] =	stream.indirect.gather [hbm4b:s23+s28], $0x20, s25, s28, $0xb8;
	[tilespmem:$0x18A00] =	vst v63  }
0x64: {  	_ =	swait.ge [sflag:s26], $0x1000  }
0x65: {  	[sflag:s26] =	ssyncset.done $0x0  }
0x66: {  	s1 =	rddreg [dreg:$0x11];
	[sflag:s26] =	ssyncadd.s32 $0xFFFFF000  }
0x67: {  	[hbm4b:s1+s20] =	stream.strided.scatter [tilespmem:s16], [sflag:$0x6], $0x1000, s28, s20, $0x38;
	[tilespmem:$0x18A00] =	vst v63  }
0x68: {  	_ =	swait.ge [sflag:s19], $0x1000  }
0x69: {  	[sflag:s19] =	ssyncset.done $0x0  }
0x6a: {  	s20 =	simm.s32 $0x500;
	[sflag:s19] =	ssyncadd.s32 $0xFFFFF000  }
0x6b: {  	[tilespmem:s16], [sflag:$0x3] =	stream.indirect.gather [hbm4b:s4+s28], $0x20, s20, s28, $0xb8;
	[tilespmem:$0x18A00] =	vst v63  }
0x6c: {  	_ =	swait.ge [sflag:s15], $0x2000  }
0x6d: {  	[sflag:s15] =	ssyncset.done $0x0  }
0x6e: {  	s25 =	simm.s32 $0x40;
	s22 =	rddreg [dreg:$0x12];
	[sflag:s15] =	ssyncadd.s32 $0xFFFFE000  }
0x6f: {  	[hbm4b:s22+s25] =	stream.strided.scatter [tilespmem:s12], [sflag:$0x6], $0x2000, s28, s25, $0x38;
	[tilespmem:$0x18A00] =	vst v63  }
0x70: {  	_ =	swait.ge [sflag:s19], $0x2000  }
0x71: {  	[sflag:s19] =	ssyncset.done $0x0  }
0x72: {  	s1 =	simm.s32 $0x700;
	[sflag:s19] =	ssyncadd.s32 $0xFFFFE000  }
0x73: {  	[tilespmem:s12], [sflag:$0x4] =	stream.indirect.gather [hbm4b:s21+s28], $0x40, s1, s28, $0xb8;
	[tilespmem:$0x18A00] =	vst v63  }
0x74: {  	_ =	swait.ge [sflag:s7], $0x4000  }
0x75: {  	[sflag:s7] =	ssyncset.done $0x0  }
0x76: {  	s20 =	simm.s32 $0x0;
	s22 =	rddreg [dreg:$0x4];
	[sflag:s7] =	ssyncadd.s32 $0xFFFFC000  }
0x77: {  	[hbm4b:s22+s20] =	stream.linear.scatter [tilespmem:s11], [sflag:$0x6], $0x4000, $0x38;
	[tilespmem:$0x18A00] =	vst v63  }
0x78: {  	_ =	swait.ge [sflag:s19], $0x4000  }
0x79: {  	[sflag:s19] =	ssyncset.done $0x0  }
0x7a: {  	s25 =	simm.s32 $0x900;
	[sflag:s19] =	ssyncadd.s32 $0xFFFFC000  }
0x7b: {  	[tilespmem:s11], [sflag:$0x5] =	stream.indirect.gather [hbm4b:s24+s28], $0x80, s25, s28, $0xb8;
	[tilespmem:$0x18A00] =	vst v63  }
0x7c: {  	s31 =	simm.s32 $0x10;
	_ =	swait.ge [sflag:s8], $0x8000  }
0x7d: {  	s0 =	simm.s32 $0xB00;
	s1 =	sadd.s32 $0x0, s9;
	[sflag:s8] =	ssyncset.done $0x0  }
0x7e: {  	s20 =	simm.s32 $0xBA00;
	[sflag:s8] =	ssyncadd.s32 $0xFFFF8000;
	s8 =	simm.s32 $0x9A00  }
.LBB2_6:
0x7f: {  	[hbm4b:s1+s2] =	stream.linear.scatter [tilespmem:s30], [sflag:$0x6], $0x80, $0x38;
	[tilespmem:$0x18A00] =	vst v63  }
0x80: {  	s1 =	smov.u32 s31;
	s30 =	smov.u32 s0;
	p0 =	sne.s32 s31, $0x7F0  }
.Ltmp2:
0x81: {  	s31 =	sadd.s32 $0x10, s31;
	(pc) =	sbr.rel @p0 .LBB2_6-.Ltmp2, $2  }
0x82: {  	_ =	sdelay $0x2  }
0x83: {  	s0 =	sadd.s32 $0x100, s0;
	s1 =	sadd.s32 s1, s9  }
0x84: {  	[hbm4b:s1+s2] =	stream.linear.scatter [tilespmem:s30], [sflag:$0x6], $0x80, $0x38;
	[tilespmem:$0x18A00] =	vst v63  }
0x85: {  	s30 =	simm.s32 $0xA80;
	_ =	swait.ge [sflag:s19], $0x4000  }
0x86: {  	s31 =	simm.s32 $0x10;
	s1 =	sadd.s32 $0x0, s10;
	[sflag:s19] =	ssyncset.done $0x0  }
0x87: {  	s0 =	simm.s32 $0xB80;
	s22 =	simm.s32 $0xEA00;
	[sflag:s19] =	ssyncadd.s32 $0xFFFFC000  }
.LBB2_8:
0x88: {  	[hbm4b:s1+s2] =	stream.linear.scatter [tilespmem:s30], [sflag:$0x6], $0x80, $0x38;
	[tilespmem:$0x18A00] =	vst v63  }
0x89: {  	s1 =	smov.u32 s31;
	s30 =	smov.u32 s0;
	p0 =	sne.s32 s31, $0x7F0  }
.Ltmp3:
0x8a: {  	s31 =	sadd.s32 $0x10, s31;
	(pc) =	sbr.rel @p0 .LBB2_8-.Ltmp3, $2  }
0x8b: {  	_ =	sdelay $0x2  }
0x8c: {  	s0 =	sadd.s32 $0x100, s0;
	s1 =	sadd.s32 s1, s10  }
0x8d: {  	[hbm4b:s1+s2] =	stream.linear.scatter [tilespmem:s30], [sflag:$0x6], $0x80, $0x38;
	[tilespmem:$0x18A00] =	vst v63  }
0x8e: {  	_ =	swait.ge [sflag:s19], $0x4000  }
0x8f: {  	s30 =	simm.s32 $0xA00;
	[sflag:s19] =	ssyncset.done $0x0  }
0x90: {  	s0 =	simm.s32 $0x100;
	s1 =	simm.s32 $0x2;
	[sflag:s19] =	ssyncadd.s32 $0xFFFFC000  }
0x91: {  	[tilespmem:s30], [sflag:$0x1] =	stream.indirect.gather [hbm4b:s3+s28], $0x100, s0, s28, $0xb8;
	[tilespmem:$0x18A00] =	vst v63  }
0x92: {  	_ =	swait.ge [sflag:s1], $0x1000  }
0x93: {  	[sflag:s1] =	ssyncset.done $0x0  }
0x94: {  	s25 =	rddreg [dreg:$0x5];
	[sflag:s1] =	ssyncadd.s32 $0xFFFFF000;
	s1 =	simm.s32 $0x20  }
0x95: {  	[hbm4b:s25+s1] =	stream.strided.scatter [tilespmem:s8], [sflag:$0x6], $0x1000, s28, s1, $0x38;
	[tilespmem:$0x18A00] =	vst v63  }
0x96: {  	_ =	swait.ge [sflag:s19], $0x1000  }
0x97: {  	[sflag:s19] =	ssyncset.done $0x0  }
0x98: {  	s25 =	simm.s32 $0x380;
	[sflag:s19] =	ssyncadd.s32 $0xFFFFF000  }
0x99: {  	[tilespmem:s8], [sflag:$0x2] =	stream.indirect.gather [hbm4b:s23+s28], $0x20, s25, s28, $0xb8;
	[tilespmem:$0x18A00] =	vst v63  }
0x9a: {  	_ =	swait.ge [sflag:s26], $0x1000  }
0x9b: {  	[sflag:s26] =	ssyncset.done $0x0  }
0x9c: {  	s25 =	rddreg [dreg:$0x13];
	[sflag:s26] =	ssyncadd.s32 $0xFFFFF000  }
0x9d: {  	[hbm4b:s25+s1] =	stream.strided.scatter [tilespmem:s20], [sflag:$0x6], $0x1000, s28, s1, $0x38;
	[tilespmem:$0x18A00] =	vst v63  }
0x9e: {  	_ =	swait.ge [sflag:s19], $0x1000  }
0x9f: {  	[sflag:s19] =	ssyncset.done $0x0  }
0xa0: {  	s25 =	simm.s32 $0x580;
	[sflag:s19] =	ssyncadd.s32 $0xFFFFF000  }
0xa1: {  	[tilespmem:s20], [sflag:$0x3] =	stream.indirect.gather [hbm4b:s4+s28], $0x20, s25, s28, $0xb8;
	[tilespmem:$0x18A00] =	vst v63  }
0xa2: {  	_ =	swait.ge [sflag:s15], $0x2000  }
0xa3: {  	[sflag:s15] =	ssyncset.done $0x0  }
0xa4: {  	s25 =	simm.s32 $0x40;
	s1 =	rddreg [dreg:$0x14];
	[sflag:s15] =	ssyncadd.s32 $0xFFFFE000  }
0xa5: {  	[hbm4b:s1+s25] =	stream.strided.scatter [tilespmem:s22], [sflag:$0x6], $0x2000, s28, s25, $0x38;
	[tilespmem:$0x18A00] =	vst v63  }
0xa6: {  	_ =	swait.ge [sflag:s19], $0x2000  }
0xa7: {  	[sflag:s19] =	ssyncset.done $0x0  }
0xa8: {  	s25 =	simm.s32 $0x780;
	[sflag:s19] =	ssyncadd.s32 $0xFFFFE000  }
0xa9: {  	[tilespmem:s22], [sflag:$0x4] =	stream.indirect.gather [hbm4b:s21+s28], $0x40, s25, s28, $0xb8;
	[tilespmem:$0x18A00] =	vst v63  }
0xaa: {  	_ =	swait.ge [sflag:s7], $0x4000  }
0xab: {  	s0 =	simm.s32 $0x0;
	[sflag:s7] =	ssyncset.done $0x0  }
0xac: {  	s25 =	simm.s32 $0x14A00;
	s1 =	rddreg [dreg:$0x6];
	[sflag:s7] =	ssyncadd.s32 $0xFFFFC000  }
0xad: {  	[hbm4b:s1+s0] =	stream.linear.scatter [tilespmem:s25], [sflag:$0x6], $0x4000, $0x38;
	[tilespmem:$0x18A00] =	vst v63  }
0xae: {  	_ =	swait.ge [sflag:s19], $0x4000  }
0xaf: {  	[sflag:s19] =	ssyncset.done $0x0  }
0xb0: {  	s1 =	simm.s32 $0x980;
	[sflag:s19] =	ssyncadd.s32 $0xFFFFC000  }
0xb1: {  	[tilespmem:s25], [sflag:$0x5] =	stream.indirect.gather [hbm4b:s24+s28], $0x80, s1, s28, $0xb8;
	[tilespmem:$0x18A00] =	vst v63  }
0xb2: {  	s25 =	simm.s32 $0x1  }
0xb3: {  	_ =	swait.ge [sflag:s25], $0x8000  }
0xb4: {  	s31 =	simm.s32 $0x10;
	[sflag:s25] =	ssyncset.done $0x0  }
0xb5: {  	s0 =	simm.s32 $0xB00;
	s1 =	sadd.s32 $0x0, s13;
	[sflag:s25] =	ssyncadd.s32 $0xFFFF8000  }
.LBB2_10:
0xb6: {  	[hbm4b:s1+s2] =	stream.linear.scatter [tilespmem:s30], [sflag:$0x6], $0x80, $0x38;
	[tilespmem:$0x18A00] =	vst v63  }
0xb7: {  	s1 =	smov.u32 s31;
	s30 =	smov.u32 s0;
	p0 =	sne.s32 s31, $0x7F0  }
.Ltmp4:
0xb8: {  	s31 =	sadd.s32 $0x10, s31;
	(pc) =	sbr.rel @p0 .LBB2_10-.Ltmp4, $2  }
0xb9: {  	_ =	sdelay $0x2  }
0xba: {  	s0 =	sadd.s32 $0x100, s0;
	s1 =	sadd.s32 s1, s13  }
0xbb: {  	[hbm4b:s1+s2] =	stream.linear.scatter [tilespmem:s30], [sflag:$0x6], $0x80, $0x38;
	[tilespmem:$0x18A00] =	vst v63  }
0xbc: {  	_ =	swait.ge [sflag:s19], $0x4000  }
0xbd: {  	s30 =	simm.s32 $0xA80;
	s31 =	simm.s32 $0x10;
	[sflag:s19] =	ssyncset.done $0x0  }
0xbe: {  	s1 =	sadd.s32 $0x0, s14;
	s0 =	simm.s32 $0xB80;
	[sflag:s19] =	ssyncadd.s32 $0xFFFFC000  }
.LBB2_12:
0xbf: {  	[hbm4b:s1+s2] =	stream.linear.scatter [tilespmem:s30], [sflag:$0x6], $0x80, $0x38;
	[tilespmem:$0x18A00] =	vst v63  }
0xc0: {  	s1 =	smov.u32 s31;
	s30 =	smov.u32 s0;
	p0 =	sne.s32 s31, $0x7F0  }
.Ltmp5:
0xc1: {  	s31 =	sadd.s32 $0x10, s31;
	(pc) =	sbr.rel @p0 .LBB2_12-.Ltmp5, $2  }
0xc2: {  	_ =	sdelay $0x2  }
0xc3: {  	s0 =	sadd.s32 $0x100, s0;
	s1 =	sadd.s32 s1, s14  }
0xc4: {  	[hbm4b:s1+s2] =	stream.linear.scatter [tilespmem:s30], [sflag:$0x6], $0x80, $0x38;
	[tilespmem:$0x18A00] =	vst v63  }
0xc5: {  	_ =	swait.ge [sflag:s19], $0x4000  }
0xc6: {  	s30 =	simm.s32 $0xA00;
	[sflag:s19] =	ssyncset.done $0x0  }
0xc7: {  	s0 =	simm.s32 $0x180;
	s1 =	simm.s32 $0x2;
	[sflag:s19] =	ssyncadd.s32 $0xFFFFC000  }
0xc8: {  	[tilespmem:s30], [sflag:$0x1] =	stream.indirect.gather [hbm4b:s3+s28], $0x100, s0, s28, $0xb8;
	[tilespmem:$0x18A00] =	vst v63  }
0xc9: {  	_ =	swait.ge [sflag:s1], $0x1000  }
0xca: {  	s31 =	simm.s32 $0x20;
	[sflag:s1] =	ssyncset.done $0x0  }
0xcb: {  	s0 =	rddreg [dreg:$0x7];
	[sflag:s1] =	ssyncadd.s32 $0xFFFFF000;
	s1 =	simm.s32 $0x8A00  }
0xcc: {  	[hbm4b:s0+s31] =	stream.strided.scatter [tilespmem:s1], [sflag:$0x6], $0x1000, s28, s31, $0x38;
	[tilespmem:$0x18A00] =	vst v63  }
0xcd: {  	_ =	swait.ge [sflag:s19], $0x1000  }
0xce: {  	[sflag:s19] =	ssyncset.done $0x0  }
0xcf: {  	[sflag:s19] =	ssyncadd.s32 $0xFFFFF000  }
0xd0: {  	_ =	swait.ge [sflag:s26], $0x1000  }
0xd1: {  	[sflag:s26] =	ssyncset.done $0x0  }
0xd2: {  	s1 =	rddreg [dreg:$0x15];
	[sflag:s26] =	ssyncadd.s32 $0xFFFFF000  }
0xd3: {  	[hbm4b:s1+s31] =	stream.strided.scatter [tilespmem:s16], [sflag:$0x6], $0x1000, s28, s31, $0x38;
	[tilespmem:$0x18A00] =	vst v63  }
0xd4: {  	_ =	swait.ge [sflag:s19], $0x1000  }
0xd5: {  	[sflag:s19] =	ssyncset.done $0x0  }
0xd6: {  	[sflag:s19] =	ssyncadd.s32 $0xFFFFF000  }
0xd7: {  	_ =	swait.ge [sflag:s15], $0x2000  }
0xd8: {  	[sflag:s15] =	ssyncset.done $0x0  }
0xd9: {  	s16 =	simm.s32 $0x40;
	s1 =	rddreg [dreg:$0x16];
	[sflag:s15] =	ssyncadd.s32 $0xFFFFE000  }
0xda: {  	[hbm4b:s1+s16] =	stream.strided.scatter [tilespmem:s12], [sflag:$0x6], $0x2000, s28, s16, $0x38;
	[tilespmem:$0x18A00] =	vst v63  }
0xdb: {  	_ =	swait.ge [sflag:s19], $0x2000  }
0xdc: {  	[sflag:s19] =	ssyncset.done $0x0  }
0xdd: {  	[sflag:s19] =	ssyncadd.s32 $0xFFFFE000  }
0xde: {  	_ =	swait.ge [sflag:s7], $0x4000  }
0xdf: {  	[sflag:s7] =	ssyncset.done $0x0  }
0xe0: {  	s12 =	simm.s32 $0x0;
	s16 =	rddreg [dreg:$0x8];
	[sflag:s7] =	ssyncadd.s32 $0xFFFFC000  }
0xe1: {  	[hbm4b:s16+s12] =	stream.linear.scatter [tilespmem:s11], [sflag:$0x6], $0x4000, $0x38;
	[tilespmem:$0x18A00] =	vst v63  }
0xe2: {  	_ =	swait.ge [sflag:s19], $0x4000  }
0xe3: {  	[sflag:s19] =	ssyncset.done $0x0  }
0xe4: {  	[sflag:s19] =	ssyncadd.s32 $0xFFFFC000  }
0xe5: {  	_ =	swait.ge [sflag:s25], $0x8000  }
0xe6: {  	s0 =	simm.s32 $0xB00;
	[sflag:s25] =	ssyncset.done $0x0  }
0xe7: {  	s31 =	simm.s32 $0x10;
	s1 =	sadd.s32 $0x0, s17;
	[sflag:s25] =	ssyncadd.s32 $0xFFFF8000  }
.LBB2_14:
0xe8: {  	[hbm4b:s1+s2] =	stream.linear.scatter [tilespmem:s30], [sflag:$0x6], $0x80, $0x38;
	[tilespmem:$0x18A00] =	vst v63  }
0xe9: {  	s1 =	smov.u32 s31;
	s30 =	smov.u32 s0;
	p0 =	sne.s32 s31, $0x7F0  }
.Ltmp6:
0xea: {  	s31 =	sadd.s32 $0x10, s31;
	(pc) =	sbr.rel @p0 .LBB2_14-.Ltmp6, $2  }
0xeb: {  	_ =	sdelay $0x2  }
0xec: {  	s0 =	sadd.s32 $0x100, s0;
	s1 =	sadd.s32 s1, s17  }
0xed: {  	[hbm4b:s1+s2] =	stream.linear.scatter [tilespmem:s30], [sflag:$0x6], $0x80, $0x38;
	[tilespmem:$0x18A00] =	vst v63  }
0xee: {  	_ =	swait.ge [sflag:s19], $0x4000  }
0xef: {  	s30 =	simm.s32 $0xA80;
	s31 =	simm.s32 $0x10;
	[sflag:s19] =	ssyncset.done $0x0  }
0xf0: {  	s1 =	sadd.s32 $0x0, s18;
	s0 =	simm.s32 $0xB80;
	[sflag:s19] =	ssyncadd.s32 $0xFFFFC000  }
.LBB2_16:
0xf1: {  	[hbm4b:s1+s2] =	stream.linear.scatter [tilespmem:s30], [sflag:$0x6], $0x80, $0x38;
	[tilespmem:$0x18A00] =	vst v63  }
0xf2: {  	s1 =	smov.u32 s31;
	s30 =	smov.u32 s0;
	p0 =	sne.s32 s31, $0x7F0  }
.Ltmp7:
0xf3: {  	s31 =	sadd.s32 $0x10, s31;
	(pc) =	sbr.rel @p0 .LBB2_16-.Ltmp7, $2  }
0xf4: {  	_ =	sdelay $0x2  }
0xf5: {  	s0 =	sadd.s32 $0x100, s0;
	s1 =	sadd.s32 s1, s18  }
0xf6: {  	[hbm4b:s1+s2] =	stream.linear.scatter [tilespmem:s30], [sflag:$0x6], $0x80, $0x38;
	[tilespmem:$0x18A00] =	vst v63  }
0xf7: {  	_ =	swait.ge [sflag:s19], $0x4000  }
0xf8: {  	[sflag:s19] =	ssyncset.done $0x0  }
0xf9: {  	s0 =	simm.s32 $0x2;
	[sflag:s19] =	ssyncadd.s32 $0xFFFFC000  }
0xfa: {  	_ =	swait.ge [sflag:s0], $0x1000  }
0xfb: {  	[sflag:s0] =	ssyncset.done $0x0  }
0xfc: {  	s11 =	simm.s32 $0x20;
	s1 =	rddreg [dreg:$0x9];
	[sflag:s0] =	ssyncadd.s32 $0xFFFFF000  }
0xfd: {  	[hbm4b:s1+s11] =	stream.strided.scatter [tilespmem:s8], [sflag:$0x6], $0x1000, s28, s11, $0x38;
	[tilespmem:$0x18A00] =	vst v63  }
0xfe: {  	_ =	swait.ge [sflag:s19], $0x1000  }
0xff: {  	[sflag:s19] =	ssyncset.done $0x0  }
0x100: {  	[sflag:s19] =	ssyncadd.s32 $0xFFFFF000  }
0x101: {  	_ =	swait.ge [sflag:s26], $0x1000  }
0x102: {  	[sflag:s26] =	ssyncset.done $0x0  }
0x103: {  	s12 =	rddreg [dreg:$0x17];
	[sflag:s26] =	ssyncadd.s32 $0xFFFFF000  }
0x104: {  	[hbm4b:s12+s11] =	stream.strided.scatter [tilespmem:s20], [sflag:$0x6], $0x1000, s28, s11, $0x38;
	[tilespmem:$0x18A00] =	vst v63  }
0x105: {  	_ =	swait.ge [sflag:s19], $0x1000  }
0x106: {  	[sflag:s19] =	ssyncset.done $0x0  }
0x107: {  	[sflag:s19] =	ssyncadd.s32 $0xFFFFF000  }
0x108: {  	_ =	swait.ge [sflag:s15], $0x2000  }
0x109: {  	[sflag:s15] =	ssyncset.done $0x0  }
0x10a: {  	s20 =	simm.s32 $0x40;
	s16 =	rddreg [dreg:$0x18];
	[sflag:s15] =	ssyncadd.s32 $0xFFFFE000  }
0x10b: {  	[hbm4b:s16+s20] =	stream.strided.scatter [tilespmem:s22], [sflag:$0x6], $0x2000, s28, s20, $0x38;
	[tilespmem:$0x18A00] =	vst v63  }
0x10c: {  	_ =	swait.ge [sflag:s19], $0x2000  }
0x10d: {  	[sflag:s19] =	ssyncset.done $0x0  }
0x10e: {  	[sflag:s19] =	ssyncadd.s32 $0xFFFFE000  }
0x10f: {  	_ =	swait.ge [sflag:s7], $0x4000  }
0x110: {  	[sflag:s7] =	ssyncset.done $0x0  }
0x111: {  	s30 =	simm.s32 $0x14A00;
	s25 =	rddreg [dreg:$0xa];
	[sflag:s7] =	ssyncadd.s32 $0xFFFFC000  }
0x112: {  	[hbm4b:s25+s2] =	stream.linear.scatter [tilespmem:s30], [sflag:$0x6], $0x4000, $0x38;
	[tilespmem:$0x18A00] =	vst v63  }
0x113: {  	_ =	swait.ge [sflag:s19], $0x4000  }
0x114: {  	s29 =	sadd.s32 $0x1, s29;
	s31 =	rddreg [dreg:$0x10]  }
0x115: {  	p0 =	sne.s32 s29, s31  }
.Ltmp8:
0x116: {  	_ = 	snop;
	(pc) =	sbr.rel @p0 .LBB2_1-.Ltmp8, $3  }
0x117: {  	_ =	sdelay $0x1  }
0x118: {  	[sflag:s19] =	ssyncset.done $0x0  }
0x119: {  	[sflag:s19] =	ssyncadd.s32 $0xFFFFC000  }
0x11a: {  	_ =	sfence.sel $0x180000  }
0x11b: {  	[bflag:$0x0] =	sbarrier.arrive $0xFFFF  }
0x11c: {  	_ =	strace $0x90000047  }
0x11d: {  	s0 =	stileid.u32;
	[bflag:$0x2] =	sbarrier.arrive $0xFFFF  }
0x11e: {  	p0 =	sne.s32 s0, $0x0;
	s0 =	rddreg [dreg:$0x2]  }
0x11f: {  	s0 =	sadd.s32 @!p0 $0x100000, s0  }
0x120: {  	[sflag:s0] =	ssyncadd.tile.s32 @!p0 $0x1;
	_ =	shalt  }
.Lfunc_end2:
_tile_overlayer_lowered:
.L_overlay_start_2:
0x121: {  	(tag) =	ssettag $0x2  }
0x122: {  	s0 =	rddreg [dreg:$0x0];
	s2 =	stileid.u32  }
0x123: {  	s1 =	rddreg [dreg:$0x1];
	p0 =	sne.s32 s2, $0x0  }
0x124: {  	s3 =	rddreg [dreg:$0x2];
	[bflag:$0x3] =	sbarrier.arrive $0xFFFF;
	s2 =	simm.s32 @!p0 $0x1C06  }
0x125: {  	[timem:s3], [sflag:s2] =	dma.local @!p0 [hbm:s0], s1  }
0x126: {  	s0 =	simm.s32 @!p0 $0x6  }
0x127: {  	_ =	swait.ge @!p0 [sflag:s0], s1  }
0x128: {  	s1 =	ssub.s32 @!p0 $0x0, s1;
	[sflag:s0] =	ssyncset.done @!p0 $0x0  }
0x129: {  	[sflag:s0] =	ssyncadd.s32 @!p0 s1  }
0x12a: {  	[bflag:$0x3] =	sbarrier.arrive $0xFFFF  }
0x12b: {  	_ =	shalt  }

</sc_bundles>
